<compile_context>
chip_gen: v7x
topology: tpu7x:2x2x1
jax: 0.10.2.dev20260603
libtpu: 0.0.44.dev20260713+nightly
codegen_flags: <defaults>
</compile_context>

<pallas_src>
import functools

import jax
import jax.numpy as jnp
from jax import lax
from jax.experimental import pallas as pl
from jax.experimental.pallas import tpu as pltpu
from jax.experimental.pallas import tpu_sc as plsc

LANES = 128
NWORK = 32
NCORES = 2



def _matvec_body(x_ref, w_ref, b_ref, o_ref):
    o_ref[...] = (
        jnp.dot(x_ref[...], w_ref[...], preferred_element_type=jnp.float32)
        + b_ref[0]
    )


def _matvec(x, W, b, nb):
    n, p = x.shape
    grid = n // nb
    return pl.pallas_call(
        _matvec_body,
        grid=(grid,),
        in_specs=[
            pl.BlockSpec((nb, p), lambda i: (i, 0)),
            pl.BlockSpec((p, 1), lambda i: (0, 0)),
            pl.BlockSpec(memory_space=pltpu.SMEM),
        ],
        out_specs=pl.BlockSpec((nb, 1), lambda i: (i, 0)),
        out_shape=jax.ShapeDtypeStruct((n, 1), jnp.float32),
    )(x, W, b)



def _make_sc_gather(rows, rows_w, n_tab):
    n_flat = rows * LANES
    chunk = rows_w * LANES
    nvec = chunk // 16
    mesh = plsc.VectorSubcoreMesh(core_axis_name="c", subcore_axis_name="s")

    @functools.partial(
        pl.kernel,
        mesh=mesh,
        out_type=[jax.ShapeDtypeStruct((n_flat,), jnp.float32)] * 4,
        scratch_types=[
            pltpu.VMEM((chunk,), jnp.int32),
            pltpu.VMEM((n_tab,), jnp.float32),
            pltpu.VMEM((chunk,), jnp.float32),
            pltpu.SemaphoreType.DMA,
        ],
        compiler_params=pltpu.CompilerParams(needs_layout_passes=False),
    )
    def gather(idx_hbm, t0, t1, t2, t3, o0, o1, o2, o3,
               idx_v, tab_v, out_v, sem):
        c = lax.axis_index("c")
        s = lax.axis_index("s")
        wid = s * NCORES + c
        base = wid * chunk
        pltpu.sync_copy(idx_hbm.at[pl.ds(base, chunk)], idx_v)
        for tab, out in ((t0, o0), (t1, o1), (t2, o2), (t3, o3)):
            pltpu.sync_copy(tab, tab_v)

            def body(j, carry):
                iv = idx_v[pl.ds(j * 16, 16)]
                out_v[pl.ds(j * 16, 16)] = plsc.load_gather(tab_v, [iv])
                return carry

            lax.fori_loop(0, nvec, body, 0, unroll=8)
            pltpu.sync_copy(out_v, out.at[pl.ds(base, chunk)])

    return gather



SUB = 16


def _make_solve_body(k):
    def body(theta_ref, px_ref, py_ref, yv_ref, ov_ref,
             gx_ref, gy_ref, gyv_ref, go_ref, yd_ref, od_ref):
        sig = theta_ref[0]
        phi = theta_ref[1]
        tau = theta_ref[2]
        eps = 1e-12

        px = px_ref[...]
        py = py_ref[...]
        nx = gx_ref[...]
        ny = gy_ref[...]

        dxe = px[None] - nx
        dye = py[None] - ny
        cvec = sig * jnp.exp(-phi * jnp.sqrt(dxe * dxe + dye * dye + eps))

        dx = nx[:, None] - nx[None, :]
        dy = ny[:, None] - ny[None, :]
        amat = sig * jnp.exp(-phi * jnp.sqrt(dx * dx + dy * dy + eps))
        rid = lax.broadcasted_iota(jnp.int32, (k, k, 1, 1), 0)
        cid = lax.broadcasted_iota(jnp.int32, (k, k, 1, 1), 1)
        amat = jnp.where(rid == cid, amat + tau * sig, amat)

        sub = amat
        bact = cvec
        pivrows, pivrecips, bpivs = [], [], []
        for kk in range(k):
            pivrow = sub[0]
            r = 1.0 / pivrow[0]
            pivrows.append(pivrow)
            pivrecips.append(r)
            bpivs.append(bact[0])
            if kk == k - 1:
                break
            f = sub[1:, 0] * r[None]
            sub = sub[1:, 1:] - f[:, None] * pivrow[None, 1:]
            bact = bact[1:] - f * bact[0][None]
        xs = [None] * k
        for j in reversed(range(k)):
            acc = bpivs[j]
            pr = pivrows[j]
            for m in range(j + 1, k):
                acc = acc - pr[m - j] * xs[m]
            xs[j] = acc * pivrecips[j]
        bsol = jnp.stack(xs, axis=0)

        fvar = sig + tau - jnp.sum(bsol * cvec, axis=0)
        rf = lax.rsqrt(fvar)
        yd_ref[...] = (yv_ref[...] - jnp.sum(gyv_ref[...] * bsol, axis=0)) * rf
        od_ref[...] = (ov_ref[...] - jnp.sum(go_ref[...] * bsol, axis=0)) * rf

    return body


def _solve(theta, pxp, pyp, yp, op, gx, gy, gyv, go, k, n_pad, interpret=False):
    srows = n_pad // LANES
    grid = srows // SUB
    vec_spec = pl.BlockSpec((SUB, LANES), lambda i: (i, 0))
    nbr_spec = pl.BlockSpec((k, SUB, LANES), lambda i: (0, i, 0))
    return pl.pallas_call(
        _make_solve_body(k),
        grid=(grid,),
        in_specs=[
            pl.BlockSpec(memory_space=pltpu.SMEM),
            vec_spec, vec_spec, vec_spec, vec_spec,
            nbr_spec, nbr_spec, nbr_spec, nbr_spec,
        ],
        out_specs=[vec_spec, vec_spec],
        out_shape=[jax.ShapeDtypeStruct((srows, LANES), jnp.float32)] * 2,
        interpret=interpret,
    )(theta, pxp, pyp, yp, op, gx, gy, gyv, go)



def kernel(pos, edge_index, edge_attr, x, y, W, b, theta):
    n = pos.shape[0]
    e = edge_index.shape[1]
    k = e // n

    nhalf = 2
    align = (LANES * NWORK * 8 * nhalf) // k
    n_pad = ((n + align - 1) // align) * align
    half = n_pad // nhalf
    rows_h = (k * half) // LANES
    rows_w = rows_h // NWORK

    o = _matvec(x, W, b, 5000).reshape(n)

    src = edge_index[0].astype(jnp.int32).reshape(n, k)
    idx_t = jnp.pad(src.T, ((0, 0), (0, n_pad - n)))

    px = pos[:, 0]
    py = pos[:, 1]

    srows = n_pad // LANES
    sr_h = srows // nhalf
    pad1 = lambda v: jnp.pad(v, (0, n_pad - n)).reshape(srows, LANES)
    pxp, pyp, yp, op = pad1(px), pad1(py), pad1(y), pad1(o)

    sc_gather = _make_sc_gather(rows_h, rows_w, n)
    yds, ods = [], []
    for h in range(nhalf):
        idx_h = idx_t[:, h * half:(h + 1) * half].reshape(rows_h * LANES)
        g = sc_gather(idx_h, px, py, y, o)
        g = [a.reshape(k, sr_h, LANES) for a in g]
        sl = lambda v: v[h * sr_h:(h + 1) * sr_h]
        yd, od = _solve(theta, sl(pxp), sl(pyp), sl(yp), sl(op),
                        *g, k, half)
        yds.append(yd)
        ods.append(od)
    yd = jnp.concatenate(yds, axis=0)
    od = jnp.concatenate(ods, axis=0)
    return (yd.reshape(n_pad)[:n], od.reshape(n_pad)[:n], o)

# --- scband reference (transcript-rebuilt; emitter-appended) ---
"""Pipeline reference for scband-nngls-26757646254418 (READ-ONLY COPY).

The authoritative reference and input builder live on the scoring server;
editing this copy changes nothing except your own understanding.
"""

import jax, jax.numpy as jnp
import numpy as np

N = 50000
K = 16
P = 128
E = N * K

def setup_inputs(seed: int = 0):
    key = jax.random.key(seed)
    k1, k2, k3, k4, k5 = jax.random.split(key, 5)
    pos = jax.random.uniform(k1, (N, 2), dtype=jnp.float32) * 100.0
    src = jax.random.randint(k2, (N, K), 0, N).reshape(-1)
    dst = jnp.repeat(jnp.arange(N), K)
    edge_index = jnp.stack([src, dst], axis=0)
    edge_attr = jnp.tile(jnp.arange(K), N).reshape(-1, 1)
    x = jax.random.normal(k3, (N, P), dtype=jnp.float32)
    y = jax.random.normal(k4, (N,), dtype=jnp.float32)
    W = jax.random.normal(k5, (P, 1), dtype=jnp.float32) * 0.02
    b = jnp.zeros((1,), dtype=jnp.float32)
    theta = jnp.array([1.0, 3.0, 0.1], dtype=jnp.float32)
    return {"pos": pos, "edge_index": edge_index, "edge_attr": edge_attr, "x": x, "y": y, "W": W, "b": b, "theta": theta}

def reference(pos, edge_index, edge_attr, x, y, W, b, theta):
    src = edge_index[0]
    dst = edge_index[1]
    attr = edge_attr.reshape(-1)
    sigma_sq = theta[0]
    phi = theta[1]
    tau = theta[2]
    eps = 1e-12
    # CovarianceVectorConv: per-edge covariance scattered into (dst, neighbor-slot)
    d_edge = jnp.sqrt(jnp.sum((pos[dst] - pos[src]) ** 2, axis=-1) + eps)
    cov_edge = sigma_sq * jnp.exp(-phi * d_edge)
    Cov_i_Ni = jnp.zeros((N, K), dtype=pos.dtype).at[dst, attr].add(cov_edge)
    # GatherNeighborPositionsConv: scatter src positions into per-node neighbor slots
    nbr_pos = jnp.zeros((N, K, 2), dtype=pos.dtype).at[dst, attr].add(pos[src])
    # InverseCovMatrixFromPositions: per-node KxK covariance (edge_list covers all K slots
    # since each node has exactly K incoming edges with attrs 0..K-1, so cov_final == cov)
    diff = nbr_pos[:, None, :, :] - nbr_pos[:, :, None, :]
    dists = jnp.sqrt(jnp.sum(diff ** 2, axis=-1) + eps)
    cov = sigma_sq * jnp.exp(-phi * dists) + tau * sigma_sq * jnp.eye(K, dtype=pos.dtype)
    Inv = jnp.linalg.inv(cov)
    B = jnp.squeeze(jnp.matmul(Inv, Cov_i_Ni[:, :, None]), -1)
    F = sigma_sq + tau - jnp.sum(B * Cov_i_Ni, axis=1)
    # GatherNeighborInfoConv on y
    y_nbr = jnp.zeros((N, K), dtype=pos.dtype).at[dst, attr].add(y[src])
    y_decor = (y - jnp.sum(y_nbr * B, axis=1)) / jnp.sqrt(F)
    # mlp (Linear(P,1)) then GatherNeighborInfoConv on o
    o = jnp.squeeze(x @ W + b, -1)
    o_nbr = jnp.zeros((N, K), dtype=pos.dtype).at[dst, attr].add(o[src])
    o_decor = (o - jnp.sum(o_nbr * B, axis=1)) / jnp.sqrt(F)
    return (y_decor, o_decor, o)

if __name__ == "__main__":
    import jax
    _d = setup_inputs()
    print(jax.jit(kernel)(*tuple(_d.values())))

</pallas_src>

<mosaic_0001>
#map = affine_map<(d0, d1) -> (0)>
module attributes {stable_mosaic.version = 14 : i64} {
  func.func @gather(%arg0: i32, %arg1: i32, %arg2: memref<425984xi32, #tpu.memory_space<hbm>>, %arg3: memref<50000xf32, #tpu.memory_space<hbm>>, %arg4: memref<50000xf32, #tpu.memory_space<hbm>>, %arg5: memref<50000xf32, #tpu.memory_space<hbm>>, %arg6: memref<50000xf32, #tpu.memory_space<hbm>>, %arg7: memref<425984xf32, #tpu.memory_space<hbm>>, %arg8: memref<425984xf32, #tpu.memory_space<hbm>>, %arg9: memref<425984xf32, #tpu.memory_space<hbm>>, %arg10: memref<425984xf32, #tpu.memory_space<hbm>>, %arg11: memref<13312xi32, #tpu.memory_space<vmem>>, %arg12: memref<50000xf32, #tpu.memory_space<vmem>>, %arg13: memref<13312xf32, #tpu.memory_space<vmem>>, %arg14: memref<!tpu.dma_semaphore, #tpu.memory_space<semaphore_mem>>) attributes {dimension_semantics = [#tpu.dimension_semantics<core_parallel>, #tpu.dimension_semantics<subcore_parallel>], iteration_bounds = array<i64: 2, 16>, scalar_prefetch = 0 : i64, scratch_operands = 4 : i64, tpu.core_type = #tpu.core_type<sc_vector_subcore>, window_params = [{transform_indices = #map}, {transform_indices = #map}, {transform_indices = #map}, {transform_indices = #map}, {transform_indices = #map}, {transform_indices = #map}, {transform_indices = #map}, {transform_indices = #map}, {transform_indices = #map}]} {
    %mul3A = arith.constant 2 : i32
    %mul3A_0 = arith.muli %arg1, %mul3A : i32
    %add3A = arith.addi %mul3A_0, %arg0 : i32
    %mul3A_1 = arith.constant 13312 : i32
    %mul3A_2 = arith.muli %add3A, %mul3A_1 : i32
    "tpu.region"() ({
      %run_scoped3A = tpu.sem_alloc : memref<!tpu.dma_semaphore, #tpu.memory_space<semaphore_mem>>
      %dma_start3A = tpu.memref_slice %arg2[%mul3A_2] : memref<425984xi32, #tpu.memory_space<hbm>> -> memref<13312xi32, #tpu.memory_space<hbm>>
      %dma_start3A_26 = tpu.memref_slice %arg2[%mul3A_2] : memref<425984xi32, #tpu.memory_space<hbm>> -> memref<13312xi32, #tpu.memory_space<hbm>>
      tpu.enqueue_dma source(%dma_start3A_26 : memref<13312xi32, #tpu.memory_space<hbm>>) target(%arg11 : memref<13312xi32, #tpu.memory_space<vmem>>) target_semaphore(%run_scoped3A : memref<!tpu.dma_semaphore, #tpu.memory_space<semaphore_mem>>)
      %dma_wait3A = tpu.memref_slice %arg2[%mul3A_2] : memref<425984xi32, #tpu.memory_space<hbm>> -> memref<13312xi32, #tpu.memory_space<hbm>>
      %dma_wait3A_27 = tpu.memref_slice %arg2[%mul3A_2] : memref<425984xi32, #tpu.memory_space<hbm>> -> memref<13312xi32, #tpu.memory_space<hbm>>
      tpu.wait_dma2 semaphore(%run_scoped3A : memref<!tpu.dma_semaphore, #tpu.memory_space<semaphore_mem>>) src(%dma_wait3A_27 : memref<13312xi32, #tpu.memory_space<hbm>>) dst(%arg11 : memref<13312xi32, #tpu.memory_space<vmem>>)
      tpu.yield
    }) : () -> ()
    "tpu.region"() ({
      %run_scoped3A = tpu.sem_alloc : memref<!tpu.dma_semaphore, #tpu.memory_space<semaphore_mem>>
      tpu.enqueue_dma source(%arg3 : memref<50000xf32, #tpu.memory_space<hbm>>) target(%arg12 : memref<50000xf32, #tpu.memory_space<vmem>>) target_semaphore(%run_scoped3A : memref<!tpu.dma_semaphore, #tpu.memory_space<semaphore_mem>>)
      tpu.wait_dma2 semaphore(%run_scoped3A : memref<!tpu.dma_semaphore, #tpu.memory_space<semaphore_mem>>) src(%arg3 : memref<50000xf32, #tpu.memory_space<hbm>>) dst(%arg12 : memref<50000xf32, #tpu.memory_space<vmem>>)
      tpu.yield
    }) : () -> ()
    %scan3A = arith.constant 0 : i32
    %scan3A_3 = arith.constant 0 : i32
    %scan3A_4 = arith.constant 832 : i32
    %scan3A_5 = arith.addi %scan3A_3, %scan3A_4 : i32
    %scan3A_6 = arith.constant 8 : i32
    scf.for %scan3A_26 = %scan3A_3 to %scan3A_5 step %scan3A_6  : i32 {
      %mul3A_27 = arith.constant 16 : i32
      %mul3A_28 = arith.muli %scan3A_26, %mul3A_27 : i32
      %get3A = arith.index_cast %mul3A_28 : i32 to index
      %get3A_29 = tpu.vector_load %arg11[%get3A] {strides = array<i32>} : memref<13312xi32, #tpu.memory_space<vmem>>, vector<16xi32>,
      %gather3A = tpu.vector_load_idx %arg12[%get3A_29] : memref<50000xf32, #tpu.memory_space<vmem>>[vector<16xi32>], vector<16xf32>,
      %mul3A_30 = arith.constant 16 : i32
      %mul3A_31 = arith.muli %scan3A_26, %mul3A_30 : i32
      %swap3A = arith.index_cast %mul3A_31 : i32 to index
      %swap3A_32 = tpu.vector_load %arg13[%swap3A] {strides = array<i32>} : memref<13312xf32, #tpu.memory_space<vmem>>, vector<16xf32>,
      tpu.vector_store %arg13[%swap3A], %gather3A {strides = array<i32>} : memref<13312xf32, #tpu.memory_space<vmem>>, vector<16xf32>,
      %scan3A_33 = arith.constant 1 : i32
      %scan3A_34 = arith.addi %scan3A_26, %scan3A_33 : i32
      %mul3A_35 = arith.constant 16 : i32
      %mul3A_36 = arith.muli %scan3A_34, %mul3A_35 : i32
      %get3A_37 = arith.index_cast %mul3A_36 : i32 to index
      %get3A_38 = tpu.vector_load %arg11[%get3A_37] {strides = array<i32>} : memref<13312xi32, #tpu.memory_space<vmem>>, vector<16xi32>,
      %gather3A_39 = tpu.vector_load_idx %arg12[%get3A_38] : memref<50000xf32, #tpu.memory_space<vmem>>[vector<16xi32>], vector<16xf32>,
      %mul3A_40 = arith.constant 16 : i32
      %mul3A_41 = arith.muli %scan3A_34, %mul3A_40 : i32
      %swap3A_42 = arith.index_cast %mul3A_41 : i32 to index
      %swap3A_43 = tpu.vector_load %arg13[%swap3A_42] {strides = array<i32>} : memref<13312xf32, #tpu.memory_space<vmem>>, vector<16xf32>,
      tpu.vector_store %arg13[%swap3A_42], %gather3A_39 {strides = array<i32>} : memref<13312xf32, #tpu.memory_space<vmem>>, vector<16xf32>,
      %scan3A_44 = arith.constant 2 : i32
      %scan3A_45 = arith.addi %scan3A_26, %scan3A_44 : i32
      %mul3A_46 = arith.constant 16 : i32
      %mul3A_47 = arith.muli %scan3A_45, %mul3A_46 : i32
      %get3A_48 = arith.index_cast %mul3A_47 : i32 to index
      %get3A_49 = tpu.vector_load %arg11[%get3A_48] {strides = array<i32>} : memref<13312xi32, #tpu.memory_space<vmem>>, vector<16xi32>,
      %gather3A_50 = tpu.vector_load_idx %arg12[%get3A_49] : memref<50000xf32, #tpu.memory_space<vmem>>[vector<16xi32>], vector<16xf32>,
      %mul3A_51 = arith.constant 16 : i32
      %mul3A_52 = arith.muli %scan3A_45, %mul3A_51 : i32
      %swap3A_53 = arith.index_cast %mul3A_52 : i32 to index
      %swap3A_54 = tpu.vector_load %arg13[%swap3A_53] {strides = array<i32>} : memref<13312xf32, #tpu.memory_space<vmem>>, vector<16xf32>,
      tpu.vector_store %arg13[%swap3A_53], %gather3A_50 {strides = array<i32>} : memref<13312xf32, #tpu.memory_space<vmem>>, vector<16xf32>,
      %scan3A_55 = arith.constant 3 : i32
      %scan3A_56 = arith.addi %scan3A_26, %scan3A_55 : i32
      %mul3A_57 = arith.constant 16 : i32
      %mul3A_58 = arith.muli %scan3A_56, %mul3A_57 : i32
      %get3A_59 = arith.index_cast %mul3A_58 : i32 to index
      %get3A_60 = tpu.vector_load %arg11[%get3A_59] {strides = array<i32>} : memref<13312xi32, #tpu.memory_space<vmem>>, vector<16xi32>,
      %gather3A_61 = tpu.vector_load_idx %arg12[%get3A_60] : memref<50000xf32, #tpu.memory_space<vmem>>[vector<16xi32>], vector<16xf32>,
      %mul3A_62 = arith.constant 16 : i32
      %mul3A_63 = arith.muli %scan3A_56, %mul3A_62 : i32
      %swap3A_64 = arith.index_cast %mul3A_63 : i32 to index
      %swap3A_65 = tpu.vector_load %arg13[%swap3A_64] {strides = array<i32>} : memref<13312xf32, #tpu.memory_space<vmem>>, vector<16xf32>,
      tpu.vector_store %arg13[%swap3A_64], %gather3A_61 {strides = array<i32>} : memref<13312xf32, #tpu.memory_space<vmem>>, vector<16xf32>,
      %scan3A_66 = arith.constant 4 : i32
      %scan3A_67 = arith.addi %scan3A_26, %scan3A_66 : i32
      %mul3A_68 = arith.constant 16 : i32
      %mul3A_69 = arith.muli %scan3A_67, %mul3A_68 : i32
      %get3A_70 = arith.index_cast %mul3A_69 : i32 to index
      %get3A_71 = tpu.vector_load %arg11[%get3A_70] {strides = array<i32>} : memref<13312xi32, #tpu.memory_space<vmem>>, vector<16xi32>,
      %gather3A_72 = tpu.vector_load_idx %arg12[%get3A_71] : memref<50000xf32, #tpu.memory_space<vmem>>[vector<16xi32>], vector<16xf32>,
      %mul3A_73 = arith.constant 16 : i32
      %mul3A_74 = arith.muli %scan3A_67, %mul3A_73 : i32
      %swap3A_75 = arith.index_cast %mul3A_74 : i32 to index
      %swap3A_76 = tpu.vector_load %arg13[%swap3A_75] {strides = array<i32>} : memref<13312xf32, #tpu.memory_space<vmem>>, vector<16xf32>,
      tpu.vector_store %arg13[%swap3A_75], %gather3A_72 {strides = array<i32>} : memref<13312xf32, #tpu.memory_space<vmem>>, vector<16xf32>,
      %scan3A_77 = arith.constant 5 : i32
      %scan3A_78 = arith.addi %scan3A_26, %scan3A_77 : i32
      %mul3A_79 = arith.constant 16 : i32
      %mul3A_80 = arith.muli %scan3A_78, %mul3A_79 : i32
      %get3A_81 = arith.index_cast %mul3A_80 : i32 to index
      %get3A_82 = tpu.vector_load %arg11[%get3A_81] {strides = array<i32>} : memref<13312xi32, #tpu.memory_space<vmem>>, vector<16xi32>,
      %gather3A_83 = tpu.vector_load_idx %arg12[%get3A_82] : memref<50000xf32, #tpu.memory_space<vmem>>[vector<16xi32>], vector<16xf32>,
      %mul3A_84 = arith.constant 16 : i32
      %mul3A_85 = arith.muli %scan3A_78, %mul3A_84 : i32
      %swap3A_86 = arith.index_cast %mul3A_85 : i32 to index
      %swap3A_87 = tpu.vector_load %arg13[%swap3A_86] {strides = array<i32>} : memref<13312xf32, #tpu.memory_space<vmem>>, vector<16xf32>,
      tpu.vector_store %arg13[%swap3A_86], %gather3A_83 {strides = array<i32>} : memref<13312xf32, #tpu.memory_space<vmem>>, vector<16xf32>,
      %scan3A_88 = arith.constant 6 : i32
      %scan3A_89 = arith.addi %scan3A_26, %scan3A_88 : i32
      %mul3A_90 = arith.constant 16 : i32
      %mul3A_91 = arith.muli %scan3A_89, %mul3A_90 : i32
      %get3A_92 = arith.index_cast %mul3A_91 : i32 to index
      %get3A_93 = tpu.vector_load %arg11[%get3A_92] {strides = array<i32>} : memref<13312xi32, #tpu.memory_space<vmem>>, vector<16xi32>,
      %gather3A_94 = tpu.vector_load_idx %arg12[%get3A_93] : memref<50000xf32, #tpu.memory_space<vmem>>[vector<16xi32>], vector<16xf32>,
      %mul3A_95 = arith.constant 16 : i32
      %mul3A_96 = arith.muli %scan3A_89, %mul3A_95 : i32
      %swap3A_97 = arith.index_cast %mul3A_96 : i32 to index
      %swap3A_98 = tpu.vector_load %arg13[%swap3A_97] {strides = array<i32>} : memref<13312xf32, #tpu.memory_space<vmem>>, vector<16xf32>,
      tpu.vector_store %arg13[%swap3A_97], %gather3A_94 {strides = array<i32>} : memref<13312xf32, #tpu.memory_space<vmem>>, vector<16xf32>,
      %scan3A_99 = arith.constant 7 : i32
      %scan3A_100 = arith.addi %scan3A_26, %scan3A_99 : i32
      %mul3A_101 = arith.constant 16 : i32
      %mul3A_102 = arith.muli %scan3A_100, %mul3A_101 : i32
      %get3A_103 = arith.index_cast %mul3A_102 : i32 to index
      %get3A_104 = tpu.vector_load %arg11[%get3A_103] {strides = array<i32>} : memref<13312xi32, #tpu.memory_space<vmem>>, vector<16xi32>,
      %gather3A_105 = tpu.vector_load_idx %arg12[%get3A_104] : memref<50000xf32, #tpu.memory_space<vmem>>[vector<16xi32>], vector<16xf32>,
      %mul3A_106 = arith.constant 16 : i32
      %mul3A_107 = arith.muli %scan3A_100, %mul3A_106 : i32
      %swap3A_108 = arith.index_cast %mul3A_107 : i32 to index
      %swap3A_109 = tpu.vector_load %arg13[%swap3A_108] {strides = array<i32>} : memref<13312xf32, #tpu.memory_space<vmem>>, vector<16xf32>,
      tpu.vector_store %arg13[%swap3A_108], %gather3A_105 {strides = array<i32>} : memref<13312xf32, #tpu.memory_space<vmem>>, vector<16xf32>,
    }
    %scan3A_7 = arith.constant 832 : i32
    "tpu.region"() ({
      %run_scoped3A = tpu.sem_alloc : memref<!tpu.dma_semaphore, #tpu.memory_space<semaphore_mem>>
      %dma_start3A = tpu.memref_slice %arg7[%mul3A_2] : memref<425984xf32, #tpu.memory_space<hbm>> -> memref<13312xf32, #tpu.memory_space<hbm>>
      %dma_start3A_26 = tpu.memref_slice %arg7[%mul3A_2] : memref<425984xf32, #tpu.memory_space<hbm>> -> memref<13312xf32, #tpu.memory_space<hbm>>
      tpu.enqueue_dma source(%arg13 : memref<13312xf32, #tpu.memory_space<vmem>>) target(%dma_start3A_26 : memref<13312xf32, #tpu.memory_space<hbm>>) target_semaphore(%run_scoped3A : memref<!tpu.dma_semaphore, #tpu.memory_space<semaphore_mem>>)
      %dma_wait3A = tpu.memref_slice %arg7[%mul3A_2] : memref<425984xf32, #tpu.memory_space<hbm>> -> memref<13312xf32, #tpu.memory_space<hbm>>
      %dma_wait3A_27 = tpu.memref_slice %arg7[%mul3A_2] : memref<425984xf32, #tpu.memory_space<hbm>> -> memref<13312xf32, #tpu.memory_space<hbm>>
      tpu.wait_dma2 semaphore(%run_scoped3A : memref<!tpu.dma_semaphore, #tpu.memory_space<semaphore_mem>>) src(%arg13 : memref<13312xf32, #tpu.memory_space<vmem>>) dst(%dma_wait3A_27 : memref<13312xf32, #tpu.memory_space<hbm>>)
      tpu.yield
    }) : () -> ()
    "tpu.region"() ({
      %run_scoped3A = tpu.sem_alloc : memref<!tpu.dma_semaphore, #tpu.memory_space<semaphore_mem>>
      tpu.enqueue_dma source(%arg4 : memref<50000xf32, #tpu.memory_space<hbm>>) target(%arg12 : memref<50000xf32, #tpu.memory_space<vmem>>) target_semaphore(%run_scoped3A : memref<!tpu.dma_semaphore, #tpu.memory_space<semaphore_mem>>)
      tpu.wait_dma2 semaphore(%run_scoped3A : memref<!tpu.dma_semaphore, #tpu.memory_space<semaphore_mem>>) src(%arg4 : memref<50000xf32, #tpu.memory_space<hbm>>) dst(%arg12 : memref<50000xf32, #tpu.memory_space<vmem>>)
      tpu.yield
    }) : () -> ()
    %scan3A_8 = arith.constant 0 : i32
    %scan3A_9 = arith.constant 0 : i32
    %scan3A_10 = arith.constant 832 : i32
    %scan3A_11 = arith.addi %scan3A_9, %scan3A_10 : i32
    %scan3A_12 = arith.constant 8 : i32
    scf.for %scan3A_26 = %scan3A_9 to %scan3A_11 step %scan3A_12  : i32 {
      %mul3A_27 = arith.constant 16 : i32
      %mul3A_28 = arith.muli %scan3A_26, %mul3A_27 : i32
      %get3A = arith.index_cast %mul3A_28 : i32 to index
      %get3A_29 = tpu.vector_load %arg11[%get3A] {strides = array<i32>} : memref<13312xi32, #tpu.memory_space<vmem>>, vector<16xi32>,
      %gather3A = tpu.vector_load_idx %arg12[%get3A_29] : memref<50000xf32, #tpu.memory_space<vmem>>[vector<16xi32>], vector<16xf32>,
      %mul3A_30 = arith.constant 16 : i32
      %mul3A_31 = arith.muli %scan3A_26, %mul3A_30 : i32
      %swap3A = arith.index_cast %mul3A_31 : i32 to index
      %swap3A_32 = tpu.vector_load %arg13[%swap3A] {strides = array<i32>} : memref<13312xf32, #tpu.memory_space<vmem>>, vector<16xf32>,
      tpu.vector_store %arg13[%swap3A], %gather3A {strides = array<i32>} : memref<13312xf32, #tpu.memory_space<vmem>>, vector<16xf32>,
      %scan3A_33 = arith.constant 1 : i32
      %scan3A_34 = arith.addi %scan3A_26, %scan3A_33 : i32
      %mul3A_35 = arith.constant 16 : i32
      %mul3A_36 = arith.muli %scan3A_34, %mul3A_35 : i32
      %get3A_37 = arith.index_cast %mul3A_36 : i32 to index
      %get3A_38 = tpu.vector_load %arg11[%get3A_37] {strides = array<i32>} : memref<13312xi32, #tpu.memory_space<vmem>>, vector<16xi32>,
      %gather3A_39 = tpu.vector_load_idx %arg12[%get3A_38] : memref<50000xf32, #tpu.memory_space<vmem>>[vector<16xi32>], vector<16xf32>,
      %mul3A_40 = arith.constant 16 : i32
      %mul3A_41 = arith.muli %scan3A_34, %mul3A_40 : i32
      %swap3A_42 = arith.index_cast %mul3A_41 : i32 to index
      %swap3A_43 = tpu.vector_load %arg13[%swap3A_42] {strides = array<i32>} : memref<13312xf32, #tpu.memory_space<vmem>>, vector<16xf32>,
      tpu.vector_store %arg13[%swap3A_42], %gather3A_39 {strides = array<i32>} : memref<13312xf32, #tpu.memory_space<vmem>>, vector<16xf32>,
      %scan3A_44 = arith.constant 2 : i32
      %scan3A_45 = arith.addi %scan3A_26, %scan3A_44 : i32
      %mul3A_46 = arith.constant 16 : i32
      %mul3A_47 = arith.muli %scan3A_45, %mul3A_46 : i32
      %get3A_48 = arith.index_cast %mul3A_47 : i32 to index
      %get3A_49 = tpu.vector_load %arg11[%get3A_48] {strides = array<i32>} : memref<13312xi32, #tpu.memory_space<vmem>>, vector<16xi32>,
      %gather3A_50 = tpu.vector_load_idx %arg12[%get3A_49] : memref<50000xf32, #tpu.memory_space<vmem>>[vector<16xi32>], vector<16xf32>,
      %mul3A_51 = arith.constant 16 : i32
      %mul3A_52 = arith.muli %scan3A_45, %mul3A_51 : i32
      %swap3A_53 = arith.index_cast %mul3A_52 : i32 to index
      %swap3A_54 = tpu.vector_load %arg13[%swap3A_53] {strides = array<i32>} : memref<13312xf32, #tpu.memory_space<vmem>>, vector<16xf32>,
      tpu.vector_store %arg13[%swap3A_53], %gather3A_50 {strides = array<i32>} : memref<13312xf32, #tpu.memory_space<vmem>>, vector<16xf32>,
      %scan3A_55 = arith.constant 3 : i32
      %scan3A_56 = arith.addi %scan3A_26, %scan3A_55 : i32
      %mul3A_57 = arith.constant 16 : i32
      %mul3A_58 = arith.muli %scan3A_56, %mul3A_57 : i32
      %get3A_59 = arith.index_cast %mul3A_58 : i32 to index
      %get3A_60 = tpu.vector_load %arg11[%get3A_59] {strides = array<i32>} : memref<13312xi32, #tpu.memory_space<vmem>>, vector<16xi32>,
      %gather3A_61 = tpu.vector_load_idx %arg12[%get3A_60] : memref<50000xf32, #tpu.memory_space<vmem>>[vector<16xi32>], vector<16xf32>,
      %mul3A_62 = arith.constant 16 : i32
      %mul3A_63 = arith.muli %scan3A_56, %mul3A_62 : i32
      %swap3A_64 = arith.index_cast %mul3A_63 : i32 to index
      %swap3A_65 = tpu.vector_load %arg13[%swap3A_64] {strides = array<i32>} : memref<13312xf32, #tpu.memory_space<vmem>>, vector<16xf32>,
      tpu.vector_store %arg13[%swap3A_64], %gather3A_61 {strides = array<i32>} : memref<13312xf32, #tpu.memory_space<vmem>>, vector<16xf32>,
      %scan3A_66 = arith.constant 4 : i32
      %scan3A_67 = arith.addi %scan3A_26, %scan3A_66 : i32
      %mul3A_68 = arith.constant 16 : i32
      %mul3A_69 = arith.muli %scan3A_67, %mul3A_68 : i32
      %get3A_70 = arith.index_cast %mul3A_69 : i32 to index
      %get3A_71 = tpu.vector_load %arg11[%get3A_70] {strides = array<i32>} : memref<13312xi32, #tpu.memory_space<vmem>>, vector<16xi32>,
      %gather3A_72 = tpu.vector_load_idx %arg12[%get3A_71] : memref<50000xf32, #tpu.memory_space<vmem>>[vector<16xi32>], vector<16xf32>,
      %mul3A_73 = arith.constant 16 : i32
      %mul3A_74 = arith.muli %scan3A_67, %mul3A_73 : i32
      %swap3A_75 = arith.index_cast %mul3A_74 : i32 to index
      %swap3A_76 = tpu.vector_load %arg13[%swap3A_75] {strides = array<i32>} : memref<13312xf32, #tpu.memory_space<vmem>>, vector<16xf32>,
      tpu.vector_store %arg13[%swap3A_75], %gather3A_72 {strides = array<i32>} : memref<13312xf32, #tpu.memory_space<vmem>>, vector<16xf32>,
      %scan3A_77 = arith.constant 5 : i32
      %scan3A_78 = arith.addi %scan3A_26, %scan3A_77 : i32
      %mul3A_79 = arith.constant 16 : i32
      %mul3A_80 = arith.muli %scan3A_78, %mul3A_79 : i32
      %get3A_81 = arith.index_cast %mul3A_80 : i32 to index
      %get3A_82 = tpu.vector_load %arg11[%get3A_81] {strides = array<i32>} : memref<13312xi32, #tpu.memory_space<vmem>>, vector<16xi32>,
      %gather3A_83 = tpu.vector_load_idx %arg12[%get3A_82] : memref<50000xf32, #tpu.memory_space<vmem>>[vector<16xi32>], vector<16xf32>,
      %mul3A_84 = arith.constant 16 : i32
      %mul3A_85 = arith.muli %scan3A_78, %mul3A_84 : i32
      %swap3A_86 = arith.index_cast %mul3A_85 : i32 to index
      %swap3A_87 = tpu.vector_load %arg13[%swap3A_86] {strides = array<i32>} : memref<13312xf32, #tpu.memory_space<vmem>>, vector<16xf32>,
      tpu.vector_store %arg13[%swap3A_86], %gather3A_83 {strides = array<i32>} : memref<13312xf32, #tpu.memory_space<vmem>>, vector<16xf32>,
      %scan3A_88 = arith.constant 6 : i32
      %scan3A_89 = arith.addi %scan3A_26, %scan3A_88 : i32
      %mul3A_90 = arith.constant 16 : i32
      %mul3A_91 = arith.muli %scan3A_89, %mul3A_90 : i32
      %get3A_92 = arith.index_cast %mul3A_91 : i32 to index
      %get3A_93 = tpu.vector_load %arg11[%get3A_92] {strides = array<i32>} : memref<13312xi32, #tpu.memory_space<vmem>>, vector<16xi32>,
      %gather3A_94 = tpu.vector_load_idx %arg12[%get3A_93] : memref<50000xf32, #tpu.memory_space<vmem>>[vector<16xi32>], vector<16xf32>,
      %mul3A_95 = arith.constant 16 : i32
      %mul3A_96 = arith.muli %scan3A_89, %mul3A_95 : i32
      %swap3A_97 = arith.index_cast %mul3A_96 : i32 to index
      %swap3A_98 = tpu.vector_load %arg13[%swap3A_97] {strides = array<i32>} : memref<13312xf32, #tpu.memory_space<vmem>>, vector<16xf32>,
      tpu.vector_store %arg13[%swap3A_97], %gather3A_94 {strides = array<i32>} : memref<13312xf32, #tpu.memory_space<vmem>>, vector<16xf32>,
      %scan3A_99 = arith.constant 7 : i32
      %scan3A_100 = arith.addi %scan3A_26, %scan3A_99 : i32
      %mul3A_101 = arith.constant 16 : i32
      %mul3A_102 = arith.muli %scan3A_100, %mul3A_101 : i32
      %get3A_103 = arith.index_cast %mul3A_102 : i32 to index
      %get3A_104 = tpu.vector_load %arg11[%get3A_103] {strides = array<i32>} : memref<13312xi32, #tpu.memory_space<vmem>>, vector<16xi32>,
      %gather3A_105 = tpu.vector_load_idx %arg12[%get3A_104] : memref<50000xf32, #tpu.memory_space<vmem>>[vector<16xi32>], vector<16xf32>,
      %mul3A_106 = arith.constant 16 : i32
      %mul3A_107 = arith.muli %scan3A_100, %mul3A_106 : i32
      %swap3A_108 = arith.index_cast %mul3A_107 : i32 to index
      %swap3A_109 = tpu.vector_load %arg13[%swap3A_108] {strides = array<i32>} : memref<13312xf32, #tpu.memory_space<vmem>>, vector<16xf32>,
      tpu.vector_store %arg13[%swap3A_108], %gather3A_105 {strides = array<i32>} : memref<13312xf32, #tpu.memory_space<vmem>>, vector<16xf32>,
    }
    %scan3A_13 = arith.constant 832 : i32
    "tpu.region"() ({
      %run_scoped3A = tpu.sem_alloc : memref<!tpu.dma_semaphore, #tpu.memory_space<semaphore_mem>>
      %dma_start3A = tpu.memref_slice %arg8[%mul3A_2] : memref<425984xf32, #tpu.memory_space<hbm>> -> memref<13312xf32, #tpu.memory_space<hbm>>
      %dma_start3A_26 = tpu.memref_slice %arg8[%mul3A_2] : memref<425984xf32, #tpu.memory_space<hbm>> -> memref<13312xf32, #tpu.memory_space<hbm>>
      tpu.enqueue_dma source(%arg13 : memref<13312xf32, #tpu.memory_space<vmem>>) target(%dma_start3A_26 : memref<13312xf32, #tpu.memory_space<hbm>>) target_semaphore(%run_scoped3A : memref<!tpu.dma_semaphore, #tpu.memory_space<semaphore_mem>>)
      %dma_wait3A = tpu.memref_slice %arg8[%mul3A_2] : memref<425984xf32, #tpu.memory_space<hbm>> -> memref<13312xf32, #tpu.memory_space<hbm>>
      %dma_wait3A_27 = tpu.memref_slice %arg8[%mul3A_2] : memref<425984xf32, #tpu.memory_space<hbm>> -> memref<13312xf32, #tpu.memory_space<hbm>>
      tpu.wait_dma2 semaphore(%run_scoped3A : memref<!tpu.dma_semaphore, #tpu.memory_space<semaphore_mem>>) src(%arg13 : memref<13312xf32, #tpu.memory_space<vmem>>) dst(%dma_wait3A_27 : memref<13312xf32, #tpu.memory_space<hbm>>)
      tpu.yield
    }) : () -> ()
    "tpu.region"() ({
      %run_scoped3A = tpu.sem_alloc : memref<!tpu.dma_semaphore, #tpu.memory_space<semaphore_mem>>
      tpu.enqueue_dma source(%arg5 : memref<50000xf32, #tpu.memory_space<hbm>>) target(%arg12 : memref<50000xf32, #tpu.memory_space<vmem>>) target_semaphore(%run_scoped3A : memref<!tpu.dma_semaphore, #tpu.memory_space<semaphore_mem>>)
      tpu.wait_dma2 semaphore(%run_scoped3A : memref<!tpu.dma_semaphore, #tpu.memory_space<semaphore_mem>>) src(%arg5 : memref<50000xf32, #tpu.memory_space<hbm>>) dst(%arg12 : memref<50000xf32, #tpu.memory_space<vmem>>)
      tpu.yield
    }) : () -> ()
    %scan3A_14 = arith.constant 0 : i32
    %scan3A_15 = arith.constant 0 : i32
    %scan3A_16 = arith.constant 832 : i32
    %scan3A_17 = arith.addi %scan3A_15, %scan3A_16 : i32
    %scan3A_18 = arith.constant 8 : i32
    scf.for %scan3A_26 = %scan3A_15 to %scan3A_17 step %scan3A_18  : i32 {
      %mul3A_27 = arith.constant 16 : i32
      %mul3A_28 = arith.muli %scan3A_26, %mul3A_27 : i32
      %get3A = arith.index_cast %mul3A_28 : i32 to index
      %get3A_29 = tpu.vector_load %arg11[%get3A] {strides = array<i32>} : memref<13312xi32, #tpu.memory_space<vmem>>, vector<16xi32>,
      %gather3A = tpu.vector_load_idx %arg12[%get3A_29] : memref<50000xf32, #tpu.memory_space<vmem>>[vector<16xi32>], vector<16xf32>,
      %mul3A_30 = arith.constant 16 : i32
      %mul3A_31 = arith.muli %scan3A_26, %mul3A_30 : i32
      %swap3A = arith.index_cast %mul3A_31 : i32 to index
      %swap3A_32 = tpu.vector_load %arg13[%swap3A] {strides = array<i32>} : memref<13312xf32, #tpu.memory_space<vmem>>, vector<16xf32>,
      tpu.vector_store %arg13[%swap3A], %gather3A {strides = array<i32>} : memref<13312xf32, #tpu.memory_space<vmem>>, vector<16xf32>,
      %scan3A_33 = arith.constant 1 : i32
      %scan3A_34 = arith.addi %scan3A_26, %scan3A_33 : i32
      %mul3A_35 = arith.constant 16 : i32
      %mul3A_36 = arith.muli %scan3A_34, %mul3A_35 : i32
      %get3A_37 = arith.index_cast %mul3A_36 : i32 to index
      %get3A_38 = tpu.vector_load %arg11[%get3A_37] {strides = array<i32>} : memref<13312xi32, #tpu.memory_space<vmem>>, vector<16xi32>,
      %gather3A_39 = tpu.vector_load_idx %arg12[%get3A_38] : memref<50000xf32, #tpu.memory_space<vmem>>[vector<16xi32>], vector<16xf32>,
      %mul3A_40 = arith.constant 16 : i32
      %mul3A_41 = arith.muli %scan3A_34, %mul3A_40 : i32
      %swap3A_42 = arith.index_cast %mul3A_41 : i32 to index
      %swap3A_43 = tpu.vector_load %arg13[%swap3A_42] {strides = array<i32>} : memref<13312xf32, #tpu.memory_space<vmem>>, vector<16xf32>,
      tpu.vector_store %arg13[%swap3A_42], %gather3A_39 {strides = array<i32>} : memref<13312xf32, #tpu.memory_space<vmem>>, vector<16xf32>,
      %scan3A_44 = arith.constant 2 : i32
      %scan3A_45 = arith.addi %scan3A_26, %scan3A_44 : i32
      %mul3A_46 = arith.constant 16 : i32
      %mul3A_47 = arith.muli %scan3A_45, %mul3A_46 : i32
      %get3A_48 = arith.index_cast %mul3A_47 : i32 to index
      %get3A_49 = tpu.vector_load %arg11[%get3A_48] {strides = array<i32>} : memref<13312xi32, #tpu.memory_space<vmem>>, vector<16xi32>,
      %gather3A_50 = tpu.vector_load_idx %arg12[%get3A_49] : memref<50000xf32, #tpu.memory_space<vmem>>[vector<16xi32>], vector<16xf32>,
      %mul3A_51 = arith.constant 16 : i32
      %mul3A_52 = arith.muli %scan3A_45, %mul3A_51 : i32
      %swap3A_53 = arith.index_cast %mul3A_52 : i32 to index
      %swap3A_54 = tpu.vector_load %arg13[%swap3A_53] {strides = array<i32>} : memref<13312xf32, #tpu.memory_space<vmem>>, vector<16xf32>,
      tpu.vector_store %arg13[%swap3A_53], %gather3A_50 {strides = array<i32>} : memref<13312xf32, #tpu.memory_space<vmem>>, vector<16xf32>,
      %scan3A_55 = arith.constant 3 : i32
      %scan3A_56 = arith.addi %scan3A_26, %scan3A_55 : i32
      %mul3A_57 = arith.constant 16 : i32
      %mul3A_58 = arith.muli %scan3A_56, %mul3A_57 : i32
      %get3A_59 = arith.index_cast %mul3A_58 : i32 to index
      %get3A_60 = tpu.vector_load %arg11[%get3A_59] {strides = array<i32>} : memref<13312xi32, #tpu.memory_space<vmem>>, vector<16xi32>,
      %gather3A_61 = tpu.vector_load_idx %arg12[%get3A_60] : memref<50000xf32, #tpu.memory_space<vmem>>[vector<16xi32>], vector<16xf32>,
      %mul3A_62 = arith.constant 16 : i32
      %mul3A_63 = arith.muli %scan3A_56, %mul3A_62 : i32
      %swap3A_64 = arith.index_cast %mul3A_63 : i32 to index
      %swap3A_65 = tpu.vector_load %arg13[%swap3A_64] {strides = array<i32>} : memref<13312xf32, #tpu.memory_space<vmem>>, vector<16xf32>,
      tpu.vector_store %arg13[%swap3A_64], %gather3A_61 {strides = array<i32>} : memref<13312xf32, #tpu.memory_space<vmem>>, vector<16xf32>,
      %scan3A_66 = arith.constant 4 : i32
      %scan3A_67 = arith.addi %scan3A_26, %scan3A_66 : i32
      %mul3A_68 = arith.constant 16 : i32
      %mul3A_69 = arith.muli %scan3A_67, %mul3A_68 : i32
      %get3A_70 = arith.index_cast %mul3A_69 : i32 to index
      %get3A_71 = tpu.vector_load %arg11[%get3A_70] {strides = array<i32>} : memref<13312xi32, #tpu.memory_space<vmem>>, vector<16xi32>,
      %gather3A_72 = tpu.vector_load_idx %arg12[%get3A_71] : memref<50000xf32, #tpu.memory_space<vmem>>[vector<16xi32>], vector<16xf32>,
      %mul3A_73 = arith.constant 16 : i32
      %mul3A_74 = arith.muli %scan3A_67, %mul3A_73 : i32
      %swap3A_75 = arith.index_cast %mul3A_74 : i32 to index
      %swap3A_76 = tpu.vector_load %arg13[%swap3A_75] {strides = array<i32>} : memref<13312xf32, #tpu.memory_space<vmem>>, vector<16xf32>,
      tpu.vector_store %arg13[%swap3A_75], %gather3A_72 {strides = array<i32>} : memref<13312xf32, #tpu.memory_space<vmem>>, vector<16xf32>,
      %scan3A_77 = arith.constant 5 : i32
      %scan3A_78 = arith.addi %scan3A_26, %scan3A_77 : i32
      %mul3A_79 = arith.constant 16 : i32
      %mul3A_80 = arith.muli %scan3A_78, %mul3A_79 : i32
      %get3A_81 = arith.index_cast %mul3A_80 : i32 to index
      %get3A_82 = tpu.vector_load %arg11[%get3A_81] {strides = array<i32>} : memref<13312xi32, #tpu.memory_space<vmem>>, vector<16xi32>,
      %gather3A_83 = tpu.vector_load_idx %arg12[%get3A_82] : memref<50000xf32, #tpu.memory_space<vmem>>[vector<16xi32>], vector<16xf32>,
      %mul3A_84 = arith.constant 16 : i32
      %mul3A_85 = arith.muli %scan3A_78, %mul3A_84 : i32
      %swap3A_86 = arith.index_cast %mul3A_85 : i32 to index
      %swap3A_87 = tpu.vector_load %arg13[%swap3A_86] {strides = array<i32>} : memref<13312xf32, #tpu.memory_space<vmem>>, vector<16xf32>,
      tpu.vector_store %arg13[%swap3A_86], %gather3A_83 {strides = array<i32>} : memref<13312xf32, #tpu.memory_space<vmem>>, vector<16xf32>,
      %scan3A_88 = arith.constant 6 : i32
      %scan3A_89 = arith.addi %scan3A_26, %scan3A_88 : i32
      %mul3A_90 = arith.constant 16 : i32
      %mul3A_91 = arith.muli %scan3A_89, %mul3A_90 : i32
      %get3A_92 = arith.index_cast %mul3A_91 : i32 to index
      %get3A_93 = tpu.vector_load %arg11[%get3A_92] {strides = array<i32>} : memref<13312xi32, #tpu.memory_space<vmem>>, vector<16xi32>,
      %gather3A_94 = tpu.vector_load_idx %arg12[%get3A_93] : memref<50000xf32, #tpu.memory_space<vmem>>[vector<16xi32>], vector<16xf32>,
      %mul3A_95 = arith.constant 16 : i32
      %mul3A_96 = arith.muli %scan3A_89, %mul3A_95 : i32
      %swap3A_97 = arith.index_cast %mul3A_96 : i32 to index
      %swap3A_98 = tpu.vector_load %arg13[%swap3A_97] {strides = array<i32>} : memref<13312xf32, #tpu.memory_space<vmem>>, vector<16xf32>,
      tpu.vector_store %arg13[%swap3A_97], %gather3A_94 {strides = array<i32>} : memref<13312xf32, #tpu.memory_space<vmem>>, vector<16xf32>,
      %scan3A_99 = arith.constant 7 : i32
      %scan3A_100 = arith.addi %scan3A_26, %scan3A_99 : i32
      %mul3A_101 = arith.constant 16 : i32
      %mul3A_102 = arith.muli %scan3A_100, %mul3A_101 : i32
      %get3A_103 = arith.index_cast %mul3A_102 : i32 to index
      %get3A_104 = tpu.vector_load %arg11[%get3A_103] {strides = array<i32>} : memref<13312xi32, #tpu.memory_space<vmem>>, vector<16xi32>,
      %gather3A_105 = tpu.vector_load_idx %arg12[%get3A_104] : memref<50000xf32, #tpu.memory_space<vmem>>[vector<16xi32>], vector<16xf32>,
      %mul3A_106 = arith.constant 16 : i32
      %mul3A_107 = arith.muli %scan3A_100, %mul3A_106 : i32
      %swap3A_108 = arith.index_cast %mul3A_107 : i32 to index
      %swap3A_109 = tpu.vector_load %arg13[%swap3A_108] {strides = array<i32>} : memref<13312xf32, #tpu.memory_space<vmem>>, vector<16xf32>,
      tpu.vector_store %arg13[%swap3A_108], %gather3A_105 {strides = array<i32>} : memref<13312xf32, #tpu.memory_space<vmem>>, vector<16xf32>,
    }
    %scan3A_19 = arith.constant 832 : i32
    "tpu.region"() ({
      %run_scoped3A = tpu.sem_alloc : memref<!tpu.dma_semaphore, #tpu.memory_space<semaphore_mem>>
      %dma_start3A = tpu.memref_slice %arg9[%mul3A_2] : memref<425984xf32, #tpu.memory_space<hbm>> -> memref<13312xf32, #tpu.memory_space<hbm>>
      %dma_start3A_26 = tpu.memref_slice %arg9[%mul3A_2] : memref<425984xf32, #tpu.memory_space<hbm>> -> memref<13312xf32, #tpu.memory_space<hbm>>
      tpu.enqueue_dma source(%arg13 : memref<13312xf32, #tpu.memory_space<vmem>>) target(%dma_start3A_26 : memref<13312xf32, #tpu.memory_space<hbm>>) target_semaphore(%run_scoped3A : memref<!tpu.dma_semaphore, #tpu.memory_space<semaphore_mem>>)
      %dma_wait3A = tpu.memref_slice %arg9[%mul3A_2] : memref<425984xf32, #tpu.memory_space<hbm>> -> memref<13312xf32, #tpu.memory_space<hbm>>
      %dma_wait3A_27 = tpu.memref_slice %arg9[%mul3A_2] : memref<425984xf32, #tpu.memory_space<hbm>> -> memref<13312xf32, #tpu.memory_space<hbm>>
      tpu.wait_dma2 semaphore(%run_scoped3A : memref<!tpu.dma_semaphore, #tpu.memory_space<semaphore_mem>>) src(%arg13 : memref<13312xf32, #tpu.memory_space<vmem>>) dst(%dma_wait3A_27 : memref<13312xf32, #tpu.memory_space<hbm>>)
      tpu.yield
    }) : () -> ()
    "tpu.region"() ({
      %run_scoped3A = tpu.sem_alloc : memref<!tpu.dma_semaphore, #tpu.memory_space<semaphore_mem>>
      tpu.enqueue_dma source(%arg6 : memref<50000xf32, #tpu.memory_space<hbm>>) target(%arg12 : memref<50000xf32, #tpu.memory_space<vmem>>) target_semaphore(%run_scoped3A : memref<!tpu.dma_semaphore, #tpu.memory_space<semaphore_mem>>)
      tpu.wait_dma2 semaphore(%run_scoped3A : memref<!tpu.dma_semaphore, #tpu.memory_space<semaphore_mem>>) src(%arg6 : memref<50000xf32, #tpu.memory_space<hbm>>) dst(%arg12 : memref<50000xf32, #tpu.memory_space<vmem>>)
      tpu.yield
    }) : () -> ()
    %scan3A_20 = arith.constant 0 : i32
    %scan3A_21 = arith.constant 0 : i32
    %scan3A_22 = arith.constant 832 : i32
    %scan3A_23 = arith.addi %scan3A_21, %scan3A_22 : i32
    %scan3A_24 = arith.constant 8 : i32
    scf.for %scan3A_26 = %scan3A_21 to %scan3A_23 step %scan3A_24  : i32 {
      %mul3A_27 = arith.constant 16 : i32
      %mul3A_28 = arith.muli %scan3A_26, %mul3A_27 : i32
      %get3A = arith.index_cast %mul3A_28 : i32 to index
      %get3A_29 = tpu.vector_load %arg11[%get3A] {strides = array<i32>} : memref<13312xi32, #tpu.memory_space<vmem>>, vector<16xi32>,
      %gather3A = tpu.vector_load_idx %arg12[%get3A_29] : memref<50000xf32, #tpu.memory_space<vmem>>[vector<16xi32>], vector<16xf32>,
      %mul3A_30 = arith.constant 16 : i32
      %mul3A_31 = arith.muli %scan3A_26, %mul3A_30 : i32
      %swap3A = arith.index_cast %mul3A_31 : i32 to index
      %swap3A_32 = tpu.vector_load %arg13[%swap3A] {strides = array<i32>} : memref<13312xf32, #tpu.memory_space<vmem>>, vector<16xf32>,
      tpu.vector_store %arg13[%swap3A], %gather3A {strides = array<i32>} : memref<13312xf32, #tpu.memory_space<vmem>>, vector<16xf32>,
      %scan3A_33 = arith.constant 1 : i32
      %scan3A_34 = arith.addi %scan3A_26, %scan3A_33 : i32
      %mul3A_35 = arith.constant 16 : i32
      %mul3A_36 = arith.muli %scan3A_34, %mul3A_35 : i32
      %get3A_37 = arith.index_cast %mul3A_36 : i32 to index
      %get3A_38 = tpu.vector_load %arg11[%get3A_37] {strides = array<i32>} : memref<13312xi32, #tpu.memory_space<vmem>>, vector<16xi32>,
      %gather3A_39 = tpu.vector_load_idx %arg12[%get3A_38] : memref<50000xf32, #tpu.memory_space<vmem>>[vector<16xi32>], vector<16xf32>,
      %mul3A_40 = arith.constant 16 : i32
      %mul3A_41 = arith.muli %scan3A_34, %mul3A_40 : i32
      %swap3A_42 = arith.index_cast %mul3A_41 : i32 to index
      %swap3A_43 = tpu.vector_load %arg13[%swap3A_42] {strides = array<i32>} : memref<13312xf32, #tpu.memory_space<vmem>>, vector<16xf32>,
      tpu.vector_store %arg13[%swap3A_42], %gather3A_39 {strides = array<i32>} : memref<13312xf32, #tpu.memory_space<vmem>>, vector<16xf32>,
      %scan3A_44 = arith.constant 2 : i32
      %scan3A_45 = arith.addi %scan3A_26, %scan3A_44 : i32
      %mul3A_46 = arith.constant 16 : i32
      %mul3A_47 = arith.muli %scan3A_45, %mul3A_46 : i32
      %get3A_48 = arith.index_cast %mul3A_47 : i32 to index
      %get3A_49 = tpu.vector_load %arg11[%get3A_48] {strides = array<i32>} : memref<13312xi32, #tpu.memory_space<vmem>>, vector<16xi32>,
      %gather3A_50 = tpu.vector_load_idx %arg12[%get3A_49] : memref<50000xf32, #tpu.memory_space<vmem>>[vector<16xi32>], vector<16xf32>,
      %mul3A_51 = arith.constant 16 : i32
      %mul3A_52 = arith.muli %scan3A_45, %mul3A_51 : i32
      %swap3A_53 = arith.index_cast %mul3A_52 : i32 to index
      %swap3A_54 = tpu.vector_load %arg13[%swap3A_53] {strides = array<i32>} : memref<13312xf32, #tpu.memory_space<vmem>>, vector<16xf32>,
      tpu.vector_store %arg13[%swap3A_53], %gather3A_50 {strides = array<i32>} : memref<13312xf32, #tpu.memory_space<vmem>>, vector<16xf32>,
      %scan3A_55 = arith.constant 3 : i32
      %scan3A_56 = arith.addi %scan3A_26, %scan3A_55 : i32
      %mul3A_57 = arith.constant 16 : i32
      %mul3A_58 = arith.muli %scan3A_56, %mul3A_57 : i32
      %get3A_59 = arith.index_cast %mul3A_58 : i32 to index
      %get3A_60 = tpu.vector_load %arg11[%get3A_59] {strides = array<i32>} : memref<13312xi32, #tpu.memory_space<vmem>>, vector<16xi32>,
      %gather3A_61 = tpu.vector_load_idx %arg12[%get3A_60] : memref<50000xf32, #tpu.memory_space<vmem>>[vector<16xi32>], vector<16xf32>,
      %mul3A_62 = arith.constant 16 : i32
      %mul3A_63 = arith.muli %scan3A_56, %mul3A_62 : i32
      %swap3A_64 = arith.index_cast %mul3A_63 : i32 to index
      %swap3A_65 = tpu.vector_load %arg13[%swap3A_64] {strides = array<i32>} : memref<13312xf32, #tpu.memory_space<vmem>>, vector<16xf32>,
      tpu.vector_store %arg13[%swap3A_64], %gather3A_61 {strides = array<i32>} : memref<13312xf32, #tpu.memory_space<vmem>>, vector<16xf32>,
      %scan3A_66 = arith.constant 4 : i32
      %scan3A_67 = arith.addi %scan3A_26, %scan3A_66 : i32
      %mul3A_68 = arith.constant 16 : i32
      %mul3A_69 = arith.muli %scan3A_67, %mul3A_68 : i32
      %get3A_70 = arith.index_cast %mul3A_69 : i32 to index
      %get3A_71 = tpu.vector_load %arg11[%get3A_70] {strides = array<i32>} : memref<13312xi32, #tpu.memory_space<vmem>>, vector<16xi32>,
      %gather3A_72 = tpu.vector_load_idx %arg12[%get3A_71] : memref<50000xf32, #tpu.memory_space<vmem>>[vector<16xi32>], vector<16xf32>,
      %mul3A_73 = arith.constant 16 : i32
      %mul3A_74 = arith.muli %scan3A_67, %mul3A_73 : i32
      %swap3A_75 = arith.index_cast %mul3A_74 : i32 to index
      %swap3A_76 = tpu.vector_load %arg13[%swap3A_75] {strides = array<i32>} : memref<13312xf32, #tpu.memory_space<vmem>>, vector<16xf32>,
      tpu.vector_store %arg13[%swap3A_75], %gather3A_72 {strides = array<i32>} : memref<13312xf32, #tpu.memory_space<vmem>>, vector<16xf32>,
      %scan3A_77 = arith.constant 5 : i32
      %scan3A_78 = arith.addi %scan3A_26, %scan3A_77 : i32
      %mul3A_79 = arith.constant 16 : i32
      %mul3A_80 = arith.muli %scan3A_78, %mul3A_79 : i32
      %get3A_81 = arith.index_cast %mul3A_80 : i32 to index
      %get3A_82 = tpu.vector_load %arg11[%get3A_81] {strides = array<i32>} : memref<13312xi32, #tpu.memory_space<vmem>>, vector<16xi32>,
      %gather3A_83 = tpu.vector_load_idx %arg12[%get3A_82] : memref<50000xf32, #tpu.memory_space<vmem>>[vector<16xi32>], vector<16xf32>,
      %mul3A_84 = arith.constant 16 : i32
      %mul3A_85 = arith.muli %scan3A_78, %mul3A_84 : i32
      %swap3A_86 = arith.index_cast %mul3A_85 : i32 to index
      %swap3A_87 = tpu.vector_load %arg13[%swap3A_86] {strides = array<i32>} : memref<13312xf32, #tpu.memory_space<vmem>>, vector<16xf32>,
      tpu.vector_store %arg13[%swap3A_86], %gather3A_83 {strides = array<i32>} : memref<13312xf32, #tpu.memory_space<vmem>>, vector<16xf32>,
      %scan3A_88 = arith.constant 6 : i32
      %scan3A_89 = arith.addi %scan3A_26, %scan3A_88 : i32
      %mul3A_90 = arith.constant 16 : i32
      %mul3A_91 = arith.muli %scan3A_89, %mul3A_90 : i32
      %get3A_92 = arith.index_cast %mul3A_91 : i32 to index
      %get3A_93 = tpu.vector_load %arg11[%get3A_92] {strides = array<i32>} : memref<13312xi32, #tpu.memory_space<vmem>>, vector<16xi32>,
      %gather3A_94 = tpu.vector_load_idx %arg12[%get3A_93] : memref<50000xf32, #tpu.memory_space<vmem>>[vector<16xi32>], vector<16xf32>,
      %mul3A_95 = arith.constant 16 : i32
      %mul3A_96 = arith.muli %scan3A_89, %mul3A_95 : i32
      %swap3A_97 = arith.index_cast %mul3A_96 : i32 to index
      %swap3A_98 = tpu.vector_load %arg13[%swap3A_97] {strides = array<i32>} : memref<13312xf32, #tpu.memory_space<vmem>>, vector<16xf32>,
      tpu.vector_store %arg13[%swap3A_97], %gather3A_94 {strides = array<i32>} : memref<13312xf32, #tpu.memory_space<vmem>>, vector<16xf32>,
      %scan3A_99 = arith.constant 7 : i32
      %scan3A_100 = arith.addi %scan3A_26, %scan3A_99 : i32
      %mul3A_101 = arith.constant 16 : i32
      %mul3A_102 = arith.muli %scan3A_100, %mul3A_101 : i32
      %get3A_103 = arith.index_cast %mul3A_102 : i32 to index
      %get3A_104 = tpu.vector_load %arg11[%get3A_103] {strides = array<i32>} : memref<13312xi32, #tpu.memory_space<vmem>>, vector<16xi32>,
      %gather3A_105 = tpu.vector_load_idx %arg12[%get3A_104] : memref<50000xf32, #tpu.memory_space<vmem>>[vector<16xi32>], vector<16xf32>,
      %mul3A_106 = arith.constant 16 : i32
      %mul3A_107 = arith.muli %scan3A_100, %mul3A_106 : i32
      %swap3A_108 = arith.index_cast %mul3A_107 : i32 to index
      %swap3A_109 = tpu.vector_load %arg13[%swap3A_108] {strides = array<i32>} : memref<13312xf32, #tpu.memory_space<vmem>>, vector<16xf32>,
      tpu.vector_store %arg13[%swap3A_108], %gather3A_105 {strides = array<i32>} : memref<13312xf32, #tpu.memory_space<vmem>>, vector<16xf32>,
    }
    %scan3A_25 = arith.constant 832 : i32
    "tpu.region"() ({
      %run_scoped3A = tpu.sem_alloc : memref<!tpu.dma_semaphore, #tpu.memory_space<semaphore_mem>>
      %dma_start3A = tpu.memref_slice %arg10[%mul3A_2] : memref<425984xf32, #tpu.memory_space<hbm>> -> memref<13312xf32, #tpu.memory_space<hbm>>
      %dma_start3A_26 = tpu.memref_slice %arg10[%mul3A_2] : memref<425984xf32, #tpu.memory_space<hbm>> -> memref<13312xf32, #tpu.memory_space<hbm>>
      tpu.enqueue_dma source(%arg13 : memref<13312xf32, #tpu.memory_space<vmem>>) target(%dma_start3A_26 : memref<13312xf32, #tpu.memory_space<hbm>>) target_semaphore(%run_scoped3A : memref<!tpu.dma_semaphore, #tpu.memory_space<semaphore_mem>>)
      %dma_wait3A = tpu.memref_slice %arg10[%mul3A_2] : memref<425984xf32, #tpu.memory_space<hbm>> -> memref<13312xf32, #tpu.memory_space<hbm>>
      %dma_wait3A_27 = tpu.memref_slice %arg10[%mul3A_2] : memref<425984xf32, #tpu.memory_space<hbm>> -> memref<13312xf32, #tpu.memory_space<hbm>>
      tpu.wait_dma2 semaphore(%run_scoped3A : memref<!tpu.dma_semaphore, #tpu.memory_space<semaphore_mem>>) src(%arg13 : memref<13312xf32, #tpu.memory_space<vmem>>) dst(%dma_wait3A_27 : memref<13312xf32, #tpu.memory_space<hbm>>)
      tpu.yield
    }) : () -> ()
    return
  }
}

#map = affine_map<(d0, d1) -> (0)>
module attributes {stable_mosaic.version = 14 : i64} {
  func.func @gather(%arg0: i32, %arg1: i32, %arg2: memref<425984xi32, #tpu.memory_space<hbm>>, %arg3: memref<50000xf32, #tpu.memory_space<hbm>>, %arg4: memref<50000xf32, #tpu.memory_space<hbm>>, %arg5: memref<50000xf32, #tpu.memory_space<hbm>>, %arg6: memref<50000xf32, #tpu.memory_space<hbm>>, %arg7: memref<425984xf32, #tpu.memory_space<hbm>>, %arg8: memref<425984xf32, #tpu.memory_space<hbm>>, %arg9: memref<425984xf32, #tpu.memory_space<hbm>>, %arg10: memref<425984xf32, #tpu.memory_space<hbm>>, %arg11: memref<13312xi32, #tpu.memory_space<vmem>>, %arg12: memref<50000xf32, #tpu.memory_space<vmem>>, %arg13: memref<13312xf32, #tpu.memory_space<vmem>>, %arg14: memref<!tpu.dma_semaphore, #tpu.memory_space<semaphore_mem>>) attributes {dimension_semantics = [#tpu.dimension_semantics<core_parallel>, #tpu.dimension_semantics<subcore_parallel>], iteration_bounds = array<i64: 2, 16>, scalar_prefetch = 0 : i64, scratch_operands = 4 : i64, tpu.core_type = #tpu.core_type<sc_vector_subcore>, window_params = [{transform_indices = #map}, {transform_indices = #map}, {transform_indices = #map}, {transform_indices = #map}, {transform_indices = #map}, {transform_indices = #map}, {transform_indices = #map}, {transform_indices = #map}, {transform_indices = #map}]} {
    %mul3A = arith.constant 2 : i32
    %mul3A_0 = arith.muli %arg1, %mul3A : i32
    %add3A = arith.addi %mul3A_0, %arg0 : i32
    %mul3A_1 = arith.constant 13312 : i32
    %mul3A_2 = arith.muli %add3A, %mul3A_1 : i32
    "tpu.region"() ({
      %run_scoped3A = tpu.sem_alloc : memref<!tpu.dma_semaphore, #tpu.memory_space<semaphore_mem>>
      %dma_start3A = tpu.memref_slice %arg2[%mul3A_2] : memref<425984xi32, #tpu.memory_space<hbm>> -> memref<13312xi32, #tpu.memory_space<hbm>>
      %dma_start3A_26 = tpu.memref_slice %arg2[%mul3A_2] : memref<425984xi32, #tpu.memory_space<hbm>> -> memref<13312xi32, #tpu.memory_space<hbm>>
      tpu.enqueue_dma source(%dma_start3A_26 : memref<13312xi32, #tpu.memory_space<hbm>>) target(%arg11 : memref<13312xi32, #tpu.memory_space<vmem>>) target_semaphore(%run_scoped3A : memref<!tpu.dma_semaphore, #tpu.memory_space<semaphore_mem>>)
      %dma_wait3A = tpu.memref_slice %arg2[%mul3A_2] : memref<425984xi32, #tpu.memory_space<hbm>> -> memref<13312xi32, #tpu.memory_space<hbm>>
      %dma_wait3A_27 = tpu.memref_slice %arg2[%mul3A_2] : memref<425984xi32, #tpu.memory_space<hbm>> -> memref<13312xi32, #tpu.memory_space<hbm>>
      tpu.wait_dma2 semaphore(%run_scoped3A : memref<!tpu.dma_semaphore, #tpu.memory_space<semaphore_mem>>) src(%dma_wait3A_27 : memref<13312xi32, #tpu.memory_space<hbm>>) dst(%arg11 : memref<13312xi32, #tpu.memory_space<vmem>>)
      tpu.yield
    }) : () -> ()
    "tpu.region"() ({
      %run_scoped3A = tpu.sem_alloc : memref<!tpu.dma_semaphore, #tpu.memory_space<semaphore_mem>>
      tpu.enqueue_dma source(%arg3 : memref<50000xf32, #tpu.memory_space<hbm>>) target(%arg12 : memref<50000xf32, #tpu.memory_space<vmem>>) target_semaphore(%run_scoped3A : memref<!tpu.dma_semaphore, #tpu.memory_space<semaphore_mem>>)
      tpu.wait_dma2 semaphore(%run_scoped3A : memref<!tpu.dma_semaphore, #tpu.memory_space<semaphore_mem>>) src(%arg3 : memref<50000xf32, #tpu.memory_space<hbm>>) dst(%arg12 : memref<50000xf32, #tpu.memory_space<vmem>>)
      tpu.yield
    }) : () -> ()
    %scan3A = arith.constant 0 : i32
    %scan3A_3 = arith.constant 0 : i32
    %scan3A_4 = arith.constant 832 : i32
    %scan3A_5 = arith.addi %scan3A_3, %scan3A_4 : i32
    %scan3A_6 = arith.constant 8 : i32
    scf.for %scan3A_26 = %scan3A_3 to %scan3A_5 step %scan3A_6  : i32 {
      %mul3A_27 = arith.constant 16 : i32
      %mul3A_28 = arith.muli %scan3A_26, %mul3A_27 : i32
      %get3A = arith.index_cast %mul3A_28 : i32 to index
      %get3A_29 = tpu.vector_load %arg11[%get3A] {strides = array<i32>} : memref<13312xi32, #tpu.memory_space<vmem>>, vector<16xi32>,
      %gather3A = tpu.vector_load_idx %arg12[%get3A_29] : memref<50000xf32, #tpu.memory_space<vmem>>[vector<16xi32>], vector<16xf32>,
      %mul3A_30 = arith.constant 16 : i32
      %mul3A_31 = arith.muli %scan3A_26, %mul3A_30 : i32
      %swap3A = arith.index_cast %mul3A_31 : i32 to index
      %swap3A_32 = tpu.vector_load %arg13[%swap3A] {strides = array<i32>} : memref<13312xf32, #tpu.memory_space<vmem>>, vector<16xf32>,
      tpu.vector_store %arg13[%swap3A], %gather3A {strides = array<i32>} : memref<13312xf32, #tpu.memory_space<vmem>>, vector<16xf32>,
      %scan3A_33 = arith.constant 1 : i32
      %scan3A_34 = arith.addi %scan3A_26, %scan3A_33 : i32
      %mul3A_35 = arith.constant 16 : i32
      %mul3A_36 = arith.muli %scan3A_34, %mul3A_35 : i32
      %get3A_37 = arith.index_cast %mul3A_36 : i32 to index
      %get3A_38 = tpu.vector_load %arg11[%get3A_37] {strides = array<i32>} : memref<13312xi32, #tpu.memory_space<vmem>>, vector<16xi32>,
      %gather3A_39 = tpu.vector_load_idx %arg12[%get3A_38] : memref<50000xf32, #tpu.memory_space<vmem>>[vector<16xi32>], vector<16xf32>,
      %mul3A_40 = arith.constant 16 : i32
      %mul3A_41 = arith.muli %scan3A_34, %mul3A_40 : i32
      %swap3A_42 = arith.index_cast %mul3A_41 : i32 to index
      %swap3A_43 = tpu.vector_load %arg13[%swap3A_42] {strides = array<i32>} : memref<13312xf32, #tpu.memory_space<vmem>>, vector<16xf32>,
      tpu.vector_store %arg13[%swap3A_42], %gather3A_39 {strides = array<i32>} : memref<13312xf32, #tpu.memory_space<vmem>>, vector<16xf32>,
      %scan3A_44 = arith.constant 2 : i32
      %scan3A_45 = arith.addi %scan3A_26, %scan3A_44 : i32
      %mul3A_46 = arith.constant 16 : i32
      %mul3A_47 = arith.muli %scan3A_45, %mul3A_46 : i32
      %get3A_48 = arith.index_cast %mul3A_47 : i32 to index
      %get3A_49 = tpu.vector_load %arg11[%get3A_48] {strides = array<i32>} : memref<13312xi32, #tpu.memory_space<vmem>>, vector<16xi32>,
      %gather3A_50 = tpu.vector_load_idx %arg12[%get3A_49] : memref<50000xf32, #tpu.memory_space<vmem>>[vector<16xi32>], vector<16xf32>,
      %mul3A_51 = arith.constant 16 : i32
      %mul3A_52 = arith.muli %scan3A_45, %mul3A_51 : i32
      %swap3A_53 = arith.index_cast %mul3A_52 : i32 to index
      %swap3A_54 = tpu.vector_load %arg13[%swap3A_53] {strides = array<i32>} : memref<13312xf32, #tpu.memory_space<vmem>>, vector<16xf32>,
      tpu.vector_store %arg13[%swap3A_53], %gather3A_50 {strides = array<i32>} : memref<13312xf32, #tpu.memory_space<vmem>>, vector<16xf32>,
      %scan3A_55 = arith.constant 3 : i32
      %scan3A_56 = arith.addi %scan3A_26, %scan3A_55 : i32
      %mul3A_57 = arith.constant 16 : i32
      %mul3A_58 = arith.muli %scan3A_56, %mul3A_57 : i32
      %get3A_59 = arith.index_cast %mul3A_58 : i32 to index
      %get3A_60 = tpu.vector_load %arg11[%get3A_59] {strides = array<i32>} : memref<13312xi32, #tpu.memory_space<vmem>>, vector<16xi32>,
      %gather3A_61 = tpu.vector_load_idx %arg12[%get3A_60] : memref<50000xf32, #tpu.memory_space<vmem>>[vector<16xi32>], vector<16xf32>,
      %mul3A_62 = arith.constant 16 : i32
      %mul3A_63 = arith.muli %scan3A_56, %mul3A_62 : i32
      %swap3A_64 = arith.index_cast %mul3A_63 : i32 to index
      %swap3A_65 = tpu.vector_load %arg13[%swap3A_64] {strides = array<i32>} : memref<13312xf32, #tpu.memory_space<vmem>>, vector<16xf32>,
      tpu.vector_store %arg13[%swap3A_64], %gather3A_61 {strides = array<i32>} : memref<13312xf32, #tpu.memory_space<vmem>>, vector<16xf32>,
      %scan3A_66 = arith.constant 4 : i32
      %scan3A_67 = arith.addi %scan3A_26, %scan3A_66 : i32
      %mul3A_68 = arith.constant 16 : i32
      %mul3A_69 = arith.muli %scan3A_67, %mul3A_68 : i32
      %get3A_70 = arith.index_cast %mul3A_69 : i32 to index
      %get3A_71 = tpu.vector_load %arg11[%get3A_70] {strides = array<i32>} : memref<13312xi32, #tpu.memory_space<vmem>>, vector<16xi32>,
      %gather3A_72 = tpu.vector_load_idx %arg12[%get3A_71] : memref<50000xf32, #tpu.memory_space<vmem>>[vector<16xi32>], vector<16xf32>,
      %mul3A_73 = arith.constant 16 : i32
      %mul3A_74 = arith.muli %scan3A_67, %mul3A_73 : i32
      %swap3A_75 = arith.index_cast %mul3A_74 : i32 to index
      %swap3A_76 = tpu.vector_load %arg13[%swap3A_75] {strides = array<i32>} : memref<13312xf32, #tpu.memory_space<vmem>>, vector<16xf32>,
      tpu.vector_store %arg13[%swap3A_75], %gather3A_72 {strides = array<i32>} : memref<13312xf32, #tpu.memory_space<vmem>>, vector<16xf32>,
      %scan3A_77 = arith.constant 5 : i32
      %scan3A_78 = arith.addi %scan3A_26, %scan3A_77 : i32
      %mul3A_79 = arith.constant 16 : i32
      %mul3A_80 = arith.muli %scan3A_78, %mul3A_79 : i32
      %get3A_81 = arith.index_cast %mul3A_80 : i32 to index
      %get3A_82 = tpu.vector_load %arg11[%get3A_81] {strides = array<i32>} : memref<13312xi32, #tpu.memory_space<vmem>>, vector<16xi32>,
      %gather3A_83 = tpu.vector_load_idx %arg12[%get3A_82] : memref<50000xf32, #tpu.memory_space<vmem>>[vector<16xi32>], vector<16xf32>,
      %mul3A_84 = arith.constant 16 : i32
      %mul3A_85 = arith.muli %scan3A_78, %mul3A_84 : i32
      %swap3A_86 = arith.index_cast %mul3A_85 : i32 to index
      %swap3A_87 = tpu.vector_load %arg13[%swap3A_86] {strides = array<i32>} : memref<13312xf32, #tpu.memory_space<vmem>>, vector<16xf32>,
      tpu.vector_store %arg13[%swap3A_86], %gather3A_83 {strides = array<i32>} : memref<13312xf32, #tpu.memory_space<vmem>>, vector<16xf32>,
      %scan3A_88 = arith.constant 6 : i32
      %scan3A_89 = arith.addi %scan3A_26, %scan3A_88 : i32
      %mul3A_90 = arith.constant 16 : i32
      %mul3A_91 = arith.muli %scan3A_89, %mul3A_90 : i32
      %get3A_92 = arith.index_cast %mul3A_91 : i32 to index
      %get3A_93 = tpu.vector_load %arg11[%get3A_92] {strides = array<i32>} : memref<13312xi32, #tpu.memory_space<vmem>>, vector<16xi32>,
      %gather3A_94 = tpu.vector_load_idx %arg12[%get3A_93] : memref<50000xf32, #tpu.memory_space<vmem>>[vector<16xi32>], vector<16xf32>,
      %mul3A_95 = arith.constant 16 : i32
      %mul3A_96 = arith.muli %scan3A_89, %mul3A_95 : i32
      %swap3A_97 = arith.index_cast %mul3A_96 : i32 to index
      %swap3A_98 = tpu.vector_load %arg13[%swap3A_97] {strides = array<i32>} : memref<13312xf32, #tpu.memory_space<vmem>>, vector<16xf32>,
      tpu.vector_store %arg13[%swap3A_97], %gather3A_94 {strides = array<i32>} : memref<13312xf32, #tpu.memory_space<vmem>>, vector<16xf32>,
      %scan3A_99 = arith.constant 7 : i32
      %scan3A_100 = arith.addi %scan3A_26, %scan3A_99 : i32
      %mul3A_101 = arith.constant 16 : i32
      %mul3A_102 = arith.muli %scan3A_100, %mul3A_101 : i32
      %get3A_103 = arith.index_cast %mul3A_102 : i32 to index
      %get3A_104 = tpu.vector_load %arg11[%get3A_103] {strides = array<i32>} : memref<13312xi32, #tpu.memory_space<vmem>>, vector<16xi32>,
      %gather3A_105 = tpu.vector_load_idx %arg12[%get3A_104] : memref<50000xf32, #tpu.memory_space<vmem>>[vector<16xi32>], vector<16xf32>,
      %mul3A_106 = arith.constant 16 : i32
      %mul3A_107 = arith.muli %scan3A_100, %mul3A_106 : i32
      %swap3A_108 = arith.index_cast %mul3A_107 : i32 to index
      %swap3A_109 = tpu.vector_load %arg13[%swap3A_108] {strides = array<i32>} : memref<13312xf32, #tpu.memory_space<vmem>>, vector<16xf32>,
      tpu.vector_store %arg13[%swap3A_108], %gather3A_105 {strides = array<i32>} : memref<13312xf32, #tpu.memory_space<vmem>>, vector<16xf32>,
    }
    %scan3A_7 = arith.constant 832 : i32
    "tpu.region"() ({
      %run_scoped3A = tpu.sem_alloc : memref<!tpu.dma_semaphore, #tpu.memory_space<semaphore_mem>>
      %dma_start3A = tpu.memref_slice %arg7[%mul3A_2] : memref<425984xf32, #tpu.memory_space<hbm>> -> memref<13312xf32, #tpu.memory_space<hbm>>
      %dma_start3A_26 = tpu.memref_slice %arg7[%mul3A_2] : memref<425984xf32, #tpu.memory_space<hbm>> -> memref<13312xf32, #tpu.memory_space<hbm>>
      tpu.enqueue_dma source(%arg13 : memref<13312xf32, #tpu.memory_space<vmem>>) target(%dma_start3A_26 : memref<13312xf32, #tpu.memory_space<hbm>>) target_semaphore(%run_scoped3A : memref<!tpu.dma_semaphore, #tpu.memory_space<semaphore_mem>>)
      %dma_wait3A = tpu.memref_slice %arg7[%mul3A_2] : memref<425984xf32, #tpu.memory_space<hbm>> -> memref<13312xf32, #tpu.memory_space<hbm>>
      %dma_wait3A_27 = tpu.memref_slice %arg7[%mul3A_2] : memref<425984xf32, #tpu.memory_space<hbm>> -> memref<13312xf32, #tpu.memory_space<hbm>>
      tpu.wait_dma2 semaphore(%run_scoped3A : memref<!tpu.dma_semaphore, #tpu.memory_space<semaphore_mem>>) src(%arg13 : memref<13312xf32, #tpu.memory_space<vmem>>) dst(%dma_wait3A_27 : memref<13312xf32, #tpu.memory_space<hbm>>)
      tpu.yield
    }) : () -> ()
    "tpu.region"() ({
      %run_scoped3A = tpu.sem_alloc : memref<!tpu.dma_semaphore, #tpu.memory_space<semaphore_mem>>
      tpu.enqueue_dma source(%arg4 : memref<50000xf32, #tpu.memory_space<hbm>>) target(%arg12 : memref<50000xf32, #tpu.memory_space<vmem>>) target_semaphore(%run_scoped3A : memref<!tpu.dma_semaphore, #tpu.memory_space<semaphore_mem>>)
      tpu.wait_dma2 semaphore(%run_scoped3A : memref<!tpu.dma_semaphore, #tpu.memory_space<semaphore_mem>>) src(%arg4 : memref<50000xf32, #tpu.memory_space<hbm>>) dst(%arg12 : memref<50000xf32, #tpu.memory_space<vmem>>)
      tpu.yield
    }) : () -> ()
    %scan3A_8 = arith.constant 0 : i32
    %scan3A_9 = arith.constant 0 : i32
    %scan3A_10 = arith.constant 832 : i32
    %scan3A_11 = arith.addi %scan3A_9, %scan3A_10 : i32
    %scan3A_12 = arith.constant 8 : i32
    scf.for %scan3A_26 = %scan3A_9 to %scan3A_11 step %scan3A_12  : i32 {
      %mul3A_27 = arith.constant 16 : i32
      %mul3A_28 = arith.muli %scan3A_26, %mul3A_27 : i32
      %get3A = arith.index_cast %mul3A_28 : i32 to index
      %get3A_29 = tpu.vector_load %arg11[%get3A] {strides = array<i32>} : memref<13312xi32, #tpu.memory_space<vmem>>, vector<16xi32>,
      %gather3A = tpu.vector_load_idx %arg12[%get3A_29] : memref<50000xf32, #tpu.memory_space<vmem>>[vector<16xi32>], vector<16xf32>,
      %mul3A_30 = arith.constant 16 : i32
      %mul3A_31 = arith.muli %scan3A_26, %mul3A_30 : i32
      %swap3A = arith.index_cast %mul3A_31 : i32 to index
      %swap3A_32 = tpu.vector_load %arg13[%swap3A] {strides = array<i32>} : memref<13312xf32, #tpu.memory_space<vmem>>, vector<16xf32>,
      tpu.vector_store %arg13[%swap3A], %gather3A {strides = array<i32>} : memref<13312xf32, #tpu.memory_space<vmem>>, vector<16xf32>,
      %scan3A_33 = arith.constant 1 : i32
      %scan3A_34 = arith.addi %scan3A_26, %scan3A_33 : i32
      %mul3A_35 = arith.constant 16 : i32
      %mul3A_36 = arith.muli %scan3A_34, %mul3A_35 : i32
      %get3A_37 = arith.index_cast %mul3A_36 : i32 to index
      %get3A_38 = tpu.vector_load %arg11[%get3A_37] {strides = array<i32>} : memref<13312xi32, #tpu.memory_space<vmem>>, vector<16xi32>,
      %gather3A_39 = tpu.vector_load_idx %arg12[%get3A_38] : memref<50000xf32, #tpu.memory_space<vmem>>[vector<16xi32>], vector<16xf32>,
      %mul3A_40 = arith.constant 16 : i32
      %mul3A_41 = arith.muli %scan3A_34, %mul3A_40 : i32
      %swap3A_42 = arith.index_cast %mul3A_41 : i32 to index
      %swap3A_43 = tpu.vector_load %arg13[%swap3A_42] {strides = array<i32>} : memref<13312xf32, #tpu.memory_space<vmem>>, vector<16xf32>,
      tpu.vector_store %arg13[%swap3A_42], %gather3A_39 {strides = array<i32>} : memref<13312xf32, #tpu.memory_space<vmem>>, vector<16xf32>,
      %scan3A_44 = arith.constant 2 : i32
      %scan3A_45 = arith.addi %scan3A_26, %scan3A_44 : i32
      %mul3A_46 = arith.constant 16 : i32
      %mul3A_47 = arith.muli %scan3A_45, %mul3A_46 : i32
      %get3A_48 = arith.index_cast %mul3A_47 : i32 to index
      %get3A_49 = tpu.vector_load %arg11[%get3A_48] {strides = array<i32>} : memref<13312xi32, #tpu.memory_space<vmem>>, vector<16xi32>,
      %gather3A_50 = tpu.vector_load_idx %arg12[%get3A_49] : memref<50000xf32, #tpu.memory_space<vmem>>[vector<16xi32>], vector<16xf32>,
      %mul3A_51 = arith.constant 16 : i32
      %mul3A_52 = arith.muli %scan3A_45, %mul3A_51 : i32
      %swap3A_53 = arith.index_cast %mul3A_52 : i32 to index
      %swap3A_54 = tpu.vector_load %arg13[%swap3A_53] {strides = array<i32>} : memref<13312xf32, #tpu.memory_space<vmem>>, vector<16xf32>,
      tpu.vector_store %arg13[%swap3A_53], %gather3A_50 {strides = array<i32>} : memref<13312xf32, #tpu.memory_space<vmem>>, vector<16xf32>,
      %scan3A_55 = arith.constant 3 : i32
      %scan3A_56 = arith.addi %scan3A_26, %scan3A_55 : i32
      %mul3A_57 = arith.constant 16 : i32
      %mul3A_58 = arith.muli %scan3A_56, %mul3A_57 : i32
      %get3A_59 = arith.index_cast %mul3A_58 : i32 to index
      %get3A_60 = tpu.vector_load %arg11[%get3A_59] {strides = array<i32>} : memref<13312xi32, #tpu.memory_space<vmem>>, vector<16xi32>,
      %gather3A_61 = tpu.vector_load_idx %arg12[%get3A_60] : memref<50000xf32, #tpu.memory_space<vmem>>[vector<16xi32>], vector<16xf32>,
      %mul3A_62 = arith.constant 16 : i32
      %mul3A_63 = arith.muli %scan3A_56, %mul3A_62 : i32
      %swap3A_64 = arith.index_cast %mul3A_63 : i32 to index
      %swap3A_65 = tpu.vector_load %arg13[%swap3A_64] {strides = array<i32>} : memref<13312xf32, #tpu.memory_space<vmem>>, vector<16xf32>,
      tpu.vector_store %arg13[%swap3A_64], %gather3A_61 {strides = array<i32>} : memref<13312xf32, #tpu.memory_space<vmem>>, vector<16xf32>,
      %scan3A_66 = arith.constant 4 : i32
      %scan3A_67 = arith.addi %scan3A_26, %scan3A_66 : i32
      %mul3A_68 = arith.constant 16 : i32
      %mul3A_69 = arith.muli %scan3A_67, %mul3A_68 : i32
      %get3A_70 = arith.index_cast %mul3A_69 : i32 to index
      %get3A_71 = tpu.vector_load %arg11[%get3A_70] {strides = array<i32>} : memref<13312xi32, #tpu.memory_space<vmem>>, vector<16xi32>,
      %gather3A_72 = tpu.vector_load_idx %arg12[%get3A_71] : memref<50000xf32, #tpu.memory_space<vmem>>[vector<16xi32>], vector<16xf32>,
      %mul3A_73 = arith.constant 16 : i32
      %mul3A_74 = arith.muli %scan3A_67, %mul3A_73 : i32
      %swap3A_75 = arith.index_cast %mul3A_74 : i32 to index
      %swap3A_76 = tpu.vector_load %arg13[%swap3A_75] {strides = array<i32>} : memref<13312xf32, #tpu.memory_space<vmem>>, vector<16xf32>,
      tpu.vector_store %arg13[%swap3A_75], %gather3A_72 {strides = array<i32>} : memref<13312xf32, #tpu.memory_space<vmem>>, vector<16xf32>,
      %scan3A_77 = arith.constant 5 : i32
      %scan3A_78 = arith.addi %scan3A_26, %scan3A_77 : i32
      %mul3A_79 = arith.constant 16 : i32
      %mul3A_80 = arith.muli %scan3A_78, %mul3A_79 : i32
      %get3A_81 = arith.index_cast %mul3A_80 : i32 to index
      %get3A_82 = tpu.vector_load %arg11[%get3A_81] {strides = array<i32>} : memref<13312xi32, #tpu.memory_space<vmem>>, vector<16xi32>,
      %gather3A_83 = tpu.vector_load_idx %arg12[%get3A_82] : memref<50000xf32, #tpu.memory_space<vmem>>[vector<16xi32>], vector<16xf32>,
      %mul3A_84 = arith.constant 16 : i32
      %mul3A_85 = arith.muli %scan3A_78, %mul3A_84 : i32
      %swap3A_86 = arith.index_cast %mul3A_85 : i32 to index
      %swap3A_87 = tpu.vector_load %arg13[%swap3A_86] {strides = array<i32>} : memref<13312xf32, #tpu.memory_space<vmem>>, vector<16xf32>,
      tpu.vector_store %arg13[%swap3A_86], %gather3A_83 {strides = array<i32>} : memref<13312xf32, #tpu.memory_space<vmem>>, vector<16xf32>,
      %scan3A_88 = arith.constant 6 : i32
      %scan3A_89 = arith.addi %scan3A_26, %scan3A_88 : i32
      %mul3A_90 = arith.constant 16 : i32
      %mul3A_91 = arith.muli %scan3A_89, %mul3A_90 : i32
      %get3A_92 = arith.index_cast %mul3A_91 : i32 to index
      %get3A_93 = tpu.vector_load %arg11[%get3A_92] {strides = array<i32>} : memref<13312xi32, #tpu.memory_space<vmem>>, vector<16xi32>,
      %gather3A_94 = tpu.vector_load_idx %arg12[%get3A_93] : memref<50000xf32, #tpu.memory_space<vmem>>[vector<16xi32>], vector<16xf32>,
      %mul3A_95 = arith.constant 16 : i32
      %mul3A_96 = arith.muli %scan3A_89, %mul3A_95 : i32
      %swap3A_97 = arith.index_cast %mul3A_96 : i32 to index
      %swap3A_98 = tpu.vector_load %arg13[%swap3A_97] {strides = array<i32>} : memref<13312xf32, #tpu.memory_space<vmem>>, vector<16xf32>,
      tpu.vector_store %arg13[%swap3A_97], %gather3A_94 {strides = array<i32>} : memref<13312xf32, #tpu.memory_space<vmem>>, vector<16xf32>,
      %scan3A_99 = arith.constant 7 : i32
      %scan3A_100 = arith.addi %scan3A_26, %scan3A_99 : i32
      %mul3A_101 = arith.constant 16 : i32
      %mul3A_102 = arith.muli %scan3A_100, %mul3A_101 : i32
      %get3A_103 = arith.index_cast %mul3A_102 : i32 to index
      %get3A_104 = tpu.vector_load %arg11[%get3A_103] {strides = array<i32>} : memref<13312xi32, #tpu.memory_space<vmem>>, vector<16xi32>,
      %gather3A_105 = tpu.vector_load_idx %arg12[%get3A_104] : memref<50000xf32, #tpu.memory_space<vmem>>[vector<16xi32>], vector<16xf32>,
      %mul3A_106 = arith.constant 16 : i32
      %mul3A_107 = arith.muli %scan3A_100, %mul3A_106 : i32
      %swap3A_108 = arith.index_cast %mul3A_107 : i32 to index
      %swap3A_109 = tpu.vector_load %arg13[%swap3A_108] {strides = array<i32>} : memref<13312xf32, #tpu.memory_space<vmem>>, vector<16xf32>,
      tpu.vector_store %arg13[%swap3A_108], %gather3A_105 {strides = array<i32>} : memref<13312xf32, #tpu.memory_space<vmem>>, vector<16xf32>,
    }
    %scan3A_13 = arith.constant 832 : i32
    "tpu.region"() ({
      %run_scoped3A = tpu.sem_alloc : memref<!tpu.dma_semaphore, #tpu.memory_space<semaphore_mem>>
      %dma_start3A = tpu.memref_slice %arg8[%mul3A_2] : memref<425984xf32, #tpu.memory_space<hbm>> -> memref<13312xf32, #tpu.memory_space<hbm>>
      %dma_start3A_26 = tpu.memref_slice %arg8[%mul3A_2] : memref<425984xf32, #tpu.memory_space<hbm>> -> memref<13312xf32, #tpu.memory_space<hbm>>
      tpu.enqueue_dma source(%arg13 : memref<13312xf32, #tpu.memory_space<vmem>>) target(%dma_start3A_26 : memref<13312xf32, #tpu.memory_space<hbm>>) target_semaphore(%run_scoped3A : memref<!tpu.dma_semaphore, #tpu.memory_space<semaphore_mem>>)
      %dma_wait3A = tpu.memref_slice %arg8[%mul3A_2] : memref<425984xf32, #tpu.memory_space<hbm>> -> memref<13312xf32, #tpu.memory_space<hbm>>
      %dma_wait3A_27 = tpu.memref_slice %arg8[%mul3A_2] : memref<425984xf32, #tpu.memory_space<hbm>> -> memref<13312xf32, #tpu.memory_space<hbm>>
      tpu.wait_dma2 semaphore(%run_scoped3A : memref<!tpu.dma_semaphore, #tpu.memory_space<semaphore_mem>>) src(%arg13 : memref<13312xf32, #tpu.memory_space<vmem>>) dst(%dma_wait3A_27 : memref<13312xf32, #tpu.memory_space<hbm>>)
      tpu.yield
    }) : () -> ()
    "tpu.region"() ({
      %run_scoped3A = tpu.sem_alloc : memref<!tpu.dma_semaphore, #tpu.memory_space<semaphore_mem>>
      tpu.enqueue_dma source(%arg5 : memref<50000xf32, #tpu.memory_space<hbm>>) target(%arg12 : memref<50000xf32, #tpu.memory_space<vmem>>) target_semaphore(%run_scoped3A : memref<!tpu.dma_semaphore, #tpu.memory_space<semaphore_mem>>)
      tpu.wait_dma2 semaphore(%run_scoped3A : memref<!tpu.dma_semaphore, #tpu.memory_space<semaphore_mem>>) src(%arg5 : memref<50000xf32, #tpu.memory_space<hbm>>) dst(%arg12 : memref<50000xf32, #tpu.memory_space<vmem>>)
      tpu.yield
    }) : () -> ()
    %scan3A_14 = arith.constant 0 : i32
    %scan3A_15 = arith.constant 0 : i32
    %scan3A_16 = arith.constant 832 : i32
    %scan3A_17 = arith.addi %scan3A_15, %scan3A_16 : i32
    %scan3A_18 = arith.constant 8 : i32
    scf.for %scan3A_26 = %scan3A_15 to %scan3A_17 step %scan3A_18  : i32 {
      %mul3A_27 = arith.constant 16 : i32
      %mul3A_28 = arith.muli %scan3A_26, %mul3A_27 : i32
      %get3A = arith.index_cast %mul3A_28 : i32 to index
      %get3A_29 = tpu.vector_load %arg11[%get3A] {strides = array<i32>} : memref<13312xi32, #tpu.memory_space<vmem>>, vector<16xi32>,
      %gather3A = tpu.vector_load_idx %arg12[%get3A_29] : memref<50000xf32, #tpu.memory_space<vmem>>[vector<16xi32>], vector<16xf32>,
      %mul3A_30 = arith.constant 16 : i32
      %mul3A_31 = arith.muli %scan3A_26, %mul3A_30 : i32
      %swap3A = arith.index_cast %mul3A_31 : i32 to index
      %swap3A_32 = tpu.vector_load %arg13[%swap3A] {strides = array<i32>} : memref<13312xf32, #tpu.memory_space<vmem>>, vector<16xf32>,
      tpu.vector_store %arg13[%swap3A], %gather3A {strides = array<i32>} : memref<13312xf32, #tpu.memory_space<vmem>>, vector<16xf32>,
      %scan3A_33 = arith.constant 1 : i32
      %scan3A_34 = arith.addi %scan3A_26, %scan3A_33 : i32
      %mul3A_35 = arith.constant 16 : i32
      %mul3A_36 = arith.muli %scan3A_34, %mul3A_35 : i32
      %get3A_37 = arith.index_cast %mul3A_36 : i32 to index
      %get3A_38 = tpu.vector_load %arg11[%get3A_37] {strides = array<i32>} : memref<13312xi32, #tpu.memory_space<vmem>>, vector<16xi32>,
      %gather3A_39 = tpu.vector_load_idx %arg12[%get3A_38] : memref<50000xf32, #tpu.memory_space<vmem>>[vector<16xi32>], vector<16xf32>,
      %mul3A_40 = arith.constant 16 : i32
      %mul3A_41 = arith.muli %scan3A_34, %mul3A_40 : i32
      %swap3A_42 = arith.index_cast %mul3A_41 : i32 to index
      %swap3A_43 = tpu.vector_load %arg13[%swap3A_42] {strides = array<i32>} : memref<13312xf32, #tpu.memory_space<vmem>>, vector<16xf32>,
      tpu.vector_store %arg13[%swap3A_42], %gather3A_39 {strides = array<i32>} : memref<13312xf32, #tpu.memory_space<vmem>>, vector<16xf32>,
      %scan3A_44 = arith.constant 2 : i32
      %scan3A_45 = arith.addi %scan3A_26, %scan3A_44 : i32
      %mul3A_46 = arith.constant 16 : i32
      %mul3A_47 = arith.muli %scan3A_45, %mul3A_46 : i32
      %get3A_48 = arith.index_cast %mul3A_47 : i32 to index
      %get3A_49 = tpu.vector_load %arg11[%get3A_48] {strides = array<i32>} : memref<13312xi32, #tpu.memory_space<vmem>>, vector<16xi32>,
      %gather3A_50 = tpu.vector_load_idx %arg12[%get3A_49] : memref<50000xf32, #tpu.memory_space<vmem>>[vector<16xi32>], vector<16xf32>,
      %mul3A_51 = arith.constant 16 : i32
      %mul3A_52 = arith.muli %scan3A_45, %mul3A_51 : i32
      %swap3A_53 = arith.index_cast %mul3A_52 : i32 to index
      %swap3A_54 = tpu.vector_load %arg13[%swap3A_53] {strides = array<i32>} : memref<13312xf32, #tpu.memory_space<vmem>>, vector<16xf32>,
      tpu.vector_store %arg13[%swap3A_53], %gather3A_50 {strides = array<i32>} : memref<13312xf32, #tpu.memory_space<vmem>>, vector<16xf32>,
      %scan3A_55 = arith.constant 3 : i32
      %scan3A_56 = arith.addi %scan3A_26, %scan3A_55 : i32
      %mul3A_57 = arith.constant 16 : i32
      %mul3A_58 = arith.muli %scan3A_56, %mul3A_57 : i32
      %get3A_59 = arith.index_cast %mul3A_58 : i32 to index
      %get3A_60 = tpu.vector_load %arg11[%get3A_59] {strides = array<i32>} : memref<13312xi32, #tpu.memory_space<vmem>>, vector<16xi32>,
      %gather3A_61 = tpu.vector_load_idx %arg12[%get3A_60] : memref<50000xf32, #tpu.memory_space<vmem>>[vector<16xi32>], vector<16xf32>,
      %mul3A_62 = arith.constant 16 : i32
      %mul3A_63 = arith.muli %scan3A_56, %mul3A_62 : i32
      %swap3A_64 = arith.index_cast %mul3A_63 : i32 to index
      %swap3A_65 = tpu.vector_load %arg13[%swap3A_64] {strides = array<i32>} : memref<13312xf32, #tpu.memory_space<vmem>>, vector<16xf32>,
      tpu.vector_store %arg13[%swap3A_64], %gather3A_61 {strides = array<i32>} : memref<13312xf32, #tpu.memory_space<vmem>>, vector<16xf32>,
      %scan3A_66 = arith.constant 4 : i32
      %scan3A_67 = arith.addi %scan3A_26, %scan3A_66 : i32
      %mul3A_68 = arith.constant 16 : i32
      %mul3A_69 = arith.muli %scan3A_67, %mul3A_68 : i32
      %get3A_70 = arith.index_cast %mul3A_69 : i32 to index
      %get3A_71 = tpu.vector_load %arg11[%get3A_70] {strides = array<i32>} : memref<13312xi32, #tpu.memory_space<vmem>>, vector<16xi32>,
      %gather3A_72 = tpu.vector_load_idx %arg12[%get3A_71] : memref<50000xf32, #tpu.memory_space<vmem>>[vector<16xi32>], vector<16xf32>,
      %mul3A_73 = arith.constant 16 : i32
      %mul3A_74 = arith.muli %scan3A_67, %mul3A_73 : i32
      %swap3A_75 = arith.index_cast %mul3A_74 : i32 to index
      %swap3A_76 = tpu.vector_load %arg13[%swap3A_75] {strides = array<i32>} : memref<13312xf32, #tpu.memory_space<vmem>>, vector<16xf32>,
      tpu.vector_store %arg13[%swap3A_75], %gather3A_72 {strides = array<i32>} : memref<13312xf32, #tpu.memory_space<vmem>>, vector<16xf32>,
      %scan3A_77 = arith.constant 5 : i32
      %scan3A_78 = arith.addi %scan3A_26, %scan3A_77 : i32
      %mul3A_79 = arith.constant 16 : i32
      %mul3A_80 = arith.muli %scan3A_78, %mul3A_79 : i32
      %get3A_81 = arith.index_cast %mul3A_80 : i32 to index
      %get3A_82 = tpu.vector_load %arg11[%get3A_81] {strides = array<i32>} : memref<13312xi32, #tpu.memory_space<vmem>>, vector<16xi32>,
      %gather3A_83 = tpu.vector_load_idx %arg12[%get3A_82] : memref<50000xf32, #tpu.memory_space<vmem>>[vector<16xi32>], vector<16xf32>,
      %mul3A_84 = arith.constant 16 : i32
      %mul3A_85 = arith.muli %scan3A_78, %mul3A_84 : i32
      %swap3A_86 = arith.index_cast %mul3A_85 : i32 to index
      %swap3A_87 = tpu.vector_load %arg13[%swap3A_86] {strides = array<i32>} : memref<13312xf32, #tpu.memory_space<vmem>>, vector<16xf32>,
      tpu.vector_store %arg13[%swap3A_86], %gather3A_83 {strides = array<i32>} : memref<13312xf32, #tpu.memory_space<vmem>>, vector<16xf32>,
      %scan3A_88 = arith.constant 6 : i32
      %scan3A_89 = arith.addi %scan3A_26, %scan3A_88 : i32
      %mul3A_90 = arith.constant 16 : i32
      %mul3A_91 = arith.muli %scan3A_89, %mul3A_90 : i32
      %get3A_92 = arith.index_cast %mul3A_91 : i32 to index
      %get3A_93 = tpu.vector_load %arg11[%get3A_92] {strides = array<i32>} : memref<13312xi32, #tpu.memory_space<vmem>>, vector<16xi32>,
      %gather3A_94 = tpu.vector_load_idx %arg12[%get3A_93] : memref<50000xf32, #tpu.memory_space<vmem>>[vector<16xi32>], vector<16xf32>,
      %mul3A_95 = arith.constant 16 : i32
      %mul3A_96 = arith.muli %scan3A_89, %mul3A_95 : i32
      %swap3A_97 = arith.index_cast %mul3A_96 : i32 to index
      %swap3A_98 = tpu.vector_load %arg13[%swap3A_97] {strides = array<i32>} : memref<13312xf32, #tpu.memory_space<vmem>>, vector<16xf32>,
      tpu.vector_store %arg13[%swap3A_97], %gather3A_94 {strides = array<i32>} : memref<13312xf32, #tpu.memory_space<vmem>>, vector<16xf32>,
      %scan3A_99 = arith.constant 7 : i32
      %scan3A_100 = arith.addi %scan3A_26, %scan3A_99 : i32
      %mul3A_101 = arith.constant 16 : i32
      %mul3A_102 = arith.muli %scan3A_100, %mul3A_101 : i32
      %get3A_103 = arith.index_cast %mul3A_102 : i32 to index
      %get3A_104 = tpu.vector_load %arg11[%get3A_103] {strides = array<i32>} : memref<13312xi32, #tpu.memory_space<vmem>>, vector<16xi32>,
      %gather3A_105 = tpu.vector_load_idx %arg12[%get3A_104] : memref<50000xf32, #tpu.memory_space<vmem>>[vector<16xi32>], vector<16xf32>,
      %mul3A_106 = arith.constant 16 : i32
      %mul3A_107 = arith.muli %scan3A_100, %mul3A_106 : i32
      %swap3A_108 = arith.index_cast %mul3A_107 : i32 to index
      %swap3A_109 = tpu.vector_load %arg13[%swap3A_108] {strides = array<i32>} : memref<13312xf32, #tpu.memory_space<vmem>>, vector<16xf32>,
      tpu.vector_store %arg13[%swap3A_108], %gather3A_105 {strides = array<i32>} : memref<13312xf32, #tpu.memory_space<vmem>>, vector<16xf32>,
    }
    %scan3A_19 = arith.constant 832 : i32
    "tpu.region"() ({
      %run_scoped3A = tpu.sem_alloc : memref<!tpu.dma_semaphore, #tpu.memory_space<semaphore_mem>>
      %dma_start3A = tpu.memref_slice %arg9[%mul3A_2] : memref<425984xf32, #tpu.memory_space<hbm>> -> memref<13312xf32, #tpu.memory_space<hbm>>
      %dma_start3A_26 = tpu.memref_slice %arg9[%mul3A_2] : memref<425984xf32, #tpu.memory_space<hbm>> -> memref<13312xf32, #tpu.memory_space<hbm>>
      tpu.enqueue_dma source(%arg13 : memref<13312xf32, #tpu.memory_space<vmem>>) target(%dma_start3A_26 : memref<13312xf32, #tpu.memory_space<hbm>>) target_semaphore(%run_scoped3A : memref<!tpu.dma_semaphore, #tpu.memory_space<semaphore_mem>>)
      %dma_wait3A = tpu.memref_slice %arg9[%mul3A_2] : memref<425984xf32, #tpu.memory_space<hbm>> -> memref<13312xf32, #tpu.memory_space<hbm>>
      %dma_wait3A_27 = tpu.memref_slice %arg9[%mul3A_2] : memref<425984xf32, #tpu.memory_space<hbm>> -> memref<13312xf32, #tpu.memory_space<hbm>>
      tpu.wait_dma2 semaphore(%run_scoped3A : memref<!tpu.dma_semaphore, #tpu.memory_space<semaphore_mem>>) src(%arg13 : memref<13312xf32, #tpu.memory_space<vmem>>) dst(%dma_wait3A_27 : memref<13312xf32, #tpu.memory_space<hbm>>)
      tpu.yield
    }) : () -> ()
    "tpu.region"() ({
      %run_scoped3A = tpu.sem_alloc : memref<!tpu.dma_semaphore, #tpu.memory_space<semaphore_mem>>
      tpu.enqueue_dma source(%arg6 : memref<50000xf32, #tpu.memory_space<hbm>>) target(%arg12 : memref<50000xf32, #tpu.memory_space<vmem>>) target_semaphore(%run_scoped3A : memref<!tpu.dma_semaphore, #tpu.memory_space<semaphore_mem>>)
      tpu.wait_dma2 semaphore(%run_scoped3A : memref<!tpu.dma_semaphore, #tpu.memory_space<semaphore_mem>>) src(%arg6 : memref<50000xf32, #tpu.memory_space<hbm>>) dst(%arg12 : memref<50000xf32, #tpu.memory_space<vmem>>)
      tpu.yield
    }) : () -> ()
    %scan3A_20 = arith.constant 0 : i32
    %scan3A_21 = arith.constant 0 : i32
    %scan3A_22 = arith.constant 832 : i32
    %scan3A_23 = arith.addi %scan3A_21, %scan3A_22 : i32
    %scan3A_24 = arith.constant 8 : i32
    scf.for %scan3A_26 = %scan3A_21 to %scan3A_23 step %scan3A_24  : i32 {
      %mul3A_27 = arith.constant 16 : i32
      %mul3A_28 = arith.muli %scan3A_26, %mul3A_27 : i32
      %get3A = arith.index_cast %mul3A_28 : i32 to index
      %get3A_29 = tpu.vector_load %arg11[%get3A] {strides = array<i32>} : memref<13312xi32, #tpu.memory_space<vmem>>, vector<16xi32>,
      %gather3A = tpu.vector_load_idx %arg12[%get3A_29] : memref<50000xf32, #tpu.memory_space<vmem>>[vector<16xi32>], vector<16xf32>,
      %mul3A_30 = arith.constant 16 : i32
      %mul3A_31 = arith.muli %scan3A_26, %mul3A_30 : i32
      %swap3A = arith.index_cast %mul3A_31 : i32 to index
      %swap3A_32 = tpu.vector_load %arg13[%swap3A] {strides = array<i32>} : memref<13312xf32, #tpu.memory_space<vmem>>, vector<16xf32>,
      tpu.vector_store %arg13[%swap3A], %gather3A {strides = array<i32>} : memref<13312xf32, #tpu.memory_space<vmem>>, vector<16xf32>,
      %scan3A_33 = arith.constant 1 : i32
      %scan3A_34 = arith.addi %scan3A_26, %scan3A_33 : i32
      %mul3A_35 = arith.constant 16 : i32
      %mul3A_36 = arith.muli %scan3A_34, %mul3A_35 : i32
      %get3A_37 = arith.index_cast %mul3A_36 : i32 to index
      %get3A_38 = tpu.vector_load %arg11[%get3A_37] {strides = array<i32>} : memref<13312xi32, #tpu.memory_space<vmem>>, vector<16xi32>,
      %gather3A_39 = tpu.vector_load_idx %arg12[%get3A_38] : memref<50000xf32, #tpu.memory_space<vmem>>[vector<16xi32>], vector<16xf32>,
      %mul3A_40 = arith.constant 16 : i32
      %mul3A_41 = arith.muli %scan3A_34, %mul3A_40 : i32
      %swap3A_42 = arith.index_cast %mul3A_41 : i32 to index
      %swap3A_43 = tpu.vector_load %arg13[%swap3A_42] {strides = array<i32>} : memref<13312xf32, #tpu.memory_space<vmem>>, vector<16xf32>,
      tpu.vector_store %arg13[%swap3A_42], %gather3A_39 {strides = array<i32>} : memref<13312xf32, #tpu.memory_space<vmem>>, vector<16xf32>,
      %scan3A_44 = arith.constant 2 : i32
      %scan3A_45 = arith.addi %scan3A_26, %scan3A_44 : i32
      %mul3A_46 = arith.constant 16 : i32
      %mul3A_47 = arith.muli %scan3A_45, %mul3A_46 : i32
      %get3A_48 = arith.index_cast %mul3A_47 : i32 to index
      %get3A_49 = tpu.vector_load %arg11[%get3A_48] {strides = array<i32>} : memref<13312xi32, #tpu.memory_space<vmem>>, vector<16xi32>,
      %gather3A_50 = tpu.vector_load_idx %arg12[%get3A_49] : memref<50000xf32, #tpu.memory_space<vmem>>[vector<16xi32>], vector<16xf32>,
      %mul3A_51 = arith.constant 16 : i32
      %mul3A_52 = arith.muli %scan3A_45, %mul3A_51 : i32
      %swap3A_53 = arith.index_cast %mul3A_52 : i32 to index
      %swap3A_54 = tpu.vector_load %arg13[%swap3A_53] {strides = array<i32>} : memref<13312xf32, #tpu.memory_space<vmem>>, vector<16xf32>,
      tpu.vector_store %arg13[%swap3A_53], %gather3A_50 {strides = array<i32>} : memref<13312xf32, #tpu.memory_space<vmem>>, vector<16xf32>,
      %scan3A_55 = arith.constant 3 : i32
      %scan3A_56 = arith.addi %scan3A_26, %scan3A_55 : i32
      %mul3A_57 = arith.constant 16 : i32
      %mul3A_58 = arith.muli %scan3A_56, %mul3A_57 : i32
      %get3A_59 = arith.index_cast %mul3A_58 : i32 to index
      %get3A_60 = tpu.vector_load %arg11[%get3A_59] {strides = array<i32>} : memref<13312xi32, #tpu.memory_space<vmem>>, vector<16xi32>,
      %gather3A_61 = tpu.vector_load_idx %arg12[%get3A_60] : memref<50000xf32, #tpu.memory_space<vmem>>[vector<16xi32>], vector<16xf32>,
      %mul3A_62 = arith.constant 16 : i32
      %mul3A_63 = arith.muli %scan3A_56, %mul3A_62 : i32
      %swap3A_64 = arith.index_cast %mul3A_63 : i32 to index
      %swap3A_65 = tpu.vector_load %arg13[%swap3A_64] {strides = array<i32>} : memref<13312xf32, #tpu.memory_space<vmem>>, vector<16xf32>,
      tpu.vector_store %arg13[%swap3A_64], %gather3A_61 {strides = array<i32>} : memref<13312xf32, #tpu.memory_space<vmem>>, vector<16xf32>,
      %scan3A_66 = arith.constant 4 : i32
      %scan3A_67 = arith.addi %scan3A_26, %scan3A_66 : i32
      %mul3A_68 = arith.constant 16 : i32
      %mul3A_69 = arith.muli %scan3A_67, %mul3A_68 : i32
      %get3A_70 = arith.index_cast %mul3A_69 : i32 to index
      %get3A_71 = tpu.vector_load %arg11[%get3A_70] {strides = array<i32>} : memref<13312xi32, #tpu.memory_space<vmem>>, vector<16xi32>,
      %gather3A_72 = tpu.vector_load_idx %arg12[%get3A_71] : memref<50000xf32, #tpu.memory_space<vmem>>[vector<16xi32>], vector<16xf32>,
      %mul3A_73 = arith.constant 16 : i32
      %mul3A_74 = arith.muli %scan3A_67, %mul3A_73 : i32
      %swap3A_75 = arith.index_cast %mul3A_74 : i32 to index
      %swap3A_76 = tpu.vector_load %arg13[%swap3A_75] {strides = array<i32>} : memref<13312xf32, #tpu.memory_space<vmem>>, vector<16xf32>,
      tpu.vector_store %arg13[%swap3A_75], %gather3A_72 {strides = array<i32>} : memref<13312xf32, #tpu.memory_space<vmem>>, vector<16xf32>,
      %scan3A_77 = arith.constant 5 : i32
      %scan3A_78 = arith.addi %scan3A_26, %scan3A_77 : i32
      %mul3A_79 = arith.constant 16 : i32
      %mul3A_80 = arith.muli %scan3A_78, %mul3A_79 : i32
      %get3A_81 = arith.index_cast %mul3A_80 : i32 to index
      %get3A_82 = tpu.vector_load %arg11[%get3A_81] {strides = array<i32>} : memref<13312xi32, #tpu.memory_space<vmem>>, vector<16xi32>,
      %gather3A_83 = tpu.vector_load_idx %arg12[%get3A_82] : memref<50000xf32, #tpu.memory_space<vmem>>[vector<16xi32>], vector<16xf32>,
      %mul3A_84 = arith.constant 16 : i32
      %mul3A_85 = arith.muli %scan3A_78, %mul3A_84 : i32
      %swap3A_86 = arith.index_cast %mul3A_85 : i32 to index
      %swap3A_87 = tpu.vector_load %arg13[%swap3A_86] {strides = array<i32>} : memref<13312xf32, #tpu.memory_space<vmem>>, vector<16xf32>,
      tpu.vector_store %arg13[%swap3A_86], %gather3A_83 {strides = array<i32>} : memref<13312xf32, #tpu.memory_space<vmem>>, vector<16xf32>,
      %scan3A_88 = arith.constant 6 : i32
      %scan3A_89 = arith.addi %scan3A_26, %scan3A_88 : i32
      %mul3A_90 = arith.constant 16 : i32
      %mul3A_91 = arith.muli %scan3A_89, %mul3A_90 : i32
      %get3A_92 = arith.index_cast %mul3A_91 : i32 to index
      %get3A_93 = tpu.vector_load %arg11[%get3A_92] {strides = array<i32>} : memref<13312xi32, #tpu.memory_space<vmem>>, vector<16xi32>,
      %gather3A_94 = tpu.vector_load_idx %arg12[%get3A_93] : memref<50000xf32, #tpu.memory_space<vmem>>[vector<16xi32>], vector<16xf32>,
      %mul3A_95 = arith.constant 16 : i32
      %mul3A_96 = arith.muli %scan3A_89, %mul3A_95 : i32
      %swap3A_97 = arith.index_cast %mul3A_96 : i32 to index
      %swap3A_98 = tpu.vector_load %arg13[%swap3A_97] {strides = array<i32>} : memref<13312xf32, #tpu.memory_space<vmem>>, vector<16xf32>,
      tpu.vector_store %arg13[%swap3A_97], %gather3A_94 {strides = array<i32>} : memref<13312xf32, #tpu.memory_space<vmem>>, vector<16xf32>,
      %scan3A_99 = arith.constant 7 : i32
      %scan3A_100 = arith.addi %scan3A_26, %scan3A_99 : i32
      %mul3A_101 = arith.constant 16 : i32
      %mul3A_102 = arith.muli %scan3A_100, %mul3A_101 : i32
      %get3A_103 = arith.index_cast %mul3A_102 : i32 to index
      %get3A_104 = tpu.vector_load %arg11[%get3A_103] {strides = array<i32>} : memref<13312xi32, #tpu.memory_space<vmem>>, vector<16xi32>,
      %gather3A_105 = tpu.vector_load_idx %arg12[%get3A_104] : memref<50000xf32, #tpu.memory_space<vmem>>[vector<16xi32>], vector<16xf32>,
      %mul3A_106 = arith.constant 16 : i32
      %mul3A_107 = arith.muli %scan3A_100, %mul3A_106 : i32
      %swap3A_108 = arith.index_cast %mul3A_107 : i32 to index
      %swap3A_109 = tpu.vector_load %arg13[%swap3A_108] {strides = array<i32>} : memref<13312xf32, #tpu.memory_space<vmem>>, vector<16xf32>,
      tpu.vector_store %arg13[%swap3A_108], %gather3A_105 {strides = array<i32>} : memref<13312xf32, #tpu.memory_space<vmem>>, vector<16xf32>,
    }
    %scan3A_25 = arith.constant 832 : i32
    "tpu.region"() ({
      %run_scoped3A = tpu.sem_alloc : memref<!tpu.dma_semaphore, #tpu.memory_space<semaphore_mem>>
      %dma_start3A = tpu.memref_slice %arg10[%mul3A_2] : memref<425984xf32, #tpu.memory_space<hbm>> -> memref<13312xf32, #tpu.memory_space<hbm>>
      %dma_start3A_26 = tpu.memref_slice %arg10[%mul3A_2] : memref<425984xf32, #tpu.memory_space<hbm>> -> memref<13312xf32, #tpu.memory_space<hbm>>
      tpu.enqueue_dma source(%arg13 : memref<13312xf32, #tpu.memory_space<vmem>>) target(%dma_start3A_26 : memref<13312xf32, #tpu.memory_space<hbm>>) target_semaphore(%run_scoped3A : memref<!tpu.dma_semaphore, #tpu.memory_space<semaphore_mem>>)
      %dma_wait3A = tpu.memref_slice %arg10[%mul3A_2] : memref<425984xf32, #tpu.memory_space<hbm>> -> memref<13312xf32, #tpu.memory_space<hbm>>
      %dma_wait3A_27 = tpu.memref_slice %arg10[%mul3A_2] : memref<425984xf32, #tpu.memory_space<hbm>> -> memref<13312xf32, #tpu.memory_space<hbm>>
      tpu.wait_dma2 semaphore(%run_scoped3A : memref<!tpu.dma_semaphore, #tpu.memory_space<semaphore_mem>>) src(%arg13 : memref<13312xf32, #tpu.memory_space<vmem>>) dst(%dma_wait3A_27 : memref<13312xf32, #tpu.memory_space<hbm>>)
      tpu.yield
    }) : () -> ()
    return
  }
}

module attributes {stable_mosaic.version = 14 : i64} {
  func.func @_matvec_body(%arg0: i32, %arg1: memref<5000x128xf32, #tpu.memory_space<vmem>>, %arg2: memref<128x1xf32, #tpu.memory_space<vmem>>, %arg3: memref<1xf32, #tpu.memory_space<smem>>, %arg4: memref<5000x1xf32, #tpu.memory_space<vmem>>) attributes {dimension_semantics = [#tpu.dimension_semantics<arbitrary>], iteration_bounds = array<i64: 10>, scalar_prefetch = 0 : i64, scratch_operands = 0 : i64, tpu.core_type = #tpu.core_type<tc>, window_params = [{transform_indices = @transform_0, window_bounds = array<i64: 5000, 128>}, {pipeline_mode = #tpu.pipeline_mode<synchronous>, transform_indices = @transform_1, window_bounds = array<i64: 128, 1>}, {transform_indices = @transform_2, window_bounds = array<i64: 1>}, {transform_indices = @transform_3, window_bounds = array<i64: 5000, 1>}]} {
    %get3A = arith.constant 0 : index
    %get3A_0 = arith.constant 0 : index
    %get3A_1 = vector.load %arg1[%get3A, %get3A_0] : memref<5000x128xf32, #tpu.memory_space<vmem>>, vector<5000x128xf32>
    %get3A_2 = arith.constant 0 : index
    %get3A_3 = arith.constant 0 : index
    %get3A_4 = vector.load %arg2[%get3A_2, %get3A_3] : memref<128x1xf32, #tpu.memory_space<vmem>>, vector<128x1xf32>
    %dot_general3A = arith.constant dense<0.000000e+00> : vector<5000x1xf32>
    %dot_general3A_5 = tpu.matmul %get3A_1, %get3A_4, %dot_general3A {dimension_numbers = #tpu.dot_dimension_numbers<[1], [0], [0], [1], [0, 0, 1, 1], [], []>, transpose_lhs_hint = false} : vector<5000x128xf32>, vector<128x1xf32>, vector<5000x1xf32> -> vector<5000x1xf32>
    %get3A_6 = arith.constant 0 : index
    %get3A_7 = memref.load %arg3[%get3A_6] : memref<1xf32, #tpu.memory_space<smem>>
    %add3A = vector.broadcast %get3A_7 : f32 to vector<5000x1xf32>
    %add3A_8 = arith.addf %dot_general3A_5, %add3A : vector<5000x1xf32>
    %swap3A = arith.constant 0 : index
    %swap3A_9 = arith.constant 0 : index
    %swap3A_10 = vector.load %arg4[%swap3A, %swap3A_9] : memref<5000x1xf32, #tpu.memory_space<vmem>>, vector<5000x1xf32>
    tpu.vector_store %arg4[%swap3A, %swap3A_9], %add3A_8 {strides = array<i32>} : memref<5000x1xf32, #tpu.memory_space<vmem>>, vector<5000x1xf32>,
    return
  }
  func.func @transform_0(%arg0: i32) -> (i32, i32) {
    %c0_i32 = arith.constant 0 : i32
    %c0_i32_0 = arith.constant 0 : i32
    return %arg0, %c0_i32 : i32, i32
  }
  func.func @transform_1(%arg0: i32) -> (i32, i32) {
    %c0_i32 = arith.constant 0 : i32
    %c0_i32_0 = arith.constant 0 : i32
    %c0_i32_1 = arith.constant 0 : i32
    return %c0_i32, %c0_i32_0 : i32, i32
  }
  func.func @transform_2(%arg0: i32) -> i32 {
    %c0_i32 = arith.constant 0 : i32
    %c0_i32_0 = arith.constant 0 : i32
    return %c0_i32 : i32
  }
  func.func @transform_3(%arg0: i32) -> (i32, i32) {
    %c0_i32 = arith.constant 0 : i32
    %c0_i32_0 = arith.constant 0 : i32
    return %arg0, %c0_i32 : i32, i32
  }
}

module attributes {stable_mosaic.version = 14 : i64} {
  func.func @body(%arg0: i32, %arg1: memref<3xf32, #tpu.memory_space<smem>>, %arg2: memref<16x128xf32, #tpu.memory_space<vmem>>, %arg3: memref<16x128xf32, #tpu.memory_space<vmem>>, %arg4: memref<16x128xf32, #tpu.memory_space<vmem>>, %arg5: memref<16x128xf32, #tpu.memory_space<vmem>>, %arg6: memref<16x16x128xf32, #tpu.memory_space<vmem>>, %arg7: memref<16x16x128xf32, #tpu.memory_space<vmem>>, %arg8: memref<16x16x128xf32, #tpu.memory_space<vmem>>, %arg9: memref<16x16x128xf32, #tpu.memory_space<vmem>>, %arg10: memref<16x128xf32, #tpu.memory_space<vmem>>, %arg11: memref<16x128xf32, #tpu.memory_space<vmem>>) attributes {dimension_semantics = [#tpu.dimension_semantics<arbitrary>], iteration_bounds = array<i64: 13>, scalar_prefetch = 0 : i64, scratch_operands = 0 : i64, tpu.core_type = #tpu.core_type<tc>, window_params = [{transform_indices = @transform_0, window_bounds = array<i64: 3>}, {transform_indices = @transform_1, window_bounds = array<i64: 16, 128>}, {transform_indices = @transform_2, window_bounds = array<i64: 16, 128>}, {transform_indices = @transform_3, window_bounds = array<i64: 16, 128>}, {transform_indices = @transform_4, window_bounds = array<i64: 16, 128>}, {transform_indices = @transform_5, window_bounds = array<i64: 16, 16, 128>}, {transform_indices = @transform_6, window_bounds = array<i64: 16, 16, 128>}, {transform_indices = @transform_7, window_bounds = array<i64: 16, 16, 128>}, {transform_indices = @transform_8, window_bounds = array<i64: 16, 16, 128>}, {transform_indices = @transform_9, window_bounds = array<i64: 16, 128>}, {transform_indices = @transform_10, window_bounds = array<i64: 16, 128>}]} {
    %get3A = arith.constant 0 : index
    %get3A_0 = memref.load %arg1[%get3A] : memref<3xf32, #tpu.memory_space<smem>>
    %get3A_1 = arith.constant 1 : index
    %get3A_2 = memref.load %arg1[%get3A_1] : memref<3xf32, #tpu.memory_space<smem>>
    %get3A_3 = arith.constant 2 : index
    %get3A_4 = memref.load %arg1[%get3A_3] : memref<3xf32, #tpu.memory_space<smem>>
    %get3A_5 = arith.constant 0 : index
    %get3A_6 = arith.constant 0 : index
    %get3A_7 = vector.load %arg2[%get3A_5, %get3A_6] : memref<16x128xf32, #tpu.memory_space<vmem>>, vector<16x128xf32>
    %get3A_8 = arith.constant 0 : index
    %get3A_9 = arith.constant 0 : index
    %get3A_10 = vector.load %arg3[%get3A_8, %get3A_9] : memref<16x128xf32, #tpu.memory_space<vmem>>, vector<16x128xf32>
    %get3A_11 = arith.constant 0 : index
    %get3A_12 = arith.constant 0 : index
    %get3A_13 = arith.constant 0 : index
    %get3A_14 = vector.load %arg6[%get3A_11, %get3A_12, %get3A_13] : memref<16x16x128xf32, #tpu.memory_space<vmem>>, vector<16x16x128xf32>
    %get3A_15 = arith.constant 0 : index
    %get3A_16 = arith.constant 0 : index
    %get3A_17 = arith.constant 0 : index
    %get3A_18 = vector.load %arg7[%get3A_15, %get3A_16, %get3A_17] : memref<16x16x128xf32, #tpu.memory_space<vmem>>, vector<16x16x128xf32>
    %broadcast_in_dim3A = vector.shape_cast %get3A_7 : vector<16x128xf32> to vector<1x16x128xf32>
    %sub3A = vector.broadcast %broadcast_in_dim3A : vector<1x16x128xf32> to vector<16x16x128xf32>
    %sub3A_19 = arith.subf %sub3A, %get3A_14 : vector<16x16x128xf32>
    %broadcast_in_dim3A_20 = vector.shape_cast %get3A_10 : vector<16x128xf32> to vector<1x16x128xf32>
    %sub3A_21 = vector.broadcast %broadcast_in_dim3A_20 : vector<1x16x128xf32> to vector<16x16x128xf32>
    %sub3A_22 = arith.subf %sub3A_21, %get3A_18 : vector<16x16x128xf32>
    %neg3A = arith.constant 0.000000e+00 : f32
    %neg3A_23 = arith.subf %neg3A, %get3A_2 : f32
    %mul3A = arith.mulf %sub3A_19, %sub3A_19 : vector<16x16x128xf32>
    %mul3A_24 = arith.mulf %sub3A_22, %sub3A_22 : vector<16x16x128xf32>
    %add3A = arith.addf %mul3A, %mul3A_24 : vector<16x16x128xf32>
    %add3A_25 = arith.constant 9.99999996E-13 : f32
    %add3A_26 = vector.broadcast %add3A_25 : f32 to vector<16x16x128xf32>
    %add3A_27 = arith.addf %add3A, %add3A_26 : vector<16x16x128xf32>
    %sqrt3A = math.sqrt %add3A_27 : vector<16x16x128xf32>
    %mul3A_28 = vector.broadcast %neg3A_23 : f32 to vector<16x16x128xf32>
    %mul3A_29 = arith.mulf %mul3A_28, %sqrt3A : vector<16x16x128xf32>
    %exp3A = math.exp %mul3A_29 : vector<16x16x128xf32>
    %mul3A_30 = vector.broadcast %get3A_0 : f32 to vector<16x16x128xf32>
    %mul3A_31 = arith.mulf %mul3A_30, %exp3A : vector<16x16x128xf32>
    %broadcast_in_dim3A_32 = vector.shape_cast %get3A_14 : vector<16x16x128xf32> to vector<16x1x16x128xf32>
    %broadcast_in_dim3A_33 = vector.shape_cast %get3A_14 : vector<16x16x128xf32> to vector<1x16x16x128xf32>
    %sub3A_34 = vector.broadcast %broadcast_in_dim3A_32 : vector<16x1x16x128xf32> to vector<16x16x16x128xf32>
    %sub3A_35 = vector.broadcast %broadcast_in_dim3A_33 : vector<1x16x16x128xf32> to vector<16x16x16x128xf32>
    %sub3A_36 = arith.subf %sub3A_34, %sub3A_35 : vector<16x16x16x128xf32>
    %broadcast_in_dim3A_37 = vector.shape_cast %get3A_18 : vector<16x16x128xf32> to vector<16x1x16x128xf32>
    %broadcast_in_dim3A_38 = vector.shape_cast %get3A_18 : vector<16x16x128xf32> to vector<1x16x16x128xf32>
    %sub3A_39 = vector.broadcast %broadcast_in_dim3A_37 : vector<16x1x16x128xf32> to vector<16x16x16x128xf32>
    %sub3A_40 = vector.broadcast %broadcast_in_dim3A_38 : vector<1x16x16x128xf32> to vector<16x16x16x128xf32>
    %sub3A_41 = arith.subf %sub3A_39, %sub3A_40 : vector<16x16x16x128xf32>
    %neg3A_42 = arith.constant 0.000000e+00 : f32
    %neg3A_43 = arith.subf %neg3A_42, %get3A_2 : f32
    %mul3A_44 = arith.mulf %sub3A_36, %sub3A_36 : vector<16x16x16x128xf32>
    %mul3A_45 = arith.mulf %sub3A_41, %sub3A_41 : vector<16x16x16x128xf32>
    %add3A_46 = arith.addf %mul3A_44, %mul3A_45 : vector<16x16x16x128xf32>
    %add3A_47 = arith.constant 9.99999996E-13 : f32
    %add3A_48 = vector.broadcast %add3A_47 : f32 to vector<16x16x16x128xf32>
    %add3A_49 = arith.addf %add3A_46, %add3A_48 : vector<16x16x16x128xf32>
    %sqrt3A_50 = math.sqrt %add3A_49 : vector<16x16x16x128xf32>
    %mul3A_51 = vector.broadcast %neg3A_43 : f32 to vector<16x16x16x128xf32>
    %mul3A_52 = arith.mulf %mul3A_51, %sqrt3A_50 : vector<16x16x16x128xf32>
    %exp3A_53 = math.exp %mul3A_52 : vector<16x16x16x128xf32>
    %mul3A_54 = vector.broadcast %get3A_0 : f32 to vector<16x16x16x128xf32>
    %mul3A_55 = arith.mulf %mul3A_54, %exp3A_53 : vector<16x16x16x128xf32>
    %iota3A = tpu.iota {dimensions = array<i32: 0>} : vector<16x16x1x1xi32>
    %iota3A_56 = tpu.iota {dimensions = array<i32: 1>} : vector<16x16x1x1xi32>
    %eq3A = arith.cmpi eq, %iota3A, %iota3A_56 : vector<16x16x1x1xi32>
    %mul3A_57 = arith.mulf %get3A_4, %get3A_0 : f32
    %add3A_58 = vector.broadcast %mul3A_57 : f32 to vector<16x16x16x128xf32>
    %add3A_59 = arith.addf %mul3A_55, %add3A_58 : vector<16x16x16x128xf32>
    %broadcast_in_dim3A_60 = vector.shape_cast %eq3A : vector<16x16x1x1xi1> to vector<16x16x1x1xi1>
    %broadcast_in_dim3A_61 = vector.broadcast %broadcast_in_dim3A_60 : vector<16x16x1x1xi1> to vector<16x16x16x128xi1>
    %select_n3A = arith.select %broadcast_in_dim3A_61, %add3A_59, %mul3A_55 : vector<16x16x16x128xi1>, vector<16x16x16x128xf32>
    %slice3A = vector.extract_strided_slice %select_n3A {offsets = [0, 0, 0, 0], sizes = [1, 16, 16, 128], strides = [1, 1, 1, 1]} : vector<16x16x16x128xf32> to vector<1x16x16x128xf32>
    %squeeze3A = vector.shape_cast %slice3A : vector<1x16x16x128xf32> to vector<16x16x128xf32>
    %slice3A_62 = vector.extract_strided_slice %squeeze3A {offsets = [0, 0, 0], sizes = [1, 16, 128], strides = [1, 1, 1]} : vector<16x16x128xf32> to vector<1x16x128xf32>
    %squeeze3A_63 = vector.shape_cast %slice3A_62 : vector<1x16x128xf32> to vector<16x128xf32>
    %div3A = arith.constant 1.000000e+00 : f32
    %div3A_64 = vector.broadcast %div3A : f32 to vector<16x128xf32>
    %div3A_65 = arith.divf %div3A_64, %squeeze3A_63 : vector<16x128xf32>
    %slice3A_66 = vector.extract_strided_slice %mul3A_31 {offsets = [0, 0, 0], sizes = [1, 16, 128], strides = [1, 1, 1]} : vector<16x16x128xf32> to vector<1x16x128xf32>
    %squeeze3A_67 = vector.shape_cast %slice3A_66 : vector<1x16x128xf32> to vector<16x128xf32>
    %slice3A_68 = vector.extract_strided_slice %select_n3A {offsets = [1, 0, 0, 0], sizes = [15, 1, 16, 128], strides = [1, 1, 1, 1]} : vector<16x16x16x128xf32> to vector<15x1x16x128xf32>
    %squeeze3A_69 = vector.shape_cast %slice3A_68 : vector<15x1x16x128xf32> to vector<15x16x128xf32>
    %broadcast_in_dim3A_70 = vector.shape_cast %div3A_65 : vector<16x128xf32> to vector<1x16x128xf32>
    %mul3A_71 = vector.broadcast %broadcast_in_dim3A_70 : vector<1x16x128xf32> to vector<15x16x128xf32>
    %mul3A_72 = arith.mulf %squeeze3A_69, %mul3A_71 : vector<15x16x128xf32>
    %slice3A_73 = vector.extract_strided_slice %select_n3A {offsets = [1, 1, 0, 0], sizes = [15, 15, 16, 128], strides = [1, 1, 1, 1]} : vector<16x16x16x128xf32> to vector<15x15x16x128xf32>
    %broadcast_in_dim3A_74 = vector.shape_cast %mul3A_72 : vector<15x16x128xf32> to vector<15x1x16x128xf32>
    %slice3A_75 = vector.extract_strided_slice %squeeze3A {offsets = [1, 0, 0], sizes = [15, 16, 128], strides = [1, 1, 1]} : vector<16x16x128xf32> to vector<15x16x128xf32>
    %broadcast_in_dim3A_76 = vector.shape_cast %slice3A_75 : vector<15x16x128xf32> to vector<1x15x16x128xf32>
    %mul3A_77 = vector.broadcast %broadcast_in_dim3A_74 : vector<15x1x16x128xf32> to vector<15x15x16x128xf32>
    %mul3A_78 = vector.broadcast %broadcast_in_dim3A_76 : vector<1x15x16x128xf32> to vector<15x15x16x128xf32>
    %mul3A_79 = arith.mulf %mul3A_77, %mul3A_78 : vector<15x15x16x128xf32>
    %sub3A_80 = arith.subf %slice3A_73, %mul3A_79 : vector<15x15x16x128xf32>
    %slice3A_81 = vector.extract_strided_slice %mul3A_31 {offsets = [1, 0, 0], sizes = [15, 16, 128], strides = [1, 1, 1]} : vector<16x16x128xf32> to vector<15x16x128xf32>
    %slice3A_82 = vector.extract_strided_slice %mul3A_31 {offsets = [0, 0, 0], sizes = [1, 16, 128], strides = [1, 1, 1]} : vector<16x16x128xf32> to vector<1x16x128xf32>
    %squeeze3A_83 = vector.shape_cast %slice3A_82 : vector<1x16x128xf32> to vector<16x128xf32>
    %broadcast_in_dim3A_84 = vector.shape_cast %squeeze3A_83 : vector<16x128xf32> to vector<1x16x128xf32>
    %mul3A_85 = vector.broadcast %broadcast_in_dim3A_84 : vector<1x16x128xf32> to vector<15x16x128xf32>
    %mul3A_86 = arith.mulf %mul3A_72, %mul3A_85 : vector<15x16x128xf32>
    %sub3A_87 = arith.subf %slice3A_81, %mul3A_86 : vector<15x16x128xf32>
    %slice3A_88 = vector.extract_strided_slice %sub3A_80 {offsets = [0, 0, 0, 0], sizes = [1, 15, 16, 128], strides = [1, 1, 1, 1]} : vector<15x15x16x128xf32> to vector<1x15x16x128xf32>
    %squeeze3A_89 = vector.shape_cast %slice3A_88 : vector<1x15x16x128xf32> to vector<15x16x128xf32>
    %slice3A_90 = vector.extract_strided_slice %squeeze3A_89 {offsets = [0, 0, 0], sizes = [1, 16, 128], strides = [1, 1, 1]} : vector<15x16x128xf32> to vector<1x16x128xf32>
    %squeeze3A_91 = vector.shape_cast %slice3A_90 : vector<1x16x128xf32> to vector<16x128xf32>
    %div3A_92 = arith.constant 1.000000e+00 : f32
    %div3A_93 = vector.broadcast %div3A_92 : f32 to vector<16x128xf32>
    %div3A_94 = arith.divf %div3A_93, %squeeze3A_91 : vector<16x128xf32>
    %slice3A_95 = vector.extract_strided_slice %sub3A_87 {offsets = [0, 0, 0], sizes = [1, 16, 128], strides = [1, 1, 1]} : vector<15x16x128xf32> to vector<1x16x128xf32>
    %squeeze3A_96 = vector.shape_cast %slice3A_95 : vector<1x16x128xf32> to vector<16x128xf32>
    %slice3A_97 = vector.extract_strided_slice %sub3A_80 {offsets = [1, 0, 0, 0], sizes = [14, 1, 16, 128], strides = [1, 1, 1, 1]} : vector<15x15x16x128xf32> to vector<14x1x16x128xf32>
    %squeeze3A_98 = vector.shape_cast %slice3A_97 : vector<14x1x16x128xf32> to vector<14x16x128xf32>
    %broadcast_in_dim3A_99 = vector.shape_cast %div3A_94 : vector<16x128xf32> to vector<1x16x128xf32>
    %mul3A_100 = vector.broadcast %broadcast_in_dim3A_99 : vector<1x16x128xf32> to vector<14x16x128xf32>
    %mul3A_101 = arith.mulf %squeeze3A_98, %mul3A_100 : vector<14x16x128xf32>
    %slice3A_102 = vector.extract_strided_slice %sub3A_80 {offsets = [1, 1, 0, 0], sizes = [14, 14, 16, 128], strides = [1, 1, 1, 1]} : vector<15x15x16x128xf32> to vector<14x14x16x128xf32>
    %broadcast_in_dim3A_103 = vector.shape_cast %mul3A_101 : vector<14x16x128xf32> to vector<14x1x16x128xf32>
    %slice3A_104 = vector.extract_strided_slice %squeeze3A_89 {offsets = [1, 0, 0], sizes = [14, 16, 128], strides = [1, 1, 1]} : vector<15x16x128xf32> to vector<14x16x128xf32>
    %broadcast_in_dim3A_105 = vector.shape_cast %slice3A_104 : vector<14x16x128xf32> to vector<1x14x16x128xf32>
    %mul3A_106 = vector.broadcast %broadcast_in_dim3A_103 : vector<14x1x16x128xf32> to vector<14x14x16x128xf32>
    %mul3A_107 = vector.broadcast %broadcast_in_dim3A_105 : vector<1x14x16x128xf32> to vector<14x14x16x128xf32>
    %mul3A_108 = arith.mulf %mul3A_106, %mul3A_107 : vector<14x14x16x128xf32>
    %sub3A_109 = arith.subf %slice3A_102, %mul3A_108 : vector<14x14x16x128xf32>
    %slice3A_110 = vector.extract_strided_slice %sub3A_87 {offsets = [1, 0, 0], sizes = [14, 16, 128], strides = [1, 1, 1]} : vector<15x16x128xf32> to vector<14x16x128xf32>
    %slice3A_111 = vector.extract_strided_slice %sub3A_87 {offsets = [0, 0, 0], sizes = [1, 16, 128], strides = [1, 1, 1]} : vector<15x16x128xf32> to vector<1x16x128xf32>
    %squeeze3A_112 = vector.shape_cast %slice3A_111 : vector<1x16x128xf32> to vector<16x128xf32>
    %broadcast_in_dim3A_113 = vector.shape_cast %squeeze3A_112 : vector<16x128xf32> to vector<1x16x128xf32>
    %mul3A_114 = vector.broadcast %broadcast_in_dim3A_113 : vector<1x16x128xf32> to vector<14x16x128xf32>
    %mul3A_115 = arith.mulf %mul3A_101, %mul3A_114 : vector<14x16x128xf32>
    %sub3A_116 = arith.subf %slice3A_110, %mul3A_115 : vector<14x16x128xf32>
    %slice3A_117 = vector.extract_strided_slice %sub3A_109 {offsets = [0, 0, 0, 0], sizes = [1, 14, 16, 128], strides = [1, 1, 1, 1]} : vector<14x14x16x128xf32> to vector<1x14x16x128xf32>
    %squeeze3A_118 = vector.shape_cast %slice3A_117 : vector<1x14x16x128xf32> to vector<14x16x128xf32>
    %slice3A_119 = vector.extract_strided_slice %squeeze3A_118 {offsets = [0, 0, 0], sizes = [1, 16, 128], strides = [1, 1, 1]} : vector<14x16x128xf32> to vector<1x16x128xf32>
    %squeeze3A_120 = vector.shape_cast %slice3A_119 : vector<1x16x128xf32> to vector<16x128xf32>
    %div3A_121 = arith.constant 1.000000e+00 : f32
    %div3A_122 = vector.broadcast %div3A_121 : f32 to vector<16x128xf32>
    %div3A_123 = arith.divf %div3A_122, %squeeze3A_120 : vector<16x128xf32>
    %slice3A_124 = vector.extract_strided_slice %sub3A_116 {offsets = [0, 0, 0], sizes = [1, 16, 128], strides = [1, 1, 1]} : vector<14x16x128xf32> to vector<1x16x128xf32>
    %squeeze3A_125 = vector.shape_cast %slice3A_124 : vector<1x16x128xf32> to vector<16x128xf32>
    %slice3A_126 = vector.extract_strided_slice %sub3A_109 {offsets = [1, 0, 0, 0], sizes = [13, 1, 16, 128], strides = [1, 1, 1, 1]} : vector<14x14x16x128xf32> to vector<13x1x16x128xf32>
    %squeeze3A_127 = vector.shape_cast %slice3A_126 : vector<13x1x16x128xf32> to vector<13x16x128xf32>
    %broadcast_in_dim3A_128 = vector.shape_cast %div3A_123 : vector<16x128xf32> to vector<1x16x128xf32>
    %mul3A_129 = vector.broadcast %broadcast_in_dim3A_128 : vector<1x16x128xf32> to vector<13x16x128xf32>
    %mul3A_130 = arith.mulf %squeeze3A_127, %mul3A_129 : vector<13x16x128xf32>
    %slice3A_131 = vector.extract_strided_slice %sub3A_109 {offsets = [1, 1, 0, 0], sizes = [13, 13, 16, 128], strides = [1, 1, 1, 1]} : vector<14x14x16x128xf32> to vector<13x13x16x128xf32>
    %broadcast_in_dim3A_132 = vector.shape_cast %mul3A_130 : vector<13x16x128xf32> to vector<13x1x16x128xf32>
    %slice3A_133 = vector.extract_strided_slice %squeeze3A_118 {offsets = [1, 0, 0], sizes = [13, 16, 128], strides = [1, 1, 1]} : vector<14x16x128xf32> to vector<13x16x128xf32>
    %broadcast_in_dim3A_134 = vector.shape_cast %slice3A_133 : vector<13x16x128xf32> to vector<1x13x16x128xf32>
    %mul3A_135 = vector.broadcast %broadcast_in_dim3A_132 : vector<13x1x16x128xf32> to vector<13x13x16x128xf32>
    %mul3A_136 = vector.broadcast %broadcast_in_dim3A_134 : vector<1x13x16x128xf32> to vector<13x13x16x128xf32>
    %mul3A_137 = arith.mulf %mul3A_135, %mul3A_136 : vector<13x13x16x128xf32>
    %sub3A_138 = arith.subf %slice3A_131, %mul3A_137 : vector<13x13x16x128xf32>
    %slice3A_139 = vector.extract_strided_slice %sub3A_116 {offsets = [1, 0, 0], sizes = [13, 16, 128], strides = [1, 1, 1]} : vector<14x16x128xf32> to vector<13x16x128xf32>
    %slice3A_140 = vector.extract_strided_slice %sub3A_116 {offsets = [0, 0, 0], sizes = [1, 16, 128], strides = [1, 1, 1]} : vector<14x16x128xf32> to vector<1x16x128xf32>
    %squeeze3A_141 = vector.shape_cast %slice3A_140 : vector<1x16x128xf32> to vector<16x128xf32>
    %broadcast_in_dim3A_142 = vector.shape_cast %squeeze3A_141 : vector<16x128xf32> to vector<1x16x128xf32>
    %mul3A_143 = vector.broadcast %broadcast_in_dim3A_142 : vector<1x16x128xf32> to vector<13x16x128xf32>
    %mul3A_144 = arith.mulf %mul3A_130, %mul3A_143 : vector<13x16x128xf32>
    %sub3A_145 = arith.subf %slice3A_139, %mul3A_144 : vector<13x16x128xf32>
    %slice3A_146 = vector.extract_strided_slice %sub3A_138 {offsets = [0, 0, 0, 0], sizes = [1, 13, 16, 128], strides = [1, 1, 1, 1]} : vector<13x13x16x128xf32> to vector<1x13x16x128xf32>
    %squeeze3A_147 = vector.shape_cast %slice3A_146 : vector<1x13x16x128xf32> to vector<13x16x128xf32>
    %slice3A_148 = vector.extract_strided_slice %squeeze3A_147 {offsets = [0, 0, 0], sizes = [1, 16, 128], strides = [1, 1, 1]} : vector<13x16x128xf32> to vector<1x16x128xf32>
    %squeeze3A_149 = vector.shape_cast %slice3A_148 : vector<1x16x128xf32> to vector<16x128xf32>
    %div3A_150 = arith.constant 1.000000e+00 : f32
    %div3A_151 = vector.broadcast %div3A_150 : f32 to vector<16x128xf32>
    %div3A_152 = arith.divf %div3A_151, %squeeze3A_149 : vector<16x128xf32>
    %slice3A_153 = vector.extract_strided_slice %sub3A_145 {offsets = [0, 0, 0], sizes = [1, 16, 128], strides = [1, 1, 1]} : vector<13x16x128xf32> to vector<1x16x128xf32>
    %squeeze3A_154 = vector.shape_cast %slice3A_153 : vector<1x16x128xf32> to vector<16x128xf32>
    %slice3A_155 = vector.extract_strided_slice %sub3A_138 {offsets = [1, 0, 0, 0], sizes = [12, 1, 16, 128], strides = [1, 1, 1, 1]} : vector<13x13x16x128xf32> to vector<12x1x16x128xf32>
    %squeeze3A_156 = vector.shape_cast %slice3A_155 : vector<12x1x16x128xf32> to vector<12x16x128xf32>
    %broadcast_in_dim3A_157 = vector.shape_cast %div3A_152 : vector<16x128xf32> to vector<1x16x128xf32>
    %mul3A_158 = vector.broadcast %broadcast_in_dim3A_157 : vector<1x16x128xf32> to vector<12x16x128xf32>
    %mul3A_159 = arith.mulf %squeeze3A_156, %mul3A_158 : vector<12x16x128xf32>
    %slice3A_160 = vector.extract_strided_slice %sub3A_138 {offsets = [1, 1, 0, 0], sizes = [12, 12, 16, 128], strides = [1, 1, 1, 1]} : vector<13x13x16x128xf32> to vector<12x12x16x128xf32>
    %broadcast_in_dim3A_161 = vector.shape_cast %mul3A_159 : vector<12x16x128xf32> to vector<12x1x16x128xf32>
    %slice3A_162 = vector.extract_strided_slice %squeeze3A_147 {offsets = [1, 0, 0], sizes = [12, 16, 128], strides = [1, 1, 1]} : vector<13x16x128xf32> to vector<12x16x128xf32>
    %broadcast_in_dim3A_163 = vector.shape_cast %slice3A_162 : vector<12x16x128xf32> to vector<1x12x16x128xf32>
    %mul3A_164 = vector.broadcast %broadcast_in_dim3A_161 : vector<12x1x16x128xf32> to vector<12x12x16x128xf32>
    %mul3A_165 = vector.broadcast %broadcast_in_dim3A_163 : vector<1x12x16x128xf32> to vector<12x12x16x128xf32>
    %mul3A_166 = arith.mulf %mul3A_164, %mul3A_165 : vector<12x12x16x128xf32>
    %sub3A_167 = arith.subf %slice3A_160, %mul3A_166 : vector<12x12x16x128xf32>
    %slice3A_168 = vector.extract_strided_slice %sub3A_145 {offsets = [1, 0, 0], sizes = [12, 16, 128], strides = [1, 1, 1]} : vector<13x16x128xf32> to vector<12x16x128xf32>
    %slice3A_169 = vector.extract_strided_slice %sub3A_145 {offsets = [0, 0, 0], sizes = [1, 16, 128], strides = [1, 1, 1]} : vector<13x16x128xf32> to vector<1x16x128xf32>
    %squeeze3A_170 = vector.shape_cast %slice3A_169 : vector<1x16x128xf32> to vector<16x128xf32>
    %broadcast_in_dim3A_171 = vector.shape_cast %squeeze3A_170 : vector<16x128xf32> to vector<1x16x128xf32>
    %mul3A_172 = vector.broadcast %broadcast_in_dim3A_171 : vector<1x16x128xf32> to vector<12x16x128xf32>
    %mul3A_173 = arith.mulf %mul3A_159, %mul3A_172 : vector<12x16x128xf32>
    %sub3A_174 = arith.subf %slice3A_168, %mul3A_173 : vector<12x16x128xf32>
    %slice3A_175 = vector.extract_strided_slice %sub3A_167 {offsets = [0, 0, 0, 0], sizes = [1, 12, 16, 128], strides = [1, 1, 1, 1]} : vector<12x12x16x128xf32> to vector<1x12x16x128xf32>
    %squeeze3A_176 = vector.shape_cast %slice3A_175 : vector<1x12x16x128xf32> to vector<12x16x128xf32>
    %slice3A_177 = vector.extract_strided_slice %squeeze3A_176 {offsets = [0, 0, 0], sizes = [1, 16, 128], strides = [1, 1, 1]} : vector<12x16x128xf32> to vector<1x16x128xf32>
    %squeeze3A_178 = vector.shape_cast %slice3A_177 : vector<1x16x128xf32> to vector<16x128xf32>
    %div3A_179 = arith.constant 1.000000e+00 : f32
    %div3A_180 = vector.broadcast %div3A_179 : f32 to vector<16x128xf32>
    %div3A_181 = arith.divf %div3A_180, %squeeze3A_178 : vector<16x128xf32>
    %slice3A_182 = vector.extract_strided_slice %sub3A_174 {offsets = [0, 0, 0], sizes = [1, 16, 128], strides = [1, 1, 1]} : vector<12x16x128xf32> to vector<1x16x128xf32>
    %squeeze3A_183 = vector.shape_cast %slice3A_182 : vector<1x16x128xf32> to vector<16x128xf32>
    %slice3A_184 = vector.extract_strided_slice %sub3A_167 {offsets = [1, 0, 0, 0], sizes = [11, 1, 16, 128], strides = [1, 1, 1, 1]} : vector<12x12x16x128xf32> to vector<11x1x16x128xf32>
    %squeeze3A_185 = vector.shape_cast %slice3A_184 : vector<11x1x16x128xf32> to vector<11x16x128xf32>
    %broadcast_in_dim3A_186 = vector.shape_cast %div3A_181 : vector<16x128xf32> to vector<1x16x128xf32>
    %mul3A_187 = vector.broadcast %broadcast_in_dim3A_186 : vector<1x16x128xf32> to vector<11x16x128xf32>
    %mul3A_188 = arith.mulf %squeeze3A_185, %mul3A_187 : vector<11x16x128xf32>
    %slice3A_189 = vector.extract_strided_slice %sub3A_167 {offsets = [1, 1, 0, 0], sizes = [11, 11, 16, 128], strides = [1, 1, 1, 1]} : vector<12x12x16x128xf32> to vector<11x11x16x128xf32>
    %broadcast_in_dim3A_190 = vector.shape_cast %mul3A_188 : vector<11x16x128xf32> to vector<11x1x16x128xf32>
    %slice3A_191 = vector.extract_strided_slice %squeeze3A_176 {offsets = [1, 0, 0], sizes = [11, 16, 128], strides = [1, 1, 1]} : vector<12x16x128xf32> to vector<11x16x128xf32>
    %broadcast_in_dim3A_192 = vector.shape_cast %slice3A_191 : vector<11x16x128xf32> to vector<1x11x16x128xf32>
    %mul3A_193 = vector.broadcast %broadcast_in_dim3A_190 : vector<11x1x16x128xf32> to vector<11x11x16x128xf32>
    %mul3A_194 = vector.broadcast %broadcast_in_dim3A_192 : vector<1x11x16x128xf32> to vector<11x11x16x128xf32>
    %mul3A_195 = arith.mulf %mul3A_193, %mul3A_194 : vector<11x11x16x128xf32>
    %sub3A_196 = arith.subf %slice3A_189, %mul3A_195 : vector<11x11x16x128xf32>
    %slice3A_197 = vector.extract_strided_slice %sub3A_174 {offsets = [1, 0, 0], sizes = [11, 16, 128], strides = [1, 1, 1]} : vector<12x16x128xf32> to vector<11x16x128xf32>
    %slice3A_198 = vector.extract_strided_slice %sub3A_174 {offsets = [0, 0, 0], sizes = [1, 16, 128], strides = [1, 1, 1]} : vector<12x16x128xf32> to vector<1x16x128xf32>
    %squeeze3A_199 = vector.shape_cast %slice3A_198 : vector<1x16x128xf32> to vector<16x128xf32>
    %broadcast_in_dim3A_200 = vector.shape_cast %squeeze3A_199 : vector<16x128xf32> to vector<1x16x128xf32>
    %mul3A_201 = vector.broadcast %broadcast_in_dim3A_200 : vector<1x16x128xf32> to vector<11x16x128xf32>
    %mul3A_202 = arith.mulf %mul3A_188, %mul3A_201 : vector<11x16x128xf32>
    %sub3A_203 = arith.subf %slice3A_197, %mul3A_202 : vector<11x16x128xf32>
    %slice3A_204 = vector.extract_strided_slice %sub3A_196 {offsets = [0, 0, 0, 0], sizes = [1, 11, 16, 128], strides = [1, 1, 1, 1]} : vector<11x11x16x128xf32> to vector<1x11x16x128xf32>
    %squeeze3A_205 = vector.shape_cast %slice3A_204 : vector<1x11x16x128xf32> to vector<11x16x128xf32>
    %slice3A_206 = vector.extract_strided_slice %squeeze3A_205 {offsets = [0, 0, 0], sizes = [1, 16, 128], strides = [1, 1, 1]} : vector<11x16x128xf32> to vector<1x16x128xf32>
    %squeeze3A_207 = vector.shape_cast %slice3A_206 : vector<1x16x128xf32> to vector<16x128xf32>
    %div3A_208 = arith.constant 1.000000e+00 : f32
    %div3A_209 = vector.broadcast %div3A_208 : f32 to vector<16x128xf32>
    %div3A_210 = arith.divf %div3A_209, %squeeze3A_207 : vector<16x128xf32>
    %slice3A_211 = vector.extract_strided_slice %sub3A_203 {offsets = [0, 0, 0], sizes = [1, 16, 128], strides = [1, 1, 1]} : vector<11x16x128xf32> to vector<1x16x128xf32>
    %squeeze3A_212 = vector.shape_cast %slice3A_211 : vector<1x16x128xf32> to vector<16x128xf32>
    %slice3A_213 = vector.extract_strided_slice %sub3A_196 {offsets = [1, 0, 0, 0], sizes = [10, 1, 16, 128], strides = [1, 1, 1, 1]} : vector<11x11x16x128xf32> to vector<10x1x16x128xf32>
    %squeeze3A_214 = vector.shape_cast %slice3A_213 : vector<10x1x16x128xf32> to vector<10x16x128xf32>
    %broadcast_in_dim3A_215 = vector.shape_cast %div3A_210 : vector<16x128xf32> to vector<1x16x128xf32>
    %mul3A_216 = vector.broadcast %broadcast_in_dim3A_215 : vector<1x16x128xf32> to vector<10x16x128xf32>
    %mul3A_217 = arith.mulf %squeeze3A_214, %mul3A_216 : vector<10x16x128xf32>
    %slice3A_218 = vector.extract_strided_slice %sub3A_196 {offsets = [1, 1, 0, 0], sizes = [10, 10, 16, 128], strides = [1, 1, 1, 1]} : vector<11x11x16x128xf32> to vector<10x10x16x128xf32>
    %broadcast_in_dim3A_219 = vector.shape_cast %mul3A_217 : vector<10x16x128xf32> to vector<10x1x16x128xf32>
    %slice3A_220 = vector.extract_strided_slice %squeeze3A_205 {offsets = [1, 0, 0], sizes = [10, 16, 128], strides = [1, 1, 1]} : vector<11x16x128xf32> to vector<10x16x128xf32>
    %broadcast_in_dim3A_221 = vector.shape_cast %slice3A_220 : vector<10x16x128xf32> to vector<1x10x16x128xf32>
    %mul3A_222 = vector.broadcast %broadcast_in_dim3A_219 : vector<10x1x16x128xf32> to vector<10x10x16x128xf32>
    %mul3A_223 = vector.broadcast %broadcast_in_dim3A_221 : vector<1x10x16x128xf32> to vector<10x10x16x128xf32>
    %mul3A_224 = arith.mulf %mul3A_222, %mul3A_223 : vector<10x10x16x128xf32>
    %sub3A_225 = arith.subf %slice3A_218, %mul3A_224 : vector<10x10x16x128xf32>
    %slice3A_226 = vector.extract_strided_slice %sub3A_203 {offsets = [1, 0, 0], sizes = [10, 16, 128], strides = [1, 1, 1]} : vector<11x16x128xf32> to vector<10x16x128xf32>
    %slice3A_227 = vector.extract_strided_slice %sub3A_203 {offsets = [0, 0, 0], sizes = [1, 16, 128], strides = [1, 1, 1]} : vector<11x16x128xf32> to vector<1x16x128xf32>
    %squeeze3A_228 = vector.shape_cast %slice3A_227 : vector<1x16x128xf32> to vector<16x128xf32>
    %broadcast_in_dim3A_229 = vector.shape_cast %squeeze3A_228 : vector<16x128xf32> to vector<1x16x128xf32>
    %mul3A_230 = vector.broadcast %broadcast_in_dim3A_229 : vector<1x16x128xf32> to vector<10x16x128xf32>
    %mul3A_231 = arith.mulf %mul3A_217, %mul3A_230 : vector<10x16x128xf32>
    %sub3A_232 = arith.subf %slice3A_226, %mul3A_231 : vector<10x16x128xf32>
    %slice3A_233 = vector.extract_strided_slice %sub3A_225 {offsets = [0, 0, 0, 0], sizes = [1, 10, 16, 128], strides = [1, 1, 1, 1]} : vector<10x10x16x128xf32> to vector<1x10x16x128xf32>
    %squeeze3A_234 = vector.shape_cast %slice3A_233 : vector<1x10x16x128xf32> to vector<10x16x128xf32>
    %slice3A_235 = vector.extract_strided_slice %squeeze3A_234 {offsets = [0, 0, 0], sizes = [1, 16, 128], strides = [1, 1, 1]} : vector<10x16x128xf32> to vector<1x16x128xf32>
    %squeeze3A_236 = vector.shape_cast %slice3A_235 : vector<1x16x128xf32> to vector<16x128xf32>
    %div3A_237 = arith.constant 1.000000e+00 : f32
    %div3A_238 = vector.broadcast %div3A_237 : f32 to vector<16x128xf32>
    %div3A_239 = arith.divf %div3A_238, %squeeze3A_236 : vector<16x128xf32>
    %slice3A_240 = vector.extract_strided_slice %sub3A_232 {offsets = [0, 0, 0], sizes = [1, 16, 128], strides = [1, 1, 1]} : vector<10x16x128xf32> to vector<1x16x128xf32>
    %squeeze3A_241 = vector.shape_cast %slice3A_240 : vector<1x16x128xf32> to vector<16x128xf32>
    %slice3A_242 = vector.extract_strided_slice %sub3A_225 {offsets = [1, 0, 0, 0], sizes = [9, 1, 16, 128], strides = [1, 1, 1, 1]} : vector<10x10x16x128xf32> to vector<9x1x16x128xf32>
    %squeeze3A_243 = vector.shape_cast %slice3A_242 : vector<9x1x16x128xf32> to vector<9x16x128xf32>
    %broadcast_in_dim3A_244 = vector.shape_cast %div3A_239 : vector<16x128xf32> to vector<1x16x128xf32>
    %mul3A_245 = vector.broadcast %broadcast_in_dim3A_244 : vector<1x16x128xf32> to vector<9x16x128xf32>
    %mul3A_246 = arith.mulf %squeeze3A_243, %mul3A_245 : vector<9x16x128xf32>
    %slice3A_247 = vector.extract_strided_slice %sub3A_225 {offsets = [1, 1, 0, 0], sizes = [9, 9, 16, 128], strides = [1, 1, 1, 1]} : vector<10x10x16x128xf32> to vector<9x9x16x128xf32>
    %broadcast_in_dim3A_248 = vector.shape_cast %mul3A_246 : vector<9x16x128xf32> to vector<9x1x16x128xf32>
    %slice3A_249 = vector.extract_strided_slice %squeeze3A_234 {offsets = [1, 0, 0], sizes = [9, 16, 128], strides = [1, 1, 1]} : vector<10x16x128xf32> to vector<9x16x128xf32>
    %broadcast_in_dim3A_250 = vector.shape_cast %slice3A_249 : vector<9x16x128xf32> to vector<1x9x16x128xf32>
    %mul3A_251 = vector.broadcast %broadcast_in_dim3A_248 : vector<9x1x16x128xf32> to vector<9x9x16x128xf32>
    %mul3A_252 = vector.broadcast %broadcast_in_dim3A_250 : vector<1x9x16x128xf32> to vector<9x9x16x128xf32>
    %mul3A_253 = arith.mulf %mul3A_251, %mul3A_252 : vector<9x9x16x128xf32>
    %sub3A_254 = arith.subf %slice3A_247, %mul3A_253 : vector<9x9x16x128xf32>
    %slice3A_255 = vector.extract_strided_slice %sub3A_232 {offsets = [1, 0, 0], sizes = [9, 16, 128], strides = [1, 1, 1]} : vector<10x16x128xf32> to vector<9x16x128xf32>
    %slice3A_256 = vector.extract_strided_slice %sub3A_232 {offsets = [0, 0, 0], sizes = [1, 16, 128], strides = [1, 1, 1]} : vector<10x16x128xf32> to vector<1x16x128xf32>
    %squeeze3A_257 = vector.shape_cast %slice3A_256 : vector<1x16x128xf32> to vector<16x128xf32>
    %broadcast_in_dim3A_258 = vector.shape_cast %squeeze3A_257 : vector<16x128xf32> to vector<1x16x128xf32>
    %mul3A_259 = vector.broadcast %broadcast_in_dim3A_258 : vector<1x16x128xf32> to vector<9x16x128xf32>
    %mul3A_260 = arith.mulf %mul3A_246, %mul3A_259 : vector<9x16x128xf32>
    %sub3A_261 = arith.subf %slice3A_255, %mul3A_260 : vector<9x16x128xf32>
    %slice3A_262 = vector.extract_strided_slice %sub3A_254 {offsets = [0, 0, 0, 0], sizes = [1, 9, 16, 128], strides = [1, 1, 1, 1]} : vector<9x9x16x128xf32> to vector<1x9x16x128xf32>
    %squeeze3A_263 = vector.shape_cast %slice3A_262 : vector<1x9x16x128xf32> to vector<9x16x128xf32>
    %slice3A_264 = vector.extract_strided_slice %squeeze3A_263 {offsets = [0, 0, 0], sizes = [1, 16, 128], strides = [1, 1, 1]} : vector<9x16x128xf32> to vector<1x16x128xf32>
    %squeeze3A_265 = vector.shape_cast %slice3A_264 : vector<1x16x128xf32> to vector<16x128xf32>
    %div3A_266 = arith.constant 1.000000e+00 : f32
    %div3A_267 = vector.broadcast %div3A_266 : f32 to vector<16x128xf32>
    %div3A_268 = arith.divf %div3A_267, %squeeze3A_265 : vector<16x128xf32>
    %slice3A_269 = vector.extract_strided_slice %sub3A_261 {offsets = [0, 0, 0], sizes = [1, 16, 128], strides = [1, 1, 1]} : vector<9x16x128xf32> to vector<1x16x128xf32>
    %squeeze3A_270 = vector.shape_cast %slice3A_269 : vector<1x16x128xf32> to vector<16x128xf32>
    %slice3A_271 = vector.extract_strided_slice %sub3A_254 {offsets = [1, 0, 0, 0], sizes = [8, 1, 16, 128], strides = [1, 1, 1, 1]} : vector<9x9x16x128xf32> to vector<8x1x16x128xf32>
    %squeeze3A_272 = vector.shape_cast %slice3A_271 : vector<8x1x16x128xf32> to vector<8x16x128xf32>
    %broadcast_in_dim3A_273 = vector.shape_cast %div3A_268 : vector<16x128xf32> to vector<1x16x128xf32>
    %mul3A_274 = vector.broadcast %broadcast_in_dim3A_273 : vector<1x16x128xf32> to vector<8x16x128xf32>
    %mul3A_275 = arith.mulf %squeeze3A_272, %mul3A_274 : vector<8x16x128xf32>
    %slice3A_276 = vector.extract_strided_slice %sub3A_254 {offsets = [1, 1, 0, 0], sizes = [8, 8, 16, 128], strides = [1, 1, 1, 1]} : vector<9x9x16x128xf32> to vector<8x8x16x128xf32>
    %broadcast_in_dim3A_277 = vector.shape_cast %mul3A_275 : vector<8x16x128xf32> to vector<8x1x16x128xf32>
    %slice3A_278 = vector.extract_strided_slice %squeeze3A_263 {offsets = [1, 0, 0], sizes = [8, 16, 128], strides = [1, 1, 1]} : vector<9x16x128xf32> to vector<8x16x128xf32>
    %broadcast_in_dim3A_279 = vector.shape_cast %slice3A_278 : vector<8x16x128xf32> to vector<1x8x16x128xf32>
    %mul3A_280 = vector.broadcast %broadcast_in_dim3A_277 : vector<8x1x16x128xf32> to vector<8x8x16x128xf32>
    %mul3A_281 = vector.broadcast %broadcast_in_dim3A_279 : vector<1x8x16x128xf32> to vector<8x8x16x128xf32>
    %mul3A_282 = arith.mulf %mul3A_280, %mul3A_281 : vector<8x8x16x128xf32>
    %sub3A_283 = arith.subf %slice3A_276, %mul3A_282 : vector<8x8x16x128xf32>
    %slice3A_284 = vector.extract_strided_slice %sub3A_261 {offsets = [1, 0, 0], sizes = [8, 16, 128], strides = [1, 1, 1]} : vector<9x16x128xf32> to vector<8x16x128xf32>
    %slice3A_285 = vector.extract_strided_slice %sub3A_261 {offsets = [0, 0, 0], sizes = [1, 16, 128], strides = [1, 1, 1]} : vector<9x16x128xf32> to vector<1x16x128xf32>
    %squeeze3A_286 = vector.shape_cast %slice3A_285 : vector<1x16x128xf32> to vector<16x128xf32>
    %broadcast_in_dim3A_287 = vector.shape_cast %squeeze3A_286 : vector<16x128xf32> to vector<1x16x128xf32>
    %mul3A_288 = vector.broadcast %broadcast_in_dim3A_287 : vector<1x16x128xf32> to vector<8x16x128xf32>
    %mul3A_289 = arith.mulf %mul3A_275, %mul3A_288 : vector<8x16x128xf32>
    %sub3A_290 = arith.subf %slice3A_284, %mul3A_289 : vector<8x16x128xf32>
    %slice3A_291 = vector.extract_strided_slice %sub3A_283 {offsets = [0, 0, 0, 0], sizes = [1, 8, 16, 128], strides = [1, 1, 1, 1]} : vector<8x8x16x128xf32> to vector<1x8x16x128xf32>
    %squeeze3A_292 = vector.shape_cast %slice3A_291 : vector<1x8x16x128xf32> to vector<8x16x128xf32>
    %slice3A_293 = vector.extract_strided_slice %squeeze3A_292 {offsets = [0, 0, 0], sizes = [1, 16, 128], strides = [1, 1, 1]} : vector<8x16x128xf32> to vector<1x16x128xf32>
    %squeeze3A_294 = vector.shape_cast %slice3A_293 : vector<1x16x128xf32> to vector<16x128xf32>
    %div3A_295 = arith.constant 1.000000e+00 : f32
    %div3A_296 = vector.broadcast %div3A_295 : f32 to vector<16x128xf32>
    %div3A_297 = arith.divf %div3A_296, %squeeze3A_294 : vector<16x128xf32>
    %slice3A_298 = vector.extract_strided_slice %sub3A_290 {offsets = [0, 0, 0], sizes = [1, 16, 128], strides = [1, 1, 1]} : vector<8x16x128xf32> to vector<1x16x128xf32>
    %squeeze3A_299 = vector.shape_cast %slice3A_298 : vector<1x16x128xf32> to vector<16x128xf32>
    %slice3A_300 = vector.extract_strided_slice %sub3A_283 {offsets = [1, 0, 0, 0], sizes = [7, 1, 16, 128], strides = [1, 1, 1, 1]} : vector<8x8x16x128xf32> to vector<7x1x16x128xf32>
    %squeeze3A_301 = vector.shape_cast %slice3A_300 : vector<7x1x16x128xf32> to vector<7x16x128xf32>
    %broadcast_in_dim3A_302 = vector.shape_cast %div3A_297 : vector<16x128xf32> to vector<1x16x128xf32>
    %mul3A_303 = vector.broadcast %broadcast_in_dim3A_302 : vector<1x16x128xf32> to vector<7x16x128xf32>
    %mul3A_304 = arith.mulf %squeeze3A_301, %mul3A_303 : vector<7x16x128xf32>
    %slice3A_305 = vector.extract_strided_slice %sub3A_283 {offsets = [1, 1, 0, 0], sizes = [7, 7, 16, 128], strides = [1, 1, 1, 1]} : vector<8x8x16x128xf32> to vector<7x7x16x128xf32>
    %broadcast_in_dim3A_306 = vector.shape_cast %mul3A_304 : vector<7x16x128xf32> to vector<7x1x16x128xf32>
    %slice3A_307 = vector.extract_strided_slice %squeeze3A_292 {offsets = [1, 0, 0], sizes = [7, 16, 128], strides = [1, 1, 1]} : vector<8x16x128xf32> to vector<7x16x128xf32>
    %broadcast_in_dim3A_308 = vector.shape_cast %slice3A_307 : vector<7x16x128xf32> to vector<1x7x16x128xf32>
    %mul3A_309 = vector.broadcast %broadcast_in_dim3A_306 : vector<7x1x16x128xf32> to vector<7x7x16x128xf32>
    %mul3A_310 = vector.broadcast %broadcast_in_dim3A_308 : vector<1x7x16x128xf32> to vector<7x7x16x128xf32>
    %mul3A_311 = arith.mulf %mul3A_309, %mul3A_310 : vector<7x7x16x128xf32>
    %sub3A_312 = arith.subf %slice3A_305, %mul3A_311 : vector<7x7x16x128xf32>
    %slice3A_313 = vector.extract_strided_slice %sub3A_290 {offsets = [1, 0, 0], sizes = [7, 16, 128], strides = [1, 1, 1]} : vector<8x16x128xf32> to vector<7x16x128xf32>
    %slice3A_314 = vector.extract_strided_slice %sub3A_290 {offsets = [0, 0, 0], sizes = [1, 16, 128], strides = [1, 1, 1]} : vector<8x16x128xf32> to vector<1x16x128xf32>
    %squeeze3A_315 = vector.shape_cast %slice3A_314 : vector<1x16x128xf32> to vector<16x128xf32>
    %broadcast_in_dim3A_316 = vector.shape_cast %squeeze3A_315 : vector<16x128xf32> to vector<1x16x128xf32>
    %mul3A_317 = vector.broadcast %broadcast_in_dim3A_316 : vector<1x16x128xf32> to vector<7x16x128xf32>
    %mul3A_318 = arith.mulf %mul3A_304, %mul3A_317 : vector<7x16x128xf32>
    %sub3A_319 = arith.subf %slice3A_313, %mul3A_318 : vector<7x16x128xf32>
    %slice3A_320 = vector.extract_strided_slice %sub3A_312 {offsets = [0, 0, 0, 0], sizes = [1, 7, 16, 128], strides = [1, 1, 1, 1]} : vector<7x7x16x128xf32> to vector<1x7x16x128xf32>
    %squeeze3A_321 = vector.shape_cast %slice3A_320 : vector<1x7x16x128xf32> to vector<7x16x128xf32>
    %slice3A_322 = vector.extract_strided_slice %squeeze3A_321 {offsets = [0, 0, 0], sizes = [1, 16, 128], strides = [1, 1, 1]} : vector<7x16x128xf32> to vector<1x16x128xf32>
    %squeeze3A_323 = vector.shape_cast %slice3A_322 : vector<1x16x128xf32> to vector<16x128xf32>
    %div3A_324 = arith.constant 1.000000e+00 : f32
    %div3A_325 = vector.broadcast %div3A_324 : f32 to vector<16x128xf32>
    %div3A_326 = arith.divf %div3A_325, %squeeze3A_323 : vector<16x128xf32>
    %slice3A_327 = vector.extract_strided_slice %sub3A_319 {offsets = [0, 0, 0], sizes = [1, 16, 128], strides = [1, 1, 1]} : vector<7x16x128xf32> to vector<1x16x128xf32>
    %squeeze3A_328 = vector.shape_cast %slice3A_327 : vector<1x16x128xf32> to vector<16x128xf32>
    %slice3A_329 = vector.extract_strided_slice %sub3A_312 {offsets = [1, 0, 0, 0], sizes = [6, 1, 16, 128], strides = [1, 1, 1, 1]} : vector<7x7x16x128xf32> to vector<6x1x16x128xf32>
    %squeeze3A_330 = vector.shape_cast %slice3A_329 : vector<6x1x16x128xf32> to vector<6x16x128xf32>
    %broadcast_in_dim3A_331 = vector.shape_cast %div3A_326 : vector<16x128xf32> to vector<1x16x128xf32>
    %mul3A_332 = vector.broadcast %broadcast_in_dim3A_331 : vector<1x16x128xf32> to vector<6x16x128xf32>
    %mul3A_333 = arith.mulf %squeeze3A_330, %mul3A_332 : vector<6x16x128xf32>
    %slice3A_334 = vector.extract_strided_slice %sub3A_312 {offsets = [1, 1, 0, 0], sizes = [6, 6, 16, 128], strides = [1, 1, 1, 1]} : vector<7x7x16x128xf32> to vector<6x6x16x128xf32>
    %broadcast_in_dim3A_335 = vector.shape_cast %mul3A_333 : vector<6x16x128xf32> to vector<6x1x16x128xf32>
    %slice3A_336 = vector.extract_strided_slice %squeeze3A_321 {offsets = [1, 0, 0], sizes = [6, 16, 128], strides = [1, 1, 1]} : vector<7x16x128xf32> to vector<6x16x128xf32>
    %broadcast_in_dim3A_337 = vector.shape_cast %slice3A_336 : vector<6x16x128xf32> to vector<1x6x16x128xf32>
    %mul3A_338 = vector.broadcast %broadcast_in_dim3A_335 : vector<6x1x16x128xf32> to vector<6x6x16x128xf32>
    %mul3A_339 = vector.broadcast %broadcast_in_dim3A_337 : vector<1x6x16x128xf32> to vector<6x6x16x128xf32>
    %mul3A_340 = arith.mulf %mul3A_338, %mul3A_339 : vector<6x6x16x128xf32>
    %sub3A_341 = arith.subf %slice3A_334, %mul3A_340 : vector<6x6x16x128xf32>
    %slice3A_342 = vector.extract_strided_slice %sub3A_319 {offsets = [1, 0, 0], sizes = [6, 16, 128], strides = [1, 1, 1]} : vector<7x16x128xf32> to vector<6x16x128xf32>
    %slice3A_343 = vector.extract_strided_slice %sub3A_319 {offsets = [0, 0, 0], sizes = [1, 16, 128], strides = [1, 1, 1]} : vector<7x16x128xf32> to vector<1x16x128xf32>
    %squeeze3A_344 = vector.shape_cast %slice3A_343 : vector<1x16x128xf32> to vector<16x128xf32>
    %broadcast_in_dim3A_345 = vector.shape_cast %squeeze3A_344 : vector<16x128xf32> to vector<1x16x128xf32>
    %mul3A_346 = vector.broadcast %broadcast_in_dim3A_345 : vector<1x16x128xf32> to vector<6x16x128xf32>
    %mul3A_347 = arith.mulf %mul3A_333, %mul3A_346 : vector<6x16x128xf32>
    %sub3A_348 = arith.subf %slice3A_342, %mul3A_347 : vector<6x16x128xf32>
    %slice3A_349 = vector.extract_strided_slice %sub3A_341 {offsets = [0, 0, 0, 0], sizes = [1, 6, 16, 128], strides = [1, 1, 1, 1]} : vector<6x6x16x128xf32> to vector<1x6x16x128xf32>
    %squeeze3A_350 = vector.shape_cast %slice3A_349 : vector<1x6x16x128xf32> to vector<6x16x128xf32>
    %slice3A_351 = vector.extract_strided_slice %squeeze3A_350 {offsets = [0, 0, 0], sizes = [1, 16, 128], strides = [1, 1, 1]} : vector<6x16x128xf32> to vector<1x16x128xf32>
    %squeeze3A_352 = vector.shape_cast %slice3A_351 : vector<1x16x128xf32> to vector<16x128xf32>
    %div3A_353 = arith.constant 1.000000e+00 : f32
    %div3A_354 = vector.broadcast %div3A_353 : f32 to vector<16x128xf32>
    %div3A_355 = arith.divf %div3A_354, %squeeze3A_352 : vector<16x128xf32>
    %slice3A_356 = vector.extract_strided_slice %sub3A_348 {offsets = [0, 0, 0], sizes = [1, 16, 128], strides = [1, 1, 1]} : vector<6x16x128xf32> to vector<1x16x128xf32>
    %squeeze3A_357 = vector.shape_cast %slice3A_356 : vector<1x16x128xf32> to vector<16x128xf32>
    %slice3A_358 = vector.extract_strided_slice %sub3A_341 {offsets = [1, 0, 0, 0], sizes = [5, 1, 16, 128], strides = [1, 1, 1, 1]} : vector<6x6x16x128xf32> to vector<5x1x16x128xf32>
    %squeeze3A_359 = vector.shape_cast %slice3A_358 : vector<5x1x16x128xf32> to vector<5x16x128xf32>
    %broadcast_in_dim3A_360 = vector.shape_cast %div3A_355 : vector<16x128xf32> to vector<1x16x128xf32>
    %mul3A_361 = vector.broadcast %broadcast_in_dim3A_360 : vector<1x16x128xf32> to vector<5x16x128xf32>
    %mul3A_362 = arith.mulf %squeeze3A_359, %mul3A_361 : vector<5x16x128xf32>
    %slice3A_363 = vector.extract_strided_slice %sub3A_341 {offsets = [1, 1, 0, 0], sizes = [5, 5, 16, 128], strides = [1, 1, 1, 1]} : vector<6x6x16x128xf32> to vector<5x5x16x128xf32>
    %broadcast_in_dim3A_364 = vector.shape_cast %mul3A_362 : vector<5x16x128xf32> to vector<5x1x16x128xf32>
    %slice3A_365 = vector.extract_strided_slice %squeeze3A_350 {offsets = [1, 0, 0], sizes = [5, 16, 128], strides = [1, 1, 1]} : vector<6x16x128xf32> to vector<5x16x128xf32>
    %broadcast_in_dim3A_366 = vector.shape_cast %slice3A_365 : vector<5x16x128xf32> to vector<1x5x16x128xf32>
    %mul3A_367 = vector.broadcast %broadcast_in_dim3A_364 : vector<5x1x16x128xf32> to vector<5x5x16x128xf32>
    %mul3A_368 = vector.broadcast %broadcast_in_dim3A_366 : vector<1x5x16x128xf32> to vector<5x5x16x128xf32>
    %mul3A_369 = arith.mulf %mul3A_367, %mul3A_368 : vector<5x5x16x128xf32>
    %sub3A_370 = arith.subf %slice3A_363, %mul3A_369 : vector<5x5x16x128xf32>
    %slice3A_371 = vector.extract_strided_slice %sub3A_348 {offsets = [1, 0, 0], sizes = [5, 16, 128], strides = [1, 1, 1]} : vector<6x16x128xf32> to vector<5x16x128xf32>
    %slice3A_372 = vector.extract_strided_slice %sub3A_348 {offsets = [0, 0, 0], sizes = [1, 16, 128], strides = [1, 1, 1]} : vector<6x16x128xf32> to vector<1x16x128xf32>
    %squeeze3A_373 = vector.shape_cast %slice3A_372 : vector<1x16x128xf32> to vector<16x128xf32>
    %broadcast_in_dim3A_374 = vector.shape_cast %squeeze3A_373 : vector<16x128xf32> to vector<1x16x128xf32>
    %mul3A_375 = vector.broadcast %broadcast_in_dim3A_374 : vector<1x16x128xf32> to vector<5x16x128xf32>
    %mul3A_376 = arith.mulf %mul3A_362, %mul3A_375 : vector<5x16x128xf32>
    %sub3A_377 = arith.subf %slice3A_371, %mul3A_376 : vector<5x16x128xf32>
    %slice3A_378 = vector.extract_strided_slice %sub3A_370 {offsets = [0, 0, 0, 0], sizes = [1, 5, 16, 128], strides = [1, 1, 1, 1]} : vector<5x5x16x128xf32> to vector<1x5x16x128xf32>
    %squeeze3A_379 = vector.shape_cast %slice3A_378 : vector<1x5x16x128xf32> to vector<5x16x128xf32>
    %slice3A_380 = vector.extract_strided_slice %squeeze3A_379 {offsets = [0, 0, 0], sizes = [1, 16, 128], strides = [1, 1, 1]} : vector<5x16x128xf32> to vector<1x16x128xf32>
    %squeeze3A_381 = vector.shape_cast %slice3A_380 : vector<1x16x128xf32> to vector<16x128xf32>
    %div3A_382 = arith.constant 1.000000e+00 : f32
    %div3A_383 = vector.broadcast %div3A_382 : f32 to vector<16x128xf32>
    %div3A_384 = arith.divf %div3A_383, %squeeze3A_381 : vector<16x128xf32>
    %slice3A_385 = vector.extract_strided_slice %sub3A_377 {offsets = [0, 0, 0], sizes = [1, 16, 128], strides = [1, 1, 1]} : vector<5x16x128xf32> to vector<1x16x128xf32>
    %squeeze3A_386 = vector.shape_cast %slice3A_385 : vector<1x16x128xf32> to vector<16x128xf32>
    %slice3A_387 = vector.extract_strided_slice %sub3A_370 {offsets = [1, 0, 0, 0], sizes = [4, 1, 16, 128], strides = [1, 1, 1, 1]} : vector<5x5x16x128xf32> to vector<4x1x16x128xf32>
    %squeeze3A_388 = vector.shape_cast %slice3A_387 : vector<4x1x16x128xf32> to vector<4x16x128xf32>
    %broadcast_in_dim3A_389 = vector.shape_cast %div3A_384 : vector<16x128xf32> to vector<1x16x128xf32>
    %mul3A_390 = vector.broadcast %broadcast_in_dim3A_389 : vector<1x16x128xf32> to vector<4x16x128xf32>
    %mul3A_391 = arith.mulf %squeeze3A_388, %mul3A_390 : vector<4x16x128xf32>
    %slice3A_392 = vector.extract_strided_slice %sub3A_370 {offsets = [1, 1, 0, 0], sizes = [4, 4, 16, 128], strides = [1, 1, 1, 1]} : vector<5x5x16x128xf32> to vector<4x4x16x128xf32>
    %broadcast_in_dim3A_393 = vector.shape_cast %mul3A_391 : vector<4x16x128xf32> to vector<4x1x16x128xf32>
    %slice3A_394 = vector.extract_strided_slice %squeeze3A_379 {offsets = [1, 0, 0], sizes = [4, 16, 128], strides = [1, 1, 1]} : vector<5x16x128xf32> to vector<4x16x128xf32>
    %broadcast_in_dim3A_395 = vector.shape_cast %slice3A_394 : vector<4x16x128xf32> to vector<1x4x16x128xf32>
    %mul3A_396 = vector.broadcast %broadcast_in_dim3A_393 : vector<4x1x16x128xf32> to vector<4x4x16x128xf32>
    %mul3A_397 = vector.broadcast %broadcast_in_dim3A_395 : vector<1x4x16x128xf32> to vector<4x4x16x128xf32>
    %mul3A_398 = arith.mulf %mul3A_396, %mul3A_397 : vector<4x4x16x128xf32>
    %sub3A_399 = arith.subf %slice3A_392, %mul3A_398 : vector<4x4x16x128xf32>
    %slice3A_400 = vector.extract_strided_slice %sub3A_377 {offsets = [1, 0, 0], sizes = [4, 16, 128], strides = [1, 1, 1]} : vector<5x16x128xf32> to vector<4x16x128xf32>
    %slice3A_401 = vector.extract_strided_slice %sub3A_377 {offsets = [0, 0, 0], sizes = [1, 16, 128], strides = [1, 1, 1]} : vector<5x16x128xf32> to vector<1x16x128xf32>
    %squeeze3A_402 = vector.shape_cast %slice3A_401 : vector<1x16x128xf32> to vector<16x128xf32>
    %broadcast_in_dim3A_403 = vector.shape_cast %squeeze3A_402 : vector<16x128xf32> to vector<1x16x128xf32>
    %mul3A_404 = vector.broadcast %broadcast_in_dim3A_403 : vector<1x16x128xf32> to vector<4x16x128xf32>
    %mul3A_405 = arith.mulf %mul3A_391, %mul3A_404 : vector<4x16x128xf32>
    %sub3A_406 = arith.subf %slice3A_400, %mul3A_405 : vector<4x16x128xf32>
    %slice3A_407 = vector.extract_strided_slice %sub3A_399 {offsets = [0, 0, 0, 0], sizes = [1, 4, 16, 128], strides = [1, 1, 1, 1]} : vector<4x4x16x128xf32> to vector<1x4x16x128xf32>
    %squeeze3A_408 = vector.shape_cast %slice3A_407 : vector<1x4x16x128xf32> to vector<4x16x128xf32>
    %slice3A_409 = vector.extract_strided_slice %squeeze3A_408 {offsets = [0, 0, 0], sizes = [1, 16, 128], strides = [1, 1, 1]} : vector<4x16x128xf32> to vector<1x16x128xf32>
    %squeeze3A_410 = vector.shape_cast %slice3A_409 : vector<1x16x128xf32> to vector<16x128xf32>
    %div3A_411 = arith.constant 1.000000e+00 : f32
    %div3A_412 = vector.broadcast %div3A_411 : f32 to vector<16x128xf32>
    %div3A_413 = arith.divf %div3A_412, %squeeze3A_410 : vector<16x128xf32>
    %slice3A_414 = vector.extract_strided_slice %sub3A_406 {offsets = [0, 0, 0], sizes = [1, 16, 128], strides = [1, 1, 1]} : vector<4x16x128xf32> to vector<1x16x128xf32>
    %squeeze3A_415 = vector.shape_cast %slice3A_414 : vector<1x16x128xf32> to vector<16x128xf32>
    %slice3A_416 = vector.extract_strided_slice %sub3A_399 {offsets = [1, 0, 0, 0], sizes = [3, 1, 16, 128], strides = [1, 1, 1, 1]} : vector<4x4x16x128xf32> to vector<3x1x16x128xf32>
    %squeeze3A_417 = vector.shape_cast %slice3A_416 : vector<3x1x16x128xf32> to vector<3x16x128xf32>
    %broadcast_in_dim3A_418 = vector.shape_cast %div3A_413 : vector<16x128xf32> to vector<1x16x128xf32>
    %mul3A_419 = vector.broadcast %broadcast_in_dim3A_418 : vector<1x16x128xf32> to vector<3x16x128xf32>
    %mul3A_420 = arith.mulf %squeeze3A_417, %mul3A_419 : vector<3x16x128xf32>
    %slice3A_421 = vector.extract_strided_slice %sub3A_399 {offsets = [1, 1, 0, 0], sizes = [3, 3, 16, 128], strides = [1, 1, 1, 1]} : vector<4x4x16x128xf32> to vector<3x3x16x128xf32>
    %broadcast_in_dim3A_422 = vector.shape_cast %mul3A_420 : vector<3x16x128xf32> to vector<3x1x16x128xf32>
    %slice3A_423 = vector.extract_strided_slice %squeeze3A_408 {offsets = [1, 0, 0], sizes = [3, 16, 128], strides = [1, 1, 1]} : vector<4x16x128xf32> to vector<3x16x128xf32>
    %broadcast_in_dim3A_424 = vector.shape_cast %slice3A_423 : vector<3x16x128xf32> to vector<1x3x16x128xf32>
    %mul3A_425 = vector.broadcast %broadcast_in_dim3A_422 : vector<3x1x16x128xf32> to vector<3x3x16x128xf32>
    %mul3A_426 = vector.broadcast %broadcast_in_dim3A_424 : vector<1x3x16x128xf32> to vector<3x3x16x128xf32>
    %mul3A_427 = arith.mulf %mul3A_425, %mul3A_426 : vector<3x3x16x128xf32>
    %sub3A_428 = arith.subf %slice3A_421, %mul3A_427 : vector<3x3x16x128xf32>
    %slice3A_429 = vector.extract_strided_slice %sub3A_406 {offsets = [1, 0, 0], sizes = [3, 16, 128], strides = [1, 1, 1]} : vector<4x16x128xf32> to vector<3x16x128xf32>
    %slice3A_430 = vector.extract_strided_slice %sub3A_406 {offsets = [0, 0, 0], sizes = [1, 16, 128], strides = [1, 1, 1]} : vector<4x16x128xf32> to vector<1x16x128xf32>
    %squeeze3A_431 = vector.shape_cast %slice3A_430 : vector<1x16x128xf32> to vector<16x128xf32>
    %broadcast_in_dim3A_432 = vector.shape_cast %squeeze3A_431 : vector<16x128xf32> to vector<1x16x128xf32>
    %mul3A_433 = vector.broadcast %broadcast_in_dim3A_432 : vector<1x16x128xf32> to vector<3x16x128xf32>
    %mul3A_434 = arith.mulf %mul3A_420, %mul3A_433 : vector<3x16x128xf32>
    %sub3A_435 = arith.subf %slice3A_429, %mul3A_434 : vector<3x16x128xf32>
    %slice3A_436 = vector.extract_strided_slice %sub3A_428 {offsets = [0, 0, 0, 0], sizes = [1, 3, 16, 128], strides = [1, 1, 1, 1]} : vector<3x3x16x128xf32> to vector<1x3x16x128xf32>
    %squeeze3A_437 = vector.shape_cast %slice3A_436 : vector<1x3x16x128xf32> to vector<3x16x128xf32>
    %slice3A_438 = vector.extract_strided_slice %squeeze3A_437 {offsets = [0, 0, 0], sizes = [1, 16, 128], strides = [1, 1, 1]} : vector<3x16x128xf32> to vector<1x16x128xf32>
    %squeeze3A_439 = vector.shape_cast %slice3A_438 : vector<1x16x128xf32> to vector<16x128xf32>
    %div3A_440 = arith.constant 1.000000e+00 : f32
    %div3A_441 = vector.broadcast %div3A_440 : f32 to vector<16x128xf32>
    %div3A_442 = arith.divf %div3A_441, %squeeze3A_439 : vector<16x128xf32>
    %slice3A_443 = vector.extract_strided_slice %sub3A_435 {offsets = [0, 0, 0], sizes = [1, 16, 128], strides = [1, 1, 1]} : vector<3x16x128xf32> to vector<1x16x128xf32>
    %squeeze3A_444 = vector.shape_cast %slice3A_443 : vector<1x16x128xf32> to vector<16x128xf32>
    %slice3A_445 = vector.extract_strided_slice %sub3A_428 {offsets = [1, 0, 0, 0], sizes = [2, 1, 16, 128], strides = [1, 1, 1, 1]} : vector<3x3x16x128xf32> to vector<2x1x16x128xf32>
    %squeeze3A_446 = vector.shape_cast %slice3A_445 : vector<2x1x16x128xf32> to vector<2x16x128xf32>
    %broadcast_in_dim3A_447 = vector.shape_cast %div3A_442 : vector<16x128xf32> to vector<1x16x128xf32>
    %mul3A_448 = vector.broadcast %broadcast_in_dim3A_447 : vector<1x16x128xf32> to vector<2x16x128xf32>
    %mul3A_449 = arith.mulf %squeeze3A_446, %mul3A_448 : vector<2x16x128xf32>
    %slice3A_450 = vector.extract_strided_slice %sub3A_428 {offsets = [1, 1, 0, 0], sizes = [2, 2, 16, 128], strides = [1, 1, 1, 1]} : vector<3x3x16x128xf32> to vector<2x2x16x128xf32>
    %broadcast_in_dim3A_451 = vector.shape_cast %mul3A_449 : vector<2x16x128xf32> to vector<2x1x16x128xf32>
    %slice3A_452 = vector.extract_strided_slice %squeeze3A_437 {offsets = [1, 0, 0], sizes = [2, 16, 128], strides = [1, 1, 1]} : vector<3x16x128xf32> to vector<2x16x128xf32>
    %broadcast_in_dim3A_453 = vector.shape_cast %slice3A_452 : vector<2x16x128xf32> to vector<1x2x16x128xf32>
    %mul3A_454 = vector.broadcast %broadcast_in_dim3A_451 : vector<2x1x16x128xf32> to vector<2x2x16x128xf32>
    %mul3A_455 = vector.broadcast %broadcast_in_dim3A_453 : vector<1x2x16x128xf32> to vector<2x2x16x128xf32>
    %mul3A_456 = arith.mulf %mul3A_454, %mul3A_455 : vector<2x2x16x128xf32>
    %sub3A_457 = arith.subf %slice3A_450, %mul3A_456 : vector<2x2x16x128xf32>
    %slice3A_458 = vector.extract_strided_slice %sub3A_435 {offsets = [1, 0, 0], sizes = [2, 16, 128], strides = [1, 1, 1]} : vector<3x16x128xf32> to vector<2x16x128xf32>
    %slice3A_459 = vector.extract_strided_slice %sub3A_435 {offsets = [0, 0, 0], sizes = [1, 16, 128], strides = [1, 1, 1]} : vector<3x16x128xf32> to vector<1x16x128xf32>
    %squeeze3A_460 = vector.shape_cast %slice3A_459 : vector<1x16x128xf32> to vector<16x128xf32>
    %broadcast_in_dim3A_461 = vector.shape_cast %squeeze3A_460 : vector<16x128xf32> to vector<1x16x128xf32>
    %mul3A_462 = vector.broadcast %broadcast_in_dim3A_461 : vector<1x16x128xf32> to vector<2x16x128xf32>
    %mul3A_463 = arith.mulf %mul3A_449, %mul3A_462 : vector<2x16x128xf32>
    %sub3A_464 = arith.subf %slice3A_458, %mul3A_463 : vector<2x16x128xf32>
    %slice3A_465 = vector.extract_strided_slice %sub3A_457 {offsets = [0, 0, 0, 0], sizes = [1, 2, 16, 128], strides = [1, 1, 1, 1]} : vector<2x2x16x128xf32> to vector<1x2x16x128xf32>
    %squeeze3A_466 = vector.shape_cast %slice3A_465 : vector<1x2x16x128xf32> to vector<2x16x128xf32>
    %slice3A_467 = vector.extract_strided_slice %squeeze3A_466 {offsets = [0, 0, 0], sizes = [1, 16, 128], strides = [1, 1, 1]} : vector<2x16x128xf32> to vector<1x16x128xf32>
    %squeeze3A_468 = vector.shape_cast %slice3A_467 : vector<1x16x128xf32> to vector<16x128xf32>
    %div3A_469 = arith.constant 1.000000e+00 : f32
    %div3A_470 = vector.broadcast %div3A_469 : f32 to vector<16x128xf32>
    %div3A_471 = arith.divf %div3A_470, %squeeze3A_468 : vector<16x128xf32>
    %slice3A_472 = vector.extract_strided_slice %sub3A_464 {offsets = [0, 0, 0], sizes = [1, 16, 128], strides = [1, 1, 1]} : vector<2x16x128xf32> to vector<1x16x128xf32>
    %squeeze3A_473 = vector.shape_cast %slice3A_472 : vector<1x16x128xf32> to vector<16x128xf32>
    %slice3A_474 = vector.extract_strided_slice %sub3A_457 {offsets = [1, 0, 0, 0], sizes = [1, 1, 16, 128], strides = [1, 1, 1, 1]} : vector<2x2x16x128xf32> to vector<1x1x16x128xf32>
    %squeeze3A_475 = vector.shape_cast %slice3A_474 : vector<1x1x16x128xf32> to vector<1x16x128xf32>
    %broadcast_in_dim3A_476 = vector.shape_cast %div3A_471 : vector<16x128xf32> to vector<1x16x128xf32>
    %mul3A_477 = arith.mulf %squeeze3A_475, %broadcast_in_dim3A_476 : vector<1x16x128xf32>
    %slice3A_478 = vector.extract_strided_slice %sub3A_457 {offsets = [1, 1, 0, 0], sizes = [1, 1, 16, 128], strides = [1, 1, 1, 1]} : vector<2x2x16x128xf32> to vector<1x1x16x128xf32>
    %broadcast_in_dim3A_479 = vector.shape_cast %mul3A_477 : vector<1x16x128xf32> to vector<1x1x16x128xf32>
    %slice3A_480 = vector.extract_strided_slice %squeeze3A_466 {offsets = [1, 0, 0], sizes = [1, 16, 128], strides = [1, 1, 1]} : vector<2x16x128xf32> to vector<1x16x128xf32>
    %broadcast_in_dim3A_481 = vector.shape_cast %slice3A_480 : vector<1x16x128xf32> to vector<1x1x16x128xf32>
    %mul3A_482 = arith.mulf %broadcast_in_dim3A_479, %broadcast_in_dim3A_481 : vector<1x1x16x128xf32>
    %sub3A_483 = arith.subf %slice3A_478, %mul3A_482 : vector<1x1x16x128xf32>
    %slice3A_484 = vector.extract_strided_slice %sub3A_464 {offsets = [1, 0, 0], sizes = [1, 16, 128], strides = [1, 1, 1]} : vector<2x16x128xf32> to vector<1x16x128xf32>
    %slice3A_485 = vector.extract_strided_slice %sub3A_464 {offsets = [0, 0, 0], sizes = [1, 16, 128], strides = [1, 1, 1]} : vector<2x16x128xf32> to vector<1x16x128xf32>
    %squeeze3A_486 = vector.shape_cast %slice3A_485 : vector<1x16x128xf32> to vector<16x128xf32>
    %broadcast_in_dim3A_487 = vector.shape_cast %squeeze3A_486 : vector<16x128xf32> to vector<1x16x128xf32>
    %mul3A_488 = arith.mulf %mul3A_477, %broadcast_in_dim3A_487 : vector<1x16x128xf32>
    %sub3A_489 = arith.subf %slice3A_484, %mul3A_488 : vector<1x16x128xf32>
    %squeeze3A_490 = vector.shape_cast %sub3A_483 : vector<1x1x16x128xf32> to vector<1x16x128xf32>
    %squeeze3A_491 = vector.shape_cast %squeeze3A_490 : vector<1x16x128xf32> to vector<16x128xf32>
    %div3A_492 = arith.constant 1.000000e+00 : f32
    %div3A_493 = vector.broadcast %div3A_492 : f32 to vector<16x128xf32>
    %div3A_494 = arith.divf %div3A_493, %squeeze3A_491 : vector<16x128xf32>
    %squeeze3A_495 = vector.shape_cast %sub3A_489 : vector<1x16x128xf32> to vector<16x128xf32>
    %mul3A_496 = arith.mulf %squeeze3A_495, %div3A_494 : vector<16x128xf32>
    %slice3A_497 = vector.extract_strided_slice %squeeze3A_466 {offsets = [1, 0, 0], sizes = [1, 16, 128], strides = [1, 1, 1]} : vector<2x16x128xf32> to vector<1x16x128xf32>
    %squeeze3A_498 = vector.shape_cast %slice3A_497 : vector<1x16x128xf32> to vector<16x128xf32>
    %mul3A_499 = arith.mulf %squeeze3A_498, %mul3A_496 : vector<16x128xf32>
    %sub3A_500 = arith.subf %squeeze3A_473, %mul3A_499 : vector<16x128xf32>
    %mul3A_501 = arith.mulf %sub3A_500, %div3A_471 : vector<16x128xf32>
    %slice3A_502 = vector.extract_strided_slice %squeeze3A_437 {offsets = [1, 0, 0], sizes = [1, 16, 128], strides = [1, 1, 1]} : vector<3x16x128xf32> to vector<1x16x128xf32>
    %squeeze3A_503 = vector.shape_cast %slice3A_502 : vector<1x16x128xf32> to vector<16x128xf32>
    %mul3A_504 = arith.mulf %squeeze3A_503, %mul3A_501 : vector<16x128xf32>
    %sub3A_505 = arith.subf %squeeze3A_444, %mul3A_504 : vector<16x128xf32>
    %slice3A_506 = vector.extract_strided_slice %squeeze3A_437 {offsets = [2, 0, 0], sizes = [1, 16, 128], strides = [1, 1, 1]} : vector<3x16x128xf32> to vector<1x16x128xf32>
    %squeeze3A_507 = vector.shape_cast %slice3A_506 : vector<1x16x128xf32> to vector<16x128xf32>
    %mul3A_508 = arith.mulf %squeeze3A_507, %mul3A_496 : vector<16x128xf32>
    %sub3A_509 = arith.subf %sub3A_505, %mul3A_508 : vector<16x128xf32>
    %mul3A_510 = arith.mulf %sub3A_509, %div3A_442 : vector<16x128xf32>
    %slice3A_511 = vector.extract_strided_slice %squeeze3A_408 {offsets = [1, 0, 0], sizes = [1, 16, 128], strides = [1, 1, 1]} : vector<4x16x128xf32> to vector<1x16x128xf32>
    %squeeze3A_512 = vector.shape_cast %slice3A_511 : vector<1x16x128xf32> to vector<16x128xf32>
    %mul3A_513 = arith.mulf %squeeze3A_512, %mul3A_510 : vector<16x128xf32>
    %sub3A_514 = arith.subf %squeeze3A_415, %mul3A_513 : vector<16x128xf32>
    %slice3A_515 = vector.extract_strided_slice %squeeze3A_408 {offsets = [2, 0, 0], sizes = [1, 16, 128], strides = [1, 1, 1]} : vector<4x16x128xf32> to vector<1x16x128xf32>
    %squeeze3A_516 = vector.shape_cast %slice3A_515 : vector<1x16x128xf32> to vector<16x128xf32>
    %mul3A_517 = arith.mulf %squeeze3A_516, %mul3A_501 : vector<16x128xf32>
    %sub3A_518 = arith.subf %sub3A_514, %mul3A_517 : vector<16x128xf32>
    %slice3A_519 = vector.extract_strided_slice %squeeze3A_408 {offsets = [3, 0, 0], sizes = [1, 16, 128], strides = [1, 1, 1]} : vector<4x16x128xf32> to vector<1x16x128xf32>
    %squeeze3A_520 = vector.shape_cast %slice3A_519 : vector<1x16x128xf32> to vector<16x128xf32>
    %mul3A_521 = arith.mulf %squeeze3A_520, %mul3A_496 : vector<16x128xf32>
    %sub3A_522 = arith.subf %sub3A_518, %mul3A_521 : vector<16x128xf32>
    %mul3A_523 = arith.mulf %sub3A_522, %div3A_413 : vector<16x128xf32>
    %slice3A_524 = vector.extract_strided_slice %squeeze3A_379 {offsets = [1, 0, 0], sizes = [1, 16, 128], strides = [1, 1, 1]} : vector<5x16x128xf32> to vector<1x16x128xf32>
    %squeeze3A_525 = vector.shape_cast %slice3A_524 : vector<1x16x128xf32> to vector<16x128xf32>
    %mul3A_526 = arith.mulf %squeeze3A_525, %mul3A_523 : vector<16x128xf32>
    %sub3A_527 = arith.subf %squeeze3A_386, %mul3A_526 : vector<16x128xf32>
    %slice3A_528 = vector.extract_strided_slice %squeeze3A_379 {offsets = [2, 0, 0], sizes = [1, 16, 128], strides = [1, 1, 1]} : vector<5x16x128xf32> to vector<1x16x128xf32>
    %squeeze3A_529 = vector.shape_cast %slice3A_528 : vector<1x16x128xf32> to vector<16x128xf32>
    %mul3A_530 = arith.mulf %squeeze3A_529, %mul3A_510 : vector<16x128xf32>
    %sub3A_531 = arith.subf %sub3A_527, %mul3A_530 : vector<16x128xf32>
    %slice3A_532 = vector.extract_strided_slice %squeeze3A_379 {offsets = [3, 0, 0], sizes = [1, 16, 128], strides = [1, 1, 1]} : vector<5x16x128xf32> to vector<1x16x128xf32>
    %squeeze3A_533 = vector.shape_cast %slice3A_532 : vector<1x16x128xf32> to vector<16x128xf32>
    %mul3A_534 = arith.mulf %squeeze3A_533, %mul3A_501 : vector<16x128xf32>
    %sub3A_535 = arith.subf %sub3A_531, %mul3A_534 : vector<16x128xf32>
    %slice3A_536 = vector.extract_strided_slice %squeeze3A_379 {offsets = [4, 0, 0], sizes = [1, 16, 128], strides = [1, 1, 1]} : vector<5x16x128xf32> to vector<1x16x128xf32>
    %squeeze3A_537 = vector.shape_cast %slice3A_536 : vector<1x16x128xf32> to vector<16x128xf32>
    %mul3A_538 = arith.mulf %squeeze3A_537, %mul3A_496 : vector<16x128xf32>
    %sub3A_539 = arith.subf %sub3A_535, %mul3A_538 : vector<16x128xf32>
    %mul3A_540 = arith.mulf %sub3A_539, %div3A_384 : vector<16x128xf32>
    %slice3A_541 = vector.extract_strided_slice %squeeze3A_350 {offsets = [1, 0, 0], sizes = [1, 16, 128], strides = [1, 1, 1]} : vector<6x16x128xf32> to vector<1x16x128xf32>
    %squeeze3A_542 = vector.shape_cast %slice3A_541 : vector<1x16x128xf32> to vector<16x128xf32>
    %mul3A_543 = arith.mulf %squeeze3A_542, %mul3A_540 : vector<16x128xf32>
    %sub3A_544 = arith.subf %squeeze3A_357, %mul3A_543 : vector<16x128xf32>
    %slice3A_545 = vector.extract_strided_slice %squeeze3A_350 {offsets = [2, 0, 0], sizes = [1, 16, 128], strides = [1, 1, 1]} : vector<6x16x128xf32> to vector<1x16x128xf32>
    %squeeze3A_546 = vector.shape_cast %slice3A_545 : vector<1x16x128xf32> to vector<16x128xf32>
    %mul3A_547 = arith.mulf %squeeze3A_546, %mul3A_523 : vector<16x128xf32>
    %sub3A_548 = arith.subf %sub3A_544, %mul3A_547 : vector<16x128xf32>
    %slice3A_549 = vector.extract_strided_slice %squeeze3A_350 {offsets = [3, 0, 0], sizes = [1, 16, 128], strides = [1, 1, 1]} : vector<6x16x128xf32> to vector<1x16x128xf32>
    %squeeze3A_550 = vector.shape_cast %slice3A_549 : vector<1x16x128xf32> to vector<16x128xf32>
    %mul3A_551 = arith.mulf %squeeze3A_550, %mul3A_510 : vector<16x128xf32>
    %sub3A_552 = arith.subf %sub3A_548, %mul3A_551 : vector<16x128xf32>
    %slice3A_553 = vector.extract_strided_slice %squeeze3A_350 {offsets = [4, 0, 0], sizes = [1, 16, 128], strides = [1, 1, 1]} : vector<6x16x128xf32> to vector<1x16x128xf32>
    %squeeze3A_554 = vector.shape_cast %slice3A_553 : vector<1x16x128xf32> to vector<16x128xf32>
    %mul3A_555 = arith.mulf %squeeze3A_554, %mul3A_501 : vector<16x128xf32>
    %sub3A_556 = arith.subf %sub3A_552, %mul3A_555 : vector<16x128xf32>
    %slice3A_557 = vector.extract_strided_slice %squeeze3A_350 {offsets = [5, 0, 0], sizes = [1, 16, 128], strides = [1, 1, 1]} : vector<6x16x128xf32> to vector<1x16x128xf32>
    %squeeze3A_558 = vector.shape_cast %slice3A_557 : vector<1x16x128xf32> to vector<16x128xf32>
    %mul3A_559 = arith.mulf %squeeze3A_558, %mul3A_496 : vector<16x128xf32>
    %sub3A_560 = arith.subf %sub3A_556, %mul3A_559 : vector<16x128xf32>
    %mul3A_561 = arith.mulf %sub3A_560, %div3A_355 : vector<16x128xf32>
    %slice3A_562 = vector.extract_strided_slice %squeeze3A_321 {offsets = [1, 0, 0], sizes = [1, 16, 128], strides = [1, 1, 1]} : vector<7x16x128xf32> to vector<1x16x128xf32>
    %squeeze3A_563 = vector.shape_cast %slice3A_562 : vector<1x16x128xf32> to vector<16x128xf32>
    %mul3A_564 = arith.mulf %squeeze3A_563, %mul3A_561 : vector<16x128xf32>
    %sub3A_565 = arith.subf %squeeze3A_328, %mul3A_564 : vector<16x128xf32>
    %slice3A_566 = vector.extract_strided_slice %squeeze3A_321 {offsets = [2, 0, 0], sizes = [1, 16, 128], strides = [1, 1, 1]} : vector<7x16x128xf32> to vector<1x16x128xf32>
    %squeeze3A_567 = vector.shape_cast %slice3A_566 : vector<1x16x128xf32> to vector<16x128xf32>
    %mul3A_568 = arith.mulf %squeeze3A_567, %mul3A_540 : vector<16x128xf32>
    %sub3A_569 = arith.subf %sub3A_565, %mul3A_568 : vector<16x128xf32>
    %slice3A_570 = vector.extract_strided_slice %squeeze3A_321 {offsets = [3, 0, 0], sizes = [1, 16, 128], strides = [1, 1, 1]} : vector<7x16x128xf32> to vector<1x16x128xf32>
    %squeeze3A_571 = vector.shape_cast %slice3A_570 : vector<1x16x128xf32> to vector<16x128xf32>
    %mul3A_572 = arith.mulf %squeeze3A_571, %mul3A_523 : vector<16x128xf32>
    %sub3A_573 = arith.subf %sub3A_569, %mul3A_572 : vector<16x128xf32>
    %slice3A_574 = vector.extract_strided_slice %squeeze3A_321 {offsets = [4, 0, 0], sizes = [1, 16, 128], strides = [1, 1, 1]} : vector<7x16x128xf32> to vector<1x16x128xf32>
    %squeeze3A_575 = vector.shape_cast %slice3A_574 : vector<1x16x128xf32> to vector<16x128xf32>
    %mul3A_576 = arith.mulf %squeeze3A_575, %mul3A_510 : vector<16x128xf32>
    %sub3A_577 = arith.subf %sub3A_573, %mul3A_576 : vector<16x128xf32>
    %slice3A_578 = vector.extract_strided_slice %squeeze3A_321 {offsets = [5, 0, 0], sizes = [1, 16, 128], strides = [1, 1, 1]} : vector<7x16x128xf32> to vector<1x16x128xf32>
    %squeeze3A_579 = vector.shape_cast %slice3A_578 : vector<1x16x128xf32> to vector<16x128xf32>
    %mul3A_580 = arith.mulf %squeeze3A_579, %mul3A_501 : vector<16x128xf32>
    %sub3A_581 = arith.subf %sub3A_577, %mul3A_580 : vector<16x128xf32>
    %slice3A_582 = vector.extract_strided_slice %squeeze3A_321 {offsets = [6, 0, 0], sizes = [1, 16, 128], strides = [1, 1, 1]} : vector<7x16x128xf32> to vector<1x16x128xf32>
    %squeeze3A_583 = vector.shape_cast %slice3A_582 : vector<1x16x128xf32> to vector<16x128xf32>
    %mul3A_584 = arith.mulf %squeeze3A_583, %mul3A_496 : vector<16x128xf32>
    %sub3A_585 = arith.subf %sub3A_581, %mul3A_584 : vector<16x128xf32>
    %mul3A_586 = arith.mulf %sub3A_585, %div3A_326 : vector<16x128xf32>
    %slice3A_587 = vector.extract_strided_slice %squeeze3A_292 {offsets = [1, 0, 0], sizes = [1, 16, 128], strides = [1, 1, 1]} : vector<8x16x128xf32> to vector<1x16x128xf32>
    %squeeze3A_588 = vector.shape_cast %slice3A_587 : vector<1x16x128xf32> to vector<16x128xf32>
    %mul3A_589 = arith.mulf %squeeze3A_588, %mul3A_586 : vector<16x128xf32>
    %sub3A_590 = arith.subf %squeeze3A_299, %mul3A_589 : vector<16x128xf32>
    %slice3A_591 = vector.extract_strided_slice %squeeze3A_292 {offsets = [2, 0, 0], sizes = [1, 16, 128], strides = [1, 1, 1]} : vector<8x16x128xf32> to vector<1x16x128xf32>
    %squeeze3A_592 = vector.shape_cast %slice3A_591 : vector<1x16x128xf32> to vector<16x128xf32>
    %mul3A_593 = arith.mulf %squeeze3A_592, %mul3A_561 : vector<16x128xf32>
    %sub3A_594 = arith.subf %sub3A_590, %mul3A_593 : vector<16x128xf32>
    %slice3A_595 = vector.extract_strided_slice %squeeze3A_292 {offsets = [3, 0, 0], sizes = [1, 16, 128], strides = [1, 1, 1]} : vector<8x16x128xf32> to vector<1x16x128xf32>
    %squeeze3A_596 = vector.shape_cast %slice3A_595 : vector<1x16x128xf32> to vector<16x128xf32>
    %mul3A_597 = arith.mulf %squeeze3A_596, %mul3A_540 : vector<16x128xf32>
    %sub3A_598 = arith.subf %sub3A_594, %mul3A_597 : vector<16x128xf32>
    %slice3A_599 = vector.extract_strided_slice %squeeze3A_292 {offsets = [4, 0, 0], sizes = [1, 16, 128], strides = [1, 1, 1]} : vector<8x16x128xf32> to vector<1x16x128xf32>
    %squeeze3A_600 = vector.shape_cast %slice3A_599 : vector<1x16x128xf32> to vector<16x128xf32>
    %mul3A_601 = arith.mulf %squeeze3A_600, %mul3A_523 : vector<16x128xf32>
    %sub3A_602 = arith.subf %sub3A_598, %mul3A_601 : vector<16x128xf32>
    %slice3A_603 = vector.extract_strided_slice %squeeze3A_292 {offsets = [5, 0, 0], sizes = [1, 16, 128], strides = [1, 1, 1]} : vector<8x16x128xf32> to vector<1x16x128xf32>
    %squeeze3A_604 = vector.shape_cast %slice3A_603 : vector<1x16x128xf32> to vector<16x128xf32>
    %mul3A_605 = arith.mulf %squeeze3A_604, %mul3A_510 : vector<16x128xf32>
    %sub3A_606 = arith.subf %sub3A_602, %mul3A_605 : vector<16x128xf32>
    %slice3A_607 = vector.extract_strided_slice %squeeze3A_292 {offsets = [6, 0, 0], sizes = [1, 16, 128], strides = [1, 1, 1]} : vector<8x16x128xf32> to vector<1x16x128xf32>
    %squeeze3A_608 = vector.shape_cast %slice3A_607 : vector<1x16x128xf32> to vector<16x128xf32>
    %mul3A_609 = arith.mulf %squeeze3A_608, %mul3A_501 : vector<16x128xf32>
    %sub3A_610 = arith.subf %sub3A_606, %mul3A_609 : vector<16x128xf32>
    %slice3A_611 = vector.extract_strided_slice %squeeze3A_292 {offsets = [7, 0, 0], sizes = [1, 16, 128], strides = [1, 1, 1]} : vector<8x16x128xf32> to vector<1x16x128xf32>
    %squeeze3A_612 = vector.shape_cast %slice3A_611 : vector<1x16x128xf32> to vector<16x128xf32>
    %mul3A_613 = arith.mulf %squeeze3A_612, %mul3A_496 : vector<16x128xf32>
    %sub3A_614 = arith.subf %sub3A_610, %mul3A_613 : vector<16x128xf32>
    %mul3A_615 = arith.mulf %sub3A_614, %div3A_297 : vector<16x128xf32>
    %slice3A_616 = vector.extract_strided_slice %squeeze3A_263 {offsets = [1, 0, 0], sizes = [1, 16, 128], strides = [1, 1, 1]} : vector<9x16x128xf32> to vector<1x16x128xf32>
    %squeeze3A_617 = vector.shape_cast %slice3A_616 : vector<1x16x128xf32> to vector<16x128xf32>
    %mul3A_618 = arith.mulf %squeeze3A_617, %mul3A_615 : vector<16x128xf32>
    %sub3A_619 = arith.subf %squeeze3A_270, %mul3A_618 : vector<16x128xf32>
    %slice3A_620 = vector.extract_strided_slice %squeeze3A_263 {offsets = [2, 0, 0], sizes = [1, 16, 128], strides = [1, 1, 1]} : vector<9x16x128xf32> to vector<1x16x128xf32>
    %squeeze3A_621 = vector.shape_cast %slice3A_620 : vector<1x16x128xf32> to vector<16x128xf32>
    %mul3A_622 = arith.mulf %squeeze3A_621, %mul3A_586 : vector<16x128xf32>
    %sub3A_623 = arith.subf %sub3A_619, %mul3A_622 : vector<16x128xf32>
    %slice3A_624 = vector.extract_strided_slice %squeeze3A_263 {offsets = [3, 0, 0], sizes = [1, 16, 128], strides = [1, 1, 1]} : vector<9x16x128xf32> to vector<1x16x128xf32>
    %squeeze3A_625 = vector.shape_cast %slice3A_624 : vector<1x16x128xf32> to vector<16x128xf32>
    %mul3A_626 = arith.mulf %squeeze3A_625, %mul3A_561 : vector<16x128xf32>
    %sub3A_627 = arith.subf %sub3A_623, %mul3A_626 : vector<16x128xf32>
    %slice3A_628 = vector.extract_strided_slice %squeeze3A_263 {offsets = [4, 0, 0], sizes = [1, 16, 128], strides = [1, 1, 1]} : vector<9x16x128xf32> to vector<1x16x128xf32>
    %squeeze3A_629 = vector.shape_cast %slice3A_628 : vector<1x16x128xf32> to vector<16x128xf32>
    %mul3A_630 = arith.mulf %squeeze3A_629, %mul3A_540 : vector<16x128xf32>
    %sub3A_631 = arith.subf %sub3A_627, %mul3A_630 : vector<16x128xf32>
    %slice3A_632 = vector.extract_strided_slice %squeeze3A_263 {offsets = [5, 0, 0], sizes = [1, 16, 128], strides = [1, 1, 1]} : vector<9x16x128xf32> to vector<1x16x128xf32>
    %squeeze3A_633 = vector.shape_cast %slice3A_632 : vector<1x16x128xf32> to vector<16x128xf32>
    %mul3A_634 = arith.mulf %squeeze3A_633, %mul3A_523 : vector<16x128xf32>
    %sub3A_635 = arith.subf %sub3A_631, %mul3A_634 : vector<16x128xf32>
    %slice3A_636 = vector.extract_strided_slice %squeeze3A_263 {offsets = [6, 0, 0], sizes = [1, 16, 128], strides = [1, 1, 1]} : vector<9x16x128xf32> to vector<1x16x128xf32>
    %squeeze3A_637 = vector.shape_cast %slice3A_636 : vector<1x16x128xf32> to vector<16x128xf32>
    %mul3A_638 = arith.mulf %squeeze3A_637, %mul3A_510 : vector<16x128xf32>
    %sub3A_639 = arith.subf %sub3A_635, %mul3A_638 : vector<16x128xf32>
    %slice3A_640 = vector.extract_strided_slice %squeeze3A_263 {offsets = [7, 0, 0], sizes = [1, 16, 128], strides = [1, 1, 1]} : vector<9x16x128xf32> to vector<1x16x128xf32>
    %squeeze3A_641 = vector.shape_cast %slice3A_640 : vector<1x16x128xf32> to vector<16x128xf32>
    %mul3A_642 = arith.mulf %squeeze3A_641, %mul3A_501 : vector<16x128xf32>
    %sub3A_643 = arith.subf %sub3A_639, %mul3A_642 : vector<16x128xf32>
    %slice3A_644 = vector.extract_strided_slice %squeeze3A_263 {offsets = [8, 0, 0], sizes = [1, 16, 128], strides = [1, 1, 1]} : vector<9x16x128xf32> to vector<1x16x128xf32>
    %squeeze3A_645 = vector.shape_cast %slice3A_644 : vector<1x16x128xf32> to vector<16x128xf32>
    %mul3A_646 = arith.mulf %squeeze3A_645, %mul3A_496 : vector<16x128xf32>
    %sub3A_647 = arith.subf %sub3A_643, %mul3A_646 : vector<16x128xf32>
    %mul3A_648 = arith.mulf %sub3A_647, %div3A_268 : vector<16x128xf32>
    %slice3A_649 = vector.extract_strided_slice %squeeze3A_234 {offsets = [1, 0, 0], sizes = [1, 16, 128], strides = [1, 1, 1]} : vector<10x16x128xf32> to vector<1x16x128xf32>
    %squeeze3A_650 = vector.shape_cast %slice3A_649 : vector<1x16x128xf32> to vector<16x128xf32>
    %mul3A_651 = arith.mulf %squeeze3A_650, %mul3A_648 : vector<16x128xf32>
    %sub3A_652 = arith.subf %squeeze3A_241, %mul3A_651 : vector<16x128xf32>
    %slice3A_653 = vector.extract_strided_slice %squeeze3A_234 {offsets = [2, 0, 0], sizes = [1, 16, 128], strides = [1, 1, 1]} : vector<10x16x128xf32> to vector<1x16x128xf32>
    %squeeze3A_654 = vector.shape_cast %slice3A_653 : vector<1x16x128xf32> to vector<16x128xf32>
    %mul3A_655 = arith.mulf %squeeze3A_654, %mul3A_615 : vector<16x128xf32>
    %sub3A_656 = arith.subf %sub3A_652, %mul3A_655 : vector<16x128xf32>
    %slice3A_657 = vector.extract_strided_slice %squeeze3A_234 {offsets = [3, 0, 0], sizes = [1, 16, 128], strides = [1, 1, 1]} : vector<10x16x128xf32> to vector<1x16x128xf32>
    %squeeze3A_658 = vector.shape_cast %slice3A_657 : vector<1x16x128xf32> to vector<16x128xf32>
    %mul3A_659 = arith.mulf %squeeze3A_658, %mul3A_586 : vector<16x128xf32>
    %sub3A_660 = arith.subf %sub3A_656, %mul3A_659 : vector<16x128xf32>
    %slice3A_661 = vector.extract_strided_slice %squeeze3A_234 {offsets = [4, 0, 0], sizes = [1, 16, 128], strides = [1, 1, 1]} : vector<10x16x128xf32> to vector<1x16x128xf32>
    %squeeze3A_662 = vector.shape_cast %slice3A_661 : vector<1x16x128xf32> to vector<16x128xf32>
    %mul3A_663 = arith.mulf %squeeze3A_662, %mul3A_561 : vector<16x128xf32>
    %sub3A_664 = arith.subf %sub3A_660, %mul3A_663 : vector<16x128xf32>
    %slice3A_665 = vector.extract_strided_slice %squeeze3A_234 {offsets = [5, 0, 0], sizes = [1, 16, 128], strides = [1, 1, 1]} : vector<10x16x128xf32> to vector<1x16x128xf32>
    %squeeze3A_666 = vector.shape_cast %slice3A_665 : vector<1x16x128xf32> to vector<16x128xf32>
    %mul3A_667 = arith.mulf %squeeze3A_666, %mul3A_540 : vector<16x128xf32>
    %sub3A_668 = arith.subf %sub3A_664, %mul3A_667 : vector<16x128xf32>
    %slice3A_669 = vector.extract_strided_slice %squeeze3A_234 {offsets = [6, 0, 0], sizes = [1, 16, 128], strides = [1, 1, 1]} : vector<10x16x128xf32> to vector<1x16x128xf32>
    %squeeze3A_670 = vector.shape_cast %slice3A_669 : vector<1x16x128xf32> to vector<16x128xf32>
    %mul3A_671 = arith.mulf %squeeze3A_670, %mul3A_523 : vector<16x128xf32>
    %sub3A_672 = arith.subf %sub3A_668, %mul3A_671 : vector<16x128xf32>
    %slice3A_673 = vector.extract_strided_slice %squeeze3A_234 {offsets = [7, 0, 0], sizes = [1, 16, 128], strides = [1, 1, 1]} : vector<10x16x128xf32> to vector<1x16x128xf32>
    %squeeze3A_674 = vector.shape_cast %slice3A_673 : vector<1x16x128xf32> to vector<16x128xf32>
    %mul3A_675 = arith.mulf %squeeze3A_674, %mul3A_510 : vector<16x128xf32>
    %sub3A_676 = arith.subf %sub3A_672, %mul3A_675 : vector<16x128xf32>
    %slice3A_677 = vector.extract_strided_slice %squeeze3A_234 {offsets = [8, 0, 0], sizes = [1, 16, 128], strides = [1, 1, 1]} : vector<10x16x128xf32> to vector<1x16x128xf32>
    %squeeze3A_678 = vector.shape_cast %slice3A_677 : vector<1x16x128xf32> to vector<16x128xf32>
    %mul3A_679 = arith.mulf %squeeze3A_678, %mul3A_501 : vector<16x128xf32>
    %sub3A_680 = arith.subf %sub3A_676, %mul3A_679 : vector<16x128xf32>
    %slice3A_681 = vector.extract_strided_slice %squeeze3A_234 {offsets = [9, 0, 0], sizes = [1, 16, 128], strides = [1, 1, 1]} : vector<10x16x128xf32> to vector<1x16x128xf32>
    %squeeze3A_682 = vector.shape_cast %slice3A_681 : vector<1x16x128xf32> to vector<16x128xf32>
    %mul3A_683 = arith.mulf %squeeze3A_682, %mul3A_496 : vector<16x128xf32>
    %sub3A_684 = arith.subf %sub3A_680, %mul3A_683 : vector<16x128xf32>
    %mul3A_685 = arith.mulf %sub3A_684, %div3A_239 : vector<16x128xf32>
    %slice3A_686 = vector.extract_strided_slice %squeeze3A_205 {offsets = [1, 0, 0], sizes = [1, 16, 128], strides = [1, 1, 1]} : vector<11x16x128xf32> to vector<1x16x128xf32>
    %squeeze3A_687 = vector.shape_cast %slice3A_686 : vector<1x16x128xf32> to vector<16x128xf32>
    %mul3A_688 = arith.mulf %squeeze3A_687, %mul3A_685 : vector<16x128xf32>
    %sub3A_689 = arith.subf %squeeze3A_212, %mul3A_688 : vector<16x128xf32>
    %slice3A_690 = vector.extract_strided_slice %squeeze3A_205 {offsets = [2, 0, 0], sizes = [1, 16, 128], strides = [1, 1, 1]} : vector<11x16x128xf32> to vector<1x16x128xf32>
    %squeeze3A_691 = vector.shape_cast %slice3A_690 : vector<1x16x128xf32> to vector<16x128xf32>
    %mul3A_692 = arith.mulf %squeeze3A_691, %mul3A_648 : vector<16x128xf32>
    %sub3A_693 = arith.subf %sub3A_689, %mul3A_692 : vector<16x128xf32>
    %slice3A_694 = vector.extract_strided_slice %squeeze3A_205 {offsets = [3, 0, 0], sizes = [1, 16, 128], strides = [1, 1, 1]} : vector<11x16x128xf32> to vector<1x16x128xf32>
    %squeeze3A_695 = vector.shape_cast %slice3A_694 : vector<1x16x128xf32> to vector<16x128xf32>
    %mul3A_696 = arith.mulf %squeeze3A_695, %mul3A_615 : vector<16x128xf32>
    %sub3A_697 = arith.subf %sub3A_693, %mul3A_696 : vector<16x128xf32>
    %slice3A_698 = vector.extract_strided_slice %squeeze3A_205 {offsets = [4, 0, 0], sizes = [1, 16, 128], strides = [1, 1, 1]} : vector<11x16x128xf32> to vector<1x16x128xf32>
    %squeeze3A_699 = vector.shape_cast %slice3A_698 : vector<1x16x128xf32> to vector<16x128xf32>
    %mul3A_700 = arith.mulf %squeeze3A_699, %mul3A_586 : vector<16x128xf32>
    %sub3A_701 = arith.subf %sub3A_697, %mul3A_700 : vector<16x128xf32>
    %slice3A_702 = vector.extract_strided_slice %squeeze3A_205 {offsets = [5, 0, 0], sizes = [1, 16, 128], strides = [1, 1, 1]} : vector<11x16x128xf32> to vector<1x16x128xf32>
    %squeeze3A_703 = vector.shape_cast %slice3A_702 : vector<1x16x128xf32> to vector<16x128xf32>
    %mul3A_704 = arith.mulf %squeeze3A_703, %mul3A_561 : vector<16x128xf32>
    %sub3A_705 = arith.subf %sub3A_701, %mul3A_704 : vector<16x128xf32>
    %slice3A_706 = vector.extract_strided_slice %squeeze3A_205 {offsets = [6, 0, 0], sizes = [1, 16, 128], strides = [1, 1, 1]} : vector<11x16x128xf32> to vector<1x16x128xf32>
    %squeeze3A_707 = vector.shape_cast %slice3A_706 : vector<1x16x128xf32> to vector<16x128xf32>
    %mul3A_708 = arith.mulf %squeeze3A_707, %mul3A_540 : vector<16x128xf32>
    %sub3A_709 = arith.subf %sub3A_705, %mul3A_708 : vector<16x128xf32>
    %slice3A_710 = vector.extract_strided_slice %squeeze3A_205 {offsets = [7, 0, 0], sizes = [1, 16, 128], strides = [1, 1, 1]} : vector<11x16x128xf32> to vector<1x16x128xf32>
    %squeeze3A_711 = vector.shape_cast %slice3A_710 : vector<1x16x128xf32> to vector<16x128xf32>
    %mul3A_712 = arith.mulf %squeeze3A_711, %mul3A_523 : vector<16x128xf32>
    %sub3A_713 = arith.subf %sub3A_709, %mul3A_712 : vector<16x128xf32>
    %slice3A_714 = vector.extract_strided_slice %squeeze3A_205 {offsets = [8, 0, 0], sizes = [1, 16, 128], strides = [1, 1, 1]} : vector<11x16x128xf32> to vector<1x16x128xf32>
    %squeeze3A_715 = vector.shape_cast %slice3A_714 : vector<1x16x128xf32> to vector<16x128xf32>
    %mul3A_716 = arith.mulf %squeeze3A_715, %mul3A_510 : vector<16x128xf32>
    %sub3A_717 = arith.subf %sub3A_713, %mul3A_716 : vector<16x128xf32>
    %slice3A_718 = vector.extract_strided_slice %squeeze3A_205 {offsets = [9, 0, 0], sizes = [1, 16, 128], strides = [1, 1, 1]} : vector<11x16x128xf32> to vector<1x16x128xf32>
    %squeeze3A_719 = vector.shape_cast %slice3A_718 : vector<1x16x128xf32> to vector<16x128xf32>
    %mul3A_720 = arith.mulf %squeeze3A_719, %mul3A_501 : vector<16x128xf32>
    %sub3A_721 = arith.subf %sub3A_717, %mul3A_720 : vector<16x128xf32>
    %slice3A_722 = vector.extract_strided_slice %squeeze3A_205 {offsets = [10, 0, 0], sizes = [1, 16, 128], strides = [1, 1, 1]} : vector<11x16x128xf32> to vector<1x16x128xf32>
    %squeeze3A_723 = vector.shape_cast %slice3A_722 : vector<1x16x128xf32> to vector<16x128xf32>
    %mul3A_724 = arith.mulf %squeeze3A_723, %mul3A_496 : vector<16x128xf32>
    %sub3A_725 = arith.subf %sub3A_721, %mul3A_724 : vector<16x128xf32>
    %mul3A_726 = arith.mulf %sub3A_725, %div3A_210 : vector<16x128xf32>
    %slice3A_727 = vector.extract_strided_slice %squeeze3A_176 {offsets = [1, 0, 0], sizes = [1, 16, 128], strides = [1, 1, 1]} : vector<12x16x128xf32> to vector<1x16x128xf32>
    %squeeze3A_728 = vector.shape_cast %slice3A_727 : vector<1x16x128xf32> to vector<16x128xf32>
    %mul3A_729 = arith.mulf %squeeze3A_728, %mul3A_726 : vector<16x128xf32>
    %sub3A_730 = arith.subf %squeeze3A_183, %mul3A_729 : vector<16x128xf32>
    %slice3A_731 = vector.extract_strided_slice %squeeze3A_176 {offsets = [2, 0, 0], sizes = [1, 16, 128], strides = [1, 1, 1]} : vector<12x16x128xf32> to vector<1x16x128xf32>
    %squeeze3A_732 = vector.shape_cast %slice3A_731 : vector<1x16x128xf32> to vector<16x128xf32>
    %mul3A_733 = arith.mulf %squeeze3A_732, %mul3A_685 : vector<16x128xf32>
    %sub3A_734 = arith.subf %sub3A_730, %mul3A_733 : vector<16x128xf32>
    %slice3A_735 = vector.extract_strided_slice %squeeze3A_176 {offsets = [3, 0, 0], sizes = [1, 16, 128], strides = [1, 1, 1]} : vector<12x16x128xf32> to vector<1x16x128xf32>
    %squeeze3A_736 = vector.shape_cast %slice3A_735 : vector<1x16x128xf32> to vector<16x128xf32>
    %mul3A_737 = arith.mulf %squeeze3A_736, %mul3A_648 : vector<16x128xf32>
    %sub3A_738 = arith.subf %sub3A_734, %mul3A_737 : vector<16x128xf32>
    %slice3A_739 = vector.extract_strided_slice %squeeze3A_176 {offsets = [4, 0, 0], sizes = [1, 16, 128], strides = [1, 1, 1]} : vector<12x16x128xf32> to vector<1x16x128xf32>
    %squeeze3A_740 = vector.shape_cast %slice3A_739 : vector<1x16x128xf32> to vector<16x128xf32>
    %mul3A_741 = arith.mulf %squeeze3A_740, %mul3A_615 : vector<16x128xf32>
    %sub3A_742 = arith.subf %sub3A_738, %mul3A_741 : vector<16x128xf32>
    %slice3A_743 = vector.extract_strided_slice %squeeze3A_176 {offsets = [5, 0, 0], sizes = [1, 16, 128], strides = [1, 1, 1]} : vector<12x16x128xf32> to vector<1x16x128xf32>
    %squeeze3A_744 = vector.shape_cast %slice3A_743 : vector<1x16x128xf32> to vector<16x128xf32>
    %mul3A_745 = arith.mulf %squeeze3A_744, %mul3A_586 : vector<16x128xf32>
    %sub3A_746 = arith.subf %sub3A_742, %mul3A_745 : vector<16x128xf32>
    %slice3A_747 = vector.extract_strided_slice %squeeze3A_176 {offsets = [6, 0, 0], sizes = [1, 16, 128], strides = [1, 1, 1]} : vector<12x16x128xf32> to vector<1x16x128xf32>
    %squeeze3A_748 = vector.shape_cast %slice3A_747 : vector<1x16x128xf32> to vector<16x128xf32>
    %mul3A_749 = arith.mulf %squeeze3A_748, %mul3A_561 : vector<16x128xf32>
    %sub3A_750 = arith.subf %sub3A_746, %mul3A_749 : vector<16x128xf32>
    %slice3A_751 = vector.extract_strided_slice %squeeze3A_176 {offsets = [7, 0, 0], sizes = [1, 16, 128], strides = [1, 1, 1]} : vector<12x16x128xf32> to vector<1x16x128xf32>
    %squeeze3A_752 = vector.shape_cast %slice3A_751 : vector<1x16x128xf32> to vector<16x128xf32>
    %mul3A_753 = arith.mulf %squeeze3A_752, %mul3A_540 : vector<16x128xf32>
    %sub3A_754 = arith.subf %sub3A_750, %mul3A_753 : vector<16x128xf32>
    %slice3A_755 = vector.extract_strided_slice %squeeze3A_176 {offsets = [8, 0, 0], sizes = [1, 16, 128], strides = [1, 1, 1]} : vector<12x16x128xf32> to vector<1x16x128xf32>
    %squeeze3A_756 = vector.shape_cast %slice3A_755 : vector<1x16x128xf32> to vector<16x128xf32>
    %mul3A_757 = arith.mulf %squeeze3A_756, %mul3A_523 : vector<16x128xf32>
    %sub3A_758 = arith.subf %sub3A_754, %mul3A_757 : vector<16x128xf32>
    %slice3A_759 = vector.extract_strided_slice %squeeze3A_176 {offsets = [9, 0, 0], sizes = [1, 16, 128], strides = [1, 1, 1]} : vector<12x16x128xf32> to vector<1x16x128xf32>
    %squeeze3A_760 = vector.shape_cast %slice3A_759 : vector<1x16x128xf32> to vector<16x128xf32>
    %mul3A_761 = arith.mulf %squeeze3A_760, %mul3A_510 : vector<16x128xf32>
    %sub3A_762 = arith.subf %sub3A_758, %mul3A_761 : vector<16x128xf32>
    %slice3A_763 = vector.extract_strided_slice %squeeze3A_176 {offsets = [10, 0, 0], sizes = [1, 16, 128], strides = [1, 1, 1]} : vector<12x16x128xf32> to vector<1x16x128xf32>
    %squeeze3A_764 = vector.shape_cast %slice3A_763 : vector<1x16x128xf32> to vector<16x128xf32>
    %mul3A_765 = arith.mulf %squeeze3A_764, %mul3A_501 : vector<16x128xf32>
    %sub3A_766 = arith.subf %sub3A_762, %mul3A_765 : vector<16x128xf32>
    %slice3A_767 = vector.extract_strided_slice %squeeze3A_176 {offsets = [11, 0, 0], sizes = [1, 16, 128], strides = [1, 1, 1]} : vector<12x16x128xf32> to vector<1x16x128xf32>
    %squeeze3A_768 = vector.shape_cast %slice3A_767 : vector<1x16x128xf32> to vector<16x128xf32>
    %mul3A_769 = arith.mulf %squeeze3A_768, %mul3A_496 : vector<16x128xf32>
    %sub3A_770 = arith.subf %sub3A_766, %mul3A_769 : vector<16x128xf32>
    %mul3A_771 = arith.mulf %sub3A_770, %div3A_181 : vector<16x128xf32>
    %slice3A_772 = vector.extract_strided_slice %squeeze3A_147 {offsets = [1, 0, 0], sizes = [1, 16, 128], strides = [1, 1, 1]} : vector<13x16x128xf32> to vector<1x16x128xf32>
    %squeeze3A_773 = vector.shape_cast %slice3A_772 : vector<1x16x128xf32> to vector<16x128xf32>
    %mul3A_774 = arith.mulf %squeeze3A_773, %mul3A_771 : vector<16x128xf32>
    %sub3A_775 = arith.subf %squeeze3A_154, %mul3A_774 : vector<16x128xf32>
    %slice3A_776 = vector.extract_strided_slice %squeeze3A_147 {offsets = [2, 0, 0], sizes = [1, 16, 128], strides = [1, 1, 1]} : vector<13x16x128xf32> to vector<1x16x128xf32>
    %squeeze3A_777 = vector.shape_cast %slice3A_776 : vector<1x16x128xf32> to vector<16x128xf32>
    %mul3A_778 = arith.mulf %squeeze3A_777, %mul3A_726 : vector<16x128xf32>
    %sub3A_779 = arith.subf %sub3A_775, %mul3A_778 : vector<16x128xf32>
    %slice3A_780 = vector.extract_strided_slice %squeeze3A_147 {offsets = [3, 0, 0], sizes = [1, 16, 128], strides = [1, 1, 1]} : vector<13x16x128xf32> to vector<1x16x128xf32>
    %squeeze3A_781 = vector.shape_cast %slice3A_780 : vector<1x16x128xf32> to vector<16x128xf32>
    %mul3A_782 = arith.mulf %squeeze3A_781, %mul3A_685 : vector<16x128xf32>
    %sub3A_783 = arith.subf %sub3A_779, %mul3A_782 : vector<16x128xf32>
    %slice3A_784 = vector.extract_strided_slice %squeeze3A_147 {offsets = [4, 0, 0], sizes = [1, 16, 128], strides = [1, 1, 1]} : vector<13x16x128xf32> to vector<1x16x128xf32>
    %squeeze3A_785 = vector.shape_cast %slice3A_784 : vector<1x16x128xf32> to vector<16x128xf32>
    %mul3A_786 = arith.mulf %squeeze3A_785, %mul3A_648 : vector<16x128xf32>
    %sub3A_787 = arith.subf %sub3A_783, %mul3A_786 : vector<16x128xf32>
    %slice3A_788 = vector.extract_strided_slice %squeeze3A_147 {offsets = [5, 0, 0], sizes = [1, 16, 128], strides = [1, 1, 1]} : vector<13x16x128xf32> to vector<1x16x128xf32>
    %squeeze3A_789 = vector.shape_cast %slice3A_788 : vector<1x16x128xf32> to vector<16x128xf32>
    %mul3A_790 = arith.mulf %squeeze3A_789, %mul3A_615 : vector<16x128xf32>
    %sub3A_791 = arith.subf %sub3A_787, %mul3A_790 : vector<16x128xf32>
    %slice3A_792 = vector.extract_strided_slice %squeeze3A_147 {offsets = [6, 0, 0], sizes = [1, 16, 128], strides = [1, 1, 1]} : vector<13x16x128xf32> to vector<1x16x128xf32>
    %squeeze3A_793 = vector.shape_cast %slice3A_792 : vector<1x16x128xf32> to vector<16x128xf32>
    %mul3A_794 = arith.mulf %squeeze3A_793, %mul3A_586 : vector<16x128xf32>
    %sub3A_795 = arith.subf %sub3A_791, %mul3A_794 : vector<16x128xf32>
    %slice3A_796 = vector.extract_strided_slice %squeeze3A_147 {offsets = [7, 0, 0], sizes = [1, 16, 128], strides = [1, 1, 1]} : vector<13x16x128xf32> to vector<1x16x128xf32>
    %squeeze3A_797 = vector.shape_cast %slice3A_796 : vector<1x16x128xf32> to vector<16x128xf32>
    %mul3A_798 = arith.mulf %squeeze3A_797, %mul3A_561 : vector<16x128xf32>
    %sub3A_799 = arith.subf %sub3A_795, %mul3A_798 : vector<16x128xf32>
    %slice3A_800 = vector.extract_strided_slice %squeeze3A_147 {offsets = [8, 0, 0], sizes = [1, 16, 128], strides = [1, 1, 1]} : vector<13x16x128xf32> to vector<1x16x128xf32>
    %squeeze3A_801 = vector.shape_cast %slice3A_800 : vector<1x16x128xf32> to vector<16x128xf32>
    %mul3A_802 = arith.mulf %squeeze3A_801, %mul3A_540 : vector<16x128xf32>
    %sub3A_803 = arith.subf %sub3A_799, %mul3A_802 : vector<16x128xf32>
    %slice3A_804 = vector.extract_strided_slice %squeeze3A_147 {offsets = [9, 0, 0], sizes = [1, 16, 128], strides = [1, 1, 1]} : vector<13x16x128xf32> to vector<1x16x128xf32>
    %squeeze3A_805 = vector.shape_cast %slice3A_804 : vector<1x16x128xf32> to vector<16x128xf32>
    %mul3A_806 = arith.mulf %squeeze3A_805, %mul3A_523 : vector<16x128xf32>
    %sub3A_807 = arith.subf %sub3A_803, %mul3A_806 : vector<16x128xf32>
    %slice3A_808 = vector.extract_strided_slice %squeeze3A_147 {offsets = [10, 0, 0], sizes = [1, 16, 128], strides = [1, 1, 1]} : vector<13x16x128xf32> to vector<1x16x128xf32>
    %squeeze3A_809 = vector.shape_cast %slice3A_808 : vector<1x16x128xf32> to vector<16x128xf32>
    %mul3A_810 = arith.mulf %squeeze3A_809, %mul3A_510 : vector<16x128xf32>
    %sub3A_811 = arith.subf %sub3A_807, %mul3A_810 : vector<16x128xf32>
    %slice3A_812 = vector.extract_strided_slice %squeeze3A_147 {offsets = [11, 0, 0], sizes = [1, 16, 128], strides = [1, 1, 1]} : vector<13x16x128xf32> to vector<1x16x128xf32>
    %squeeze3A_813 = vector.shape_cast %slice3A_812 : vector<1x16x128xf32> to vector<16x128xf32>
    %mul3A_814 = arith.mulf %squeeze3A_813, %mul3A_501 : vector<16x128xf32>
    %sub3A_815 = arith.subf %sub3A_811, %mul3A_814 : vector<16x128xf32>
    %slice3A_816 = vector.extract_strided_slice %squeeze3A_147 {offsets = [12, 0, 0], sizes = [1, 16, 128], strides = [1, 1, 1]} : vector<13x16x128xf32> to vector<1x16x128xf32>
    %squeeze3A_817 = vector.shape_cast %slice3A_816 : vector<1x16x128xf32> to vector<16x128xf32>
    %mul3A_818 = arith.mulf %squeeze3A_817, %mul3A_496 : vector<16x128xf32>
    %sub3A_819 = arith.subf %sub3A_815, %mul3A_818 : vector<16x128xf32>
    %mul3A_820 = arith.mulf %sub3A_819, %div3A_152 : vector<16x128xf32>
    %slice3A_821 = vector.extract_strided_slice %squeeze3A_118 {offsets = [1, 0, 0], sizes = [1, 16, 128], strides = [1, 1, 1]} : vector<14x16x128xf32> to vector<1x16x128xf32>
    %squeeze3A_822 = vector.shape_cast %slice3A_821 : vector<1x16x128xf32> to vector<16x128xf32>
    %mul3A_823 = arith.mulf %squeeze3A_822, %mul3A_820 : vector<16x128xf32>
    %sub3A_824 = arith.subf %squeeze3A_125, %mul3A_823 : vector<16x128xf32>
    %slice3A_825 = vector.extract_strided_slice %squeeze3A_118 {offsets = [2, 0, 0], sizes = [1, 16, 128], strides = [1, 1, 1]} : vector<14x16x128xf32> to vector<1x16x128xf32>
    %squeeze3A_826 = vector.shape_cast %slice3A_825 : vector<1x16x128xf32> to vector<16x128xf32>
    %mul3A_827 = arith.mulf %squeeze3A_826, %mul3A_771 : vector<16x128xf32>
    %sub3A_828 = arith.subf %sub3A_824, %mul3A_827 : vector<16x128xf32>
    %slice3A_829 = vector.extract_strided_slice %squeeze3A_118 {offsets = [3, 0, 0], sizes = [1, 16, 128], strides = [1, 1, 1]} : vector<14x16x128xf32> to vector<1x16x128xf32>
    %squeeze3A_830 = vector.shape_cast %slice3A_829 : vector<1x16x128xf32> to vector<16x128xf32>
    %mul3A_831 = arith.mulf %squeeze3A_830, %mul3A_726 : vector<16x128xf32>
    %sub3A_832 = arith.subf %sub3A_828, %mul3A_831 : vector<16x128xf32>
    %slice3A_833 = vector.extract_strided_slice %squeeze3A_118 {offsets = [4, 0, 0], sizes = [1, 16, 128], strides = [1, 1, 1]} : vector<14x16x128xf32> to vector<1x16x128xf32>
    %squeeze3A_834 = vector.shape_cast %slice3A_833 : vector<1x16x128xf32> to vector<16x128xf32>
    %mul3A_835 = arith.mulf %squeeze3A_834, %mul3A_685 : vector<16x128xf32>
    %sub3A_836 = arith.subf %sub3A_832, %mul3A_835 : vector<16x128xf32>
    %slice3A_837 = vector.extract_strided_slice %squeeze3A_118 {offsets = [5, 0, 0], sizes = [1, 16, 128], strides = [1, 1, 1]} : vector<14x16x128xf32> to vector<1x16x128xf32>
    %squeeze3A_838 = vector.shape_cast %slice3A_837 : vector<1x16x128xf32> to vector<16x128xf32>
    %mul3A_839 = arith.mulf %squeeze3A_838, %mul3A_648 : vector<16x128xf32>
    %sub3A_840 = arith.subf %sub3A_836, %mul3A_839 : vector<16x128xf32>
    %slice3A_841 = vector.extract_strided_slice %squeeze3A_118 {offsets = [6, 0, 0], sizes = [1, 16, 128], strides = [1, 1, 1]} : vector<14x16x128xf32> to vector<1x16x128xf32>
    %squeeze3A_842 = vector.shape_cast %slice3A_841 : vector<1x16x128xf32> to vector<16x128xf32>
    %mul3A_843 = arith.mulf %squeeze3A_842, %mul3A_615 : vector<16x128xf32>
    %sub3A_844 = arith.subf %sub3A_840, %mul3A_843 : vector<16x128xf32>
    %slice3A_845 = vector.extract_strided_slice %squeeze3A_118 {offsets = [7, 0, 0], sizes = [1, 16, 128], strides = [1, 1, 1]} : vector<14x16x128xf32> to vector<1x16x128xf32>
    %squeeze3A_846 = vector.shape_cast %slice3A_845 : vector<1x16x128xf32> to vector<16x128xf32>
    %mul3A_847 = arith.mulf %squeeze3A_846, %mul3A_586 : vector<16x128xf32>
    %sub3A_848 = arith.subf %sub3A_844, %mul3A_847 : vector<16x128xf32>
    %slice3A_849 = vector.extract_strided_slice %squeeze3A_118 {offsets = [8, 0, 0], sizes = [1, 16, 128], strides = [1, 1, 1]} : vector<14x16x128xf32> to vector<1x16x128xf32>
    %squeeze3A_850 = vector.shape_cast %slice3A_849 : vector<1x16x128xf32> to vector<16x128xf32>
    %mul3A_851 = arith.mulf %squeeze3A_850, %mul3A_561 : vector<16x128xf32>
    %sub3A_852 = arith.subf %sub3A_848, %mul3A_851 : vector<16x128xf32>
    %slice3A_853 = vector.extract_strided_slice %squeeze3A_118 {offsets = [9, 0, 0], sizes = [1, 16, 128], strides = [1, 1, 1]} : vector<14x16x128xf32> to vector<1x16x128xf32>
    %squeeze3A_854 = vector.shape_cast %slice3A_853 : vector<1x16x128xf32> to vector<16x128xf32>
    %mul3A_855 = arith.mulf %squeeze3A_854, %mul3A_540 : vector<16x128xf32>
    %sub3A_856 = arith.subf %sub3A_852, %mul3A_855 : vector<16x128xf32>
    %slice3A_857 = vector.extract_strided_slice %squeeze3A_118 {offsets = [10, 0, 0], sizes = [1, 16, 128], strides = [1, 1, 1]} : vector<14x16x128xf32> to vector<1x16x128xf32>
    %squeeze3A_858 = vector.shape_cast %slice3A_857 : vector<1x16x128xf32> to vector<16x128xf32>
    %mul3A_859 = arith.mulf %squeeze3A_858, %mul3A_523 : vector<16x128xf32>
    %sub3A_860 = arith.subf %sub3A_856, %mul3A_859 : vector<16x128xf32>
    %slice3A_861 = vector.extract_strided_slice %squeeze3A_118 {offsets = [11, 0, 0], sizes = [1, 16, 128], strides = [1, 1, 1]} : vector<14x16x128xf32> to vector<1x16x128xf32>
    %squeeze3A_862 = vector.shape_cast %slice3A_861 : vector<1x16x128xf32> to vector<16x128xf32>
    %mul3A_863 = arith.mulf %squeeze3A_862, %mul3A_510 : vector<16x128xf32>
    %sub3A_864 = arith.subf %sub3A_860, %mul3A_863 : vector<16x128xf32>
    %slice3A_865 = vector.extract_strided_slice %squeeze3A_118 {offsets = [12, 0, 0], sizes = [1, 16, 128], strides = [1, 1, 1]} : vector<14x16x128xf32> to vector<1x16x128xf32>
    %squeeze3A_866 = vector.shape_cast %slice3A_865 : vector<1x16x128xf32> to vector<16x128xf32>
    %mul3A_867 = arith.mulf %squeeze3A_866, %mul3A_501 : vector<16x128xf32>
    %sub3A_868 = arith.subf %sub3A_864, %mul3A_867 : vector<16x128xf32>
    %slice3A_869 = vector.extract_strided_slice %squeeze3A_118 {offsets = [13, 0, 0], sizes = [1, 16, 128], strides = [1, 1, 1]} : vector<14x16x128xf32> to vector<1x16x128xf32>
    %squeeze3A_870 = vector.shape_cast %slice3A_869 : vector<1x16x128xf32> to vector<16x128xf32>
    %mul3A_871 = arith.mulf %squeeze3A_870, %mul3A_496 : vector<16x128xf32>
    %sub3A_872 = arith.subf %sub3A_868, %mul3A_871 : vector<16x128xf32>
    %mul3A_873 = arith.mulf %sub3A_872, %div3A_123 : vector<16x128xf32>
    %slice3A_874 = vector.extract_strided_slice %squeeze3A_89 {offsets = [1, 0, 0], sizes = [1, 16, 128], strides = [1, 1, 1]} : vector<15x16x128xf32> to vector<1x16x128xf32>
    %squeeze3A_875 = vector.shape_cast %slice3A_874 : vector<1x16x128xf32> to vector<16x128xf32>
    %mul3A_876 = arith.mulf %squeeze3A_875, %mul3A_873 : vector<16x128xf32>
    %sub3A_877 = arith.subf %squeeze3A_96, %mul3A_876 : vector<16x128xf32>
    %slice3A_878 = vector.extract_strided_slice %squeeze3A_89 {offsets = [2, 0, 0], sizes = [1, 16, 128], strides = [1, 1, 1]} : vector<15x16x128xf32> to vector<1x16x128xf32>
    %squeeze3A_879 = vector.shape_cast %slice3A_878 : vector<1x16x128xf32> to vector<16x128xf32>
    %mul3A_880 = arith.mulf %squeeze3A_879, %mul3A_820 : vector<16x128xf32>
    %sub3A_881 = arith.subf %sub3A_877, %mul3A_880 : vector<16x128xf32>
    %slice3A_882 = vector.extract_strided_slice %squeeze3A_89 {offsets = [3, 0, 0], sizes = [1, 16, 128], strides = [1, 1, 1]} : vector<15x16x128xf32> to vector<1x16x128xf32>
    %squeeze3A_883 = vector.shape_cast %slice3A_882 : vector<1x16x128xf32> to vector<16x128xf32>
    %mul3A_884 = arith.mulf %squeeze3A_883, %mul3A_771 : vector<16x128xf32>
    %sub3A_885 = arith.subf %sub3A_881, %mul3A_884 : vector<16x128xf32>
    %slice3A_886 = vector.extract_strided_slice %squeeze3A_89 {offsets = [4, 0, 0], sizes = [1, 16, 128], strides = [1, 1, 1]} : vector<15x16x128xf32> to vector<1x16x128xf32>
    %squeeze3A_887 = vector.shape_cast %slice3A_886 : vector<1x16x128xf32> to vector<16x128xf32>
    %mul3A_888 = arith.mulf %squeeze3A_887, %mul3A_726 : vector<16x128xf32>
    %sub3A_889 = arith.subf %sub3A_885, %mul3A_888 : vector<16x128xf32>
    %slice3A_890 = vector.extract_strided_slice %squeeze3A_89 {offsets = [5, 0, 0], sizes = [1, 16, 128], strides = [1, 1, 1]} : vector<15x16x128xf32> to vector<1x16x128xf32>
    %squeeze3A_891 = vector.shape_cast %slice3A_890 : vector<1x16x128xf32> to vector<16x128xf32>
    %mul3A_892 = arith.mulf %squeeze3A_891, %mul3A_685 : vector<16x128xf32>
    %sub3A_893 = arith.subf %sub3A_889, %mul3A_892 : vector<16x128xf32>
    %slice3A_894 = vector.extract_strided_slice %squeeze3A_89 {offsets = [6, 0, 0], sizes = [1, 16, 128], strides = [1, 1, 1]} : vector<15x16x128xf32> to vector<1x16x128xf32>
    %squeeze3A_895 = vector.shape_cast %slice3A_894 : vector<1x16x128xf32> to vector<16x128xf32>
    %mul3A_896 = arith.mulf %squeeze3A_895, %mul3A_648 : vector<16x128xf32>
    %sub3A_897 = arith.subf %sub3A_893, %mul3A_896 : vector<16x128xf32>
    %slice3A_898 = vector.extract_strided_slice %squeeze3A_89 {offsets = [7, 0, 0], sizes = [1, 16, 128], strides = [1, 1, 1]} : vector<15x16x128xf32> to vector<1x16x128xf32>
    %squeeze3A_899 = vector.shape_cast %slice3A_898 : vector<1x16x128xf32> to vector<16x128xf32>
    %mul3A_900 = arith.mulf %squeeze3A_899, %mul3A_615 : vector<16x128xf32>
    %sub3A_901 = arith.subf %sub3A_897, %mul3A_900 : vector<16x128xf32>
    %slice3A_902 = vector.extract_strided_slice %squeeze3A_89 {offsets = [8, 0, 0], sizes = [1, 16, 128], strides = [1, 1, 1]} : vector<15x16x128xf32> to vector<1x16x128xf32>
    %squeeze3A_903 = vector.shape_cast %slice3A_902 : vector<1x16x128xf32> to vector<16x128xf32>
    %mul3A_904 = arith.mulf %squeeze3A_903, %mul3A_586 : vector<16x128xf32>
    %sub3A_905 = arith.subf %sub3A_901, %mul3A_904 : vector<16x128xf32>
    %slice3A_906 = vector.extract_strided_slice %squeeze3A_89 {offsets = [9, 0, 0], sizes = [1, 16, 128], strides = [1, 1, 1]} : vector<15x16x128xf32> to vector<1x16x128xf32>
    %squeeze3A_907 = vector.shape_cast %slice3A_906 : vector<1x16x128xf32> to vector<16x128xf32>
    %mul3A_908 = arith.mulf %squeeze3A_907, %mul3A_561 : vector<16x128xf32>
    %sub3A_909 = arith.subf %sub3A_905, %mul3A_908 : vector<16x128xf32>
    %slice3A_910 = vector.extract_strided_slice %squeeze3A_89 {offsets = [10, 0, 0], sizes = [1, 16, 128], strides = [1, 1, 1]} : vector<15x16x128xf32> to vector<1x16x128xf32>
    %squeeze3A_911 = vector.shape_cast %slice3A_910 : vector<1x16x128xf32> to vector<16x128xf32>
    %mul3A_912 = arith.mulf %squeeze3A_911, %mul3A_540 : vector<16x128xf32>
    %sub3A_913 = arith.subf %sub3A_909, %mul3A_912 : vector<16x128xf32>
    %slice3A_914 = vector.extract_strided_slice %squeeze3A_89 {offsets = [11, 0, 0], sizes = [1, 16, 128], strides = [1, 1, 1]} : vector<15x16x128xf32> to vector<1x16x128xf32>
    %squeeze3A_915 = vector.shape_cast %slice3A_914 : vector<1x16x128xf32> to vector<16x128xf32>
    %mul3A_916 = arith.mulf %squeeze3A_915, %mul3A_523 : vector<16x128xf32>
    %sub3A_917 = arith.subf %sub3A_913, %mul3A_916 : vector<16x128xf32>
    %slice3A_918 = vector.extract_strided_slice %squeeze3A_89 {offsets = [12, 0, 0], sizes = [1, 16, 128], strides = [1, 1, 1]} : vector<15x16x128xf32> to vector<1x16x128xf32>
    %squeeze3A_919 = vector.shape_cast %slice3A_918 : vector<1x16x128xf32> to vector<16x128xf32>
    %mul3A_920 = arith.mulf %squeeze3A_919, %mul3A_510 : vector<16x128xf32>
    %sub3A_921 = arith.subf %sub3A_917, %mul3A_920 : vector<16x128xf32>
    %slice3A_922 = vector.extract_strided_slice %squeeze3A_89 {offsets = [13, 0, 0], sizes = [1, 16, 128], strides = [1, 1, 1]} : vector<15x16x128xf32> to vector<1x16x128xf32>
    %squeeze3A_923 = vector.shape_cast %slice3A_922 : vector<1x16x128xf32> to vector<16x128xf32>
    %mul3A_924 = arith.mulf %squeeze3A_923, %mul3A_501 : vector<16x128xf32>
    %sub3A_925 = arith.subf %sub3A_921, %mul3A_924 : vector<16x128xf32>
    %slice3A_926 = vector.extract_strided_slice %squeeze3A_89 {offsets = [14, 0, 0], sizes = [1, 16, 128], strides = [1, 1, 1]} : vector<15x16x128xf32> to vector<1x16x128xf32>
    %squeeze3A_927 = vector.shape_cast %slice3A_926 : vector<1x16x128xf32> to vector<16x128xf32>
    %mul3A_928 = arith.mulf %squeeze3A_927, %mul3A_496 : vector<16x128xf32>
    %sub3A_929 = arith.subf %sub3A_925, %mul3A_928 : vector<16x128xf32>
    %mul3A_930 = arith.mulf %sub3A_929, %div3A_94 : vector<16x128xf32>
    %slice3A_931 = vector.extract_strided_slice %squeeze3A {offsets = [1, 0, 0], sizes = [1, 16, 128], strides = [1, 1, 1]} : vector<16x16x128xf32> to vector<1x16x128xf32>
    %squeeze3A_932 = vector.shape_cast %slice3A_931 : vector<1x16x128xf32> to vector<16x128xf32>
    %mul3A_933 = arith.mulf %squeeze3A_932, %mul3A_930 : vector<16x128xf32>
    %sub3A_934 = arith.subf %squeeze3A_67, %mul3A_933 : vector<16x128xf32>
    %slice3A_935 = vector.extract_strided_slice %squeeze3A {offsets = [2, 0, 0], sizes = [1, 16, 128], strides = [1, 1, 1]} : vector<16x16x128xf32> to vector<1x16x128xf32>
    %squeeze3A_936 = vector.shape_cast %slice3A_935 : vector<1x16x128xf32> to vector<16x128xf32>
    %mul3A_937 = arith.mulf %squeeze3A_936, %mul3A_873 : vector<16x128xf32>
    %sub3A_938 = arith.subf %sub3A_934, %mul3A_937 : vector<16x128xf32>
    %slice3A_939 = vector.extract_strided_slice %squeeze3A {offsets = [3, 0, 0], sizes = [1, 16, 128], strides = [1, 1, 1]} : vector<16x16x128xf32> to vector<1x16x128xf32>
    %squeeze3A_940 = vector.shape_cast %slice3A_939 : vector<1x16x128xf32> to vector<16x128xf32>
    %mul3A_941 = arith.mulf %squeeze3A_940, %mul3A_820 : vector<16x128xf32>
    %sub3A_942 = arith.subf %sub3A_938, %mul3A_941 : vector<16x128xf32>
    %slice3A_943 = vector.extract_strided_slice %squeeze3A {offsets = [4, 0, 0], sizes = [1, 16, 128], strides = [1, 1, 1]} : vector<16x16x128xf32> to vector<1x16x128xf32>
    %squeeze3A_944 = vector.shape_cast %slice3A_943 : vector<1x16x128xf32> to vector<16x128xf32>
    %mul3A_945 = arith.mulf %squeeze3A_944, %mul3A_771 : vector<16x128xf32>
    %sub3A_946 = arith.subf %sub3A_942, %mul3A_945 : vector<16x128xf32>
    %slice3A_947 = vector.extract_strided_slice %squeeze3A {offsets = [5, 0, 0], sizes = [1, 16, 128], strides = [1, 1, 1]} : vector<16x16x128xf32> to vector<1x16x128xf32>
    %squeeze3A_948 = vector.shape_cast %slice3A_947 : vector<1x16x128xf32> to vector<16x128xf32>
    %mul3A_949 = arith.mulf %squeeze3A_948, %mul3A_726 : vector<16x128xf32>
    %sub3A_950 = arith.subf %sub3A_946, %mul3A_949 : vector<16x128xf32>
    %slice3A_951 = vector.extract_strided_slice %squeeze3A {offsets = [6, 0, 0], sizes = [1, 16, 128], strides = [1, 1, 1]} : vector<16x16x128xf32> to vector<1x16x128xf32>
    %squeeze3A_952 = vector.shape_cast %slice3A_951 : vector<1x16x128xf32> to vector<16x128xf32>
    %mul3A_953 = arith.mulf %squeeze3A_952, %mul3A_685 : vector<16x128xf32>
    %sub3A_954 = arith.subf %sub3A_950, %mul3A_953 : vector<16x128xf32>
    %slice3A_955 = vector.extract_strided_slice %squeeze3A {offsets = [7, 0, 0], sizes = [1, 16, 128], strides = [1, 1, 1]} : vector<16x16x128xf32> to vector<1x16x128xf32>
    %squeeze3A_956 = vector.shape_cast %slice3A_955 : vector<1x16x128xf32> to vector<16x128xf32>
    %mul3A_957 = arith.mulf %squeeze3A_956, %mul3A_648 : vector<16x128xf32>
    %sub3A_958 = arith.subf %sub3A_954, %mul3A_957 : vector<16x128xf32>
    %slice3A_959 = vector.extract_strided_slice %squeeze3A {offsets = [8, 0, 0], sizes = [1, 16, 128], strides = [1, 1, 1]} : vector<16x16x128xf32> to vector<1x16x128xf32>
    %squeeze3A_960 = vector.shape_cast %slice3A_959 : vector<1x16x128xf32> to vector<16x128xf32>
    %mul3A_961 = arith.mulf %squeeze3A_960, %mul3A_615 : vector<16x128xf32>
    %sub3A_962 = arith.subf %sub3A_958, %mul3A_961 : vector<16x128xf32>
    %slice3A_963 = vector.extract_strided_slice %squeeze3A {offsets = [9, 0, 0], sizes = [1, 16, 128], strides = [1, 1, 1]} : vector<16x16x128xf32> to vector<1x16x128xf32>
    %squeeze3A_964 = vector.shape_cast %slice3A_963 : vector<1x16x128xf32> to vector<16x128xf32>
    %mul3A_965 = arith.mulf %squeeze3A_964, %mul3A_586 : vector<16x128xf32>
    %sub3A_966 = arith.subf %sub3A_962, %mul3A_965 : vector<16x128xf32>
    %slice3A_967 = vector.extract_strided_slice %squeeze3A {offsets = [10, 0, 0], sizes = [1, 16, 128], strides = [1, 1, 1]} : vector<16x16x128xf32> to vector<1x16x128xf32>
    %squeeze3A_968 = vector.shape_cast %slice3A_967 : vector<1x16x128xf32> to vector<16x128xf32>
    %mul3A_969 = arith.mulf %squeeze3A_968, %mul3A_561 : vector<16x128xf32>
    %sub3A_970 = arith.subf %sub3A_966, %mul3A_969 : vector<16x128xf32>
    %slice3A_971 = vector.extract_strided_slice %squeeze3A {offsets = [11, 0, 0], sizes = [1, 16, 128], strides = [1, 1, 1]} : vector<16x16x128xf32> to vector<1x16x128xf32>
    %squeeze3A_972 = vector.shape_cast %slice3A_971 : vector<1x16x128xf32> to vector<16x128xf32>
    %mul3A_973 = arith.mulf %squeeze3A_972, %mul3A_540 : vector<16x128xf32>
    %sub3A_974 = arith.subf %sub3A_970, %mul3A_973 : vector<16x128xf32>
    %slice3A_975 = vector.extract_strided_slice %squeeze3A {offsets = [12, 0, 0], sizes = [1, 16, 128], strides = [1, 1, 1]} : vector<16x16x128xf32> to vector<1x16x128xf32>
    %squeeze3A_976 = vector.shape_cast %slice3A_975 : vector<1x16x128xf32> to vector<16x128xf32>
    %mul3A_977 = arith.mulf %squeeze3A_976, %mul3A_523 : vector<16x128xf32>
    %sub3A_978 = arith.subf %sub3A_974, %mul3A_977 : vector<16x128xf32>
    %slice3A_979 = vector.extract_strided_slice %squeeze3A {offsets = [13, 0, 0], sizes = [1, 16, 128], strides = [1, 1, 1]} : vector<16x16x128xf32> to vector<1x16x128xf32>
    %squeeze3A_980 = vector.shape_cast %slice3A_979 : vector<1x16x128xf32> to vector<16x128xf32>
    %mul3A_981 = arith.mulf %squeeze3A_980, %mul3A_510 : vector<16x128xf32>
    %sub3A_982 = arith.subf %sub3A_978, %mul3A_981 : vector<16x128xf32>
    %slice3A_983 = vector.extract_strided_slice %squeeze3A {offsets = [14, 0, 0], sizes = [1, 16, 128], strides = [1, 1, 1]} : vector<16x16x128xf32> to vector<1x16x128xf32>
    %squeeze3A_984 = vector.shape_cast %slice3A_983 : vector<1x16x128xf32> to vector<16x128xf32>
    %mul3A_985 = arith.mulf %squeeze3A_984, %mul3A_501 : vector<16x128xf32>
    %sub3A_986 = arith.subf %sub3A_982, %mul3A_985 : vector<16x128xf32>
    %slice3A_987 = vector.extract_strided_slice %squeeze3A {offsets = [15, 0, 0], sizes = [1, 16, 128], strides = [1, 1, 1]} : vector<16x16x128xf32> to vector<1x16x128xf32>
    %squeeze3A_988 = vector.shape_cast %slice3A_987 : vector<1x16x128xf32> to vector<16x128xf32>
    %mul3A_989 = arith.mulf %squeeze3A_988, %mul3A_496 : vector<16x128xf32>
    %sub3A_990 = arith.subf %sub3A_986, %mul3A_989 : vector<16x128xf32>
    %mul3A_991 = arith.mulf %sub3A_990, %div3A_65 : vector<16x128xf32>
    %stack3A = vector.shape_cast %mul3A_991 : vector<16x128xf32> to vector<1x16x128xf32>
    %stack3A_992 = vector.shape_cast %mul3A_930 : vector<16x128xf32> to vector<1x16x128xf32>
    %stack3A_993 = vector.shape_cast %mul3A_873 : vector<16x128xf32> to vector<1x16x128xf32>
    %stack3A_994 = vector.shape_cast %mul3A_820 : vector<16x128xf32> to vector<1x16x128xf32>
    %stack3A_995 = vector.shape_cast %mul3A_771 : vector<16x128xf32> to vector<1x16x128xf32>
    %stack3A_996 = vector.shape_cast %mul3A_726 : vector<16x128xf32> to vector<1x16x128xf32>
    %stack3A_997 = vector.shape_cast %mul3A_685 : vector<16x128xf32> to vector<1x16x128xf32>
    %stack3A_998 = vector.shape_cast %mul3A_648 : vector<16x128xf32> to vector<1x16x128xf32>
    %stack3A_999 = vector.shape_cast %mul3A_615 : vector<16x128xf32> to vector<1x16x128xf32>
    %stack3A_1000 = vector.shape_cast %mul3A_586 : vector<16x128xf32> to vector<1x16x128xf32>
    %stack3A_1001 = vector.shape_cast %mul3A_561 : vector<16x128xf32> to vector<1x16x128xf32>
    %stack3A_1002 = vector.shape_cast %mul3A_540 : vector<16x128xf32> to vector<1x16x128xf32>
    %stack3A_1003 = vector.shape_cast %mul3A_523 : vector<16x128xf32> to vector<1x16x128xf32>
    %stack3A_1004 = vector.shape_cast %mul3A_510 : vector<16x128xf32> to vector<1x16x128xf32>
    %stack3A_1005 = vector.shape_cast %mul3A_501 : vector<16x128xf32> to vector<1x16x128xf32>
    %stack3A_1006 = vector.shape_cast %mul3A_496 : vector<16x128xf32> to vector<1x16x128xf32>
    %stack3A_1007 = tpu.concatenate %stack3A, %stack3A_992, %stack3A_993, %stack3A_994, %stack3A_995, %stack3A_996, %stack3A_997, %stack3A_998, %stack3A_999, %stack3A_1000, %stack3A_1001, %stack3A_1002, %stack3A_1003, %stack3A_1004, %stack3A_1005, %stack3A_1006 in 0 : vector<1x16x128xf32>, vector<1x16x128xf32>, vector<1x16x128xf32>, vector<1x16x128xf32>, vector<1x16x128xf32>, vector<1x16x128xf32>, vector<1x16x128xf32>, vector<1x16x128xf32>, vector<1x16x128xf32>, vector<1x16x128xf32>, vector<1x16x128xf32>, vector<1x16x128xf32>, vector<1x16x128xf32>, vector<1x16x128xf32>, vector<1x16x128xf32>, vector<1x16x128xf32> -> vector<16x16x128xf32>
    %add3A_1008 = arith.addf %get3A_0, %get3A_4 : f32
    %mul3A_1009 = arith.mulf %stack3A_1007, %mul3A_31 : vector<16x16x128xf32>
    %reduce_sum3A = arith.constant dense<0.000000e+00> : vector<16x128xf32>
    %reduce_sum3A_1010 = vector.multi_reduction <add>, %mul3A_1009, %reduce_sum3A [0] : vector<16x16x128xf32> to vector<16x128xf32>
    %sub3A_1011 = vector.broadcast %add3A_1008 : f32 to vector<16x128xf32>
    %sub3A_1012 = arith.subf %sub3A_1011, %reduce_sum3A_1010 : vector<16x128xf32>
    %rsqrt3A = math.rsqrt %sub3A_1012 : vector<16x128xf32>
    %get3A_1013 = arith.constant 0 : index
    %get3A_1014 = arith.constant 0 : index
    %get3A_1015 = vector.load %arg4[%get3A_1013, %get3A_1014] : memref<16x128xf32, #tpu.memory_space<vmem>>, vector<16x128xf32>
    %get3A_1016 = arith.constant 0 : index
    %get3A_1017 = arith.constant 0 : index
    %get3A_1018 = arith.constant 0 : index
    %get3A_1019 = vector.load %arg8[%get3A_1016, %get3A_1017, %get3A_1018] : memref<16x16x128xf32, #tpu.memory_space<vmem>>, vector<16x16x128xf32>
    %mul3A_1020 = arith.mulf %get3A_1019, %stack3A_1007 : vector<16x16x128xf32>
    %reduce_sum3A_1021 = arith.constant dense<0.000000e+00> : vector<16x128xf32>
    %reduce_sum3A_1022 = vector.multi_reduction <add>, %mul3A_1020, %reduce_sum3A_1021 [0] : vector<16x16x128xf32> to vector<16x128xf32>
    %sub3A_1023 = arith.subf %get3A_1015, %reduce_sum3A_1022 : vector<16x128xf32>
    %mul3A_1024 = arith.mulf %sub3A_1023, %rsqrt3A : vector<16x128xf32>
    %swap3A = arith.constant 0 : index
    %swap3A_1025 = arith.constant 0 : index
    %swap3A_1026 = vector.load %arg10[%swap3A, %swap3A_1025] : memref<16x128xf32, #tpu.memory_space<vmem>>, vector<16x128xf32>
    tpu.vector_store %arg10[%swap3A, %swap3A_1025], %mul3A_1024 {strides = array<i32>} : memref<16x128xf32, #tpu.memory_space<vmem>>, vector<16x128xf32>,
    %get3A_1027 = arith.constant 0 : index
    %get3A_1028 = arith.constant 0 : index
    %get3A_1029 = vector.load %arg5[%get3A_1027, %get3A_1028] : memref<16x128xf32, #tpu.memory_space<vmem>>, vector<16x128xf32>
    %get3A_1030 = arith.constant 0 : index
    %get3A_1031 = arith.constant 0 : index
    %get3A_1032 = arith.constant 0 : index
    %get3A_1033 = vector.load %arg9[%get3A_1030, %get3A_1031, %get3A_1032] : memref<16x16x128xf32, #tpu.memory_space<vmem>>, vector<16x16x128xf32>
    %mul3A_1034 = arith.mulf %get3A_1033, %stack3A_1007 : vector<16x16x128xf32>
    %reduce_sum3A_1035 = arith.constant dense<0.000000e+00> : vector<16x128xf32>
    %reduce_sum3A_1036 = vector.multi_reduction <add>, %mul3A_1034, %reduce_sum3A_1035 [0] : vector<16x16x128xf32> to vector<16x128xf32>
    %sub3A_1037 = arith.subf %get3A_1029, %reduce_sum3A_1036 : vector<16x128xf32>
    %mul3A_1038 = arith.mulf %sub3A_1037, %rsqrt3A : vector<16x128xf32>
    %swap3A_1039 = arith.constant 0 : index
    %swap3A_1040 = arith.constant 0 : index
    %swap3A_1041 = vector.load %arg11[%swap3A_1039, %swap3A_1040] : memref<16x128xf32, #tpu.memory_space<vmem>>, vector<16x128xf32>
    tpu.vector_store %arg11[%swap3A_1039, %swap3A_1040], %mul3A_1038 {strides = array<i32>} : memref<16x128xf32, #tpu.memory_space<vmem>>, vector<16x128xf32>,
    return
  }
  func.func @transform_0(%arg0: i32) -> i32 {
    %c0_i32 = arith.constant 0 : i32
    %c0_i32_0 = arith.constant 0 : i32
    return %c0_i32 : i32
  }
  func.func @transform_1(%arg0: i32) -> (i32, i32) {
    %c0_i32 = arith.constant 0 : i32
    %c0_i32_0 = arith.constant 0 : i32
    return %arg0, %c0_i32 : i32, i32
  }
  func.func @transform_2(%arg0: i32) -> (i32, i32) {
    %c0_i32 = arith.constant 0 : i32
    %c0_i32_0 = arith.constant 0 : i32
    return %arg0, %c0_i32 : i32, i32
  }
  func.func @transform_3(%arg0: i32) -> (i32, i32) {
    %c0_i32 = arith.constant 0 : i32
    %c0_i32_0 = arith.constant 0 : i32
    return %arg0, %c0_i32 : i32, i32
  }
  func.func @transform_4(%arg0: i32) -> (i32, i32) {
    %c0_i32 = arith.constant 0 : i32
    %c0_i32_0 = arith.constant 0 : i32
    return %arg0, %c0_i32 : i32, i32
  }
  func.func @transform_5(%arg0: i32) -> (i32, i32, i32) {
    %c0_i32 = arith.constant 0 : i32
    %c0_i32_0 = arith.constant 0 : i32
    %c0_i32_1 = arith.constant 0 : i32
    return %c0_i32, %arg0, %c0_i32_0 : i32, i32, i32
  }
  func.func @transform_6(%arg0: i32) -> (i32, i32, i32) {
    %c0_i32 = arith.constant 0 : i32
    %c0_i32_0 = arith.constant 0 : i32
    %c0_i32_1 = arith.constant 0 : i32
    return %c0_i32, %arg0, %c0_i32_0 : i32, i32, i32
  }
  func.func @transform_7(%arg0: i32) -> (i32, i32, i32) {
    %c0_i32 = arith.constant 0 : i32
    %c0_i32_0 = arith.constant 0 : i32
    %c0_i32_1 = arith.constant 0 : i32
    return %c0_i32, %arg0, %c0_i32_0 : i32, i32, i32
  }
  func.func @transform_8(%arg0: i32) -> (i32, i32, i32) {
    %c0_i32 = arith.constant 0 : i32
    %c0_i32_0 = arith.constant 0 : i32
    %c0_i32_1 = arith.constant 0 : i32
    return %c0_i32, %arg0, %c0_i32_0 : i32, i32, i32
  }
  func.func @transform_9(%arg0: i32) -> (i32, i32) {
    %c0_i32 = arith.constant 0 : i32
    %c0_i32_0 = arith.constant 0 : i32
    return %arg0, %c0_i32 : i32, i32
  }
  func.func @transform_10(%arg0: i32) -> (i32, i32) {
    %c0_i32 = arith.constant 0 : i32
    %c0_i32_0 = arith.constant 0 : i32
    return %arg0, %c0_i32 : i32, i32
  }
}

</mosaic_0001>

<sc_bundles>
// kernel: kernel.10.cloned.1.call-start
scs
__scs_entry_jumppad:
0x0: {  	(pc) =	sbr.rel $0x88, $3  }
0x1: {  	(tag) =	ssettag $0x0;
	lr =	simm.s32 $0x1  }
0x2: {  	[smem:$0x3F9A] =	sst lr;
	_ =	strace $0xD0000000  }
0x3: {  	_ = 	snop  }
0x4: {  	_ = 	snop  }
0x5: {  	_ = 	snop  }
0x6: {  	_ = 	snop  }
0x7: {  	_ = 	snop  }
__scs_overlays_trampoline_lowered:
0x8: {  	[smem:$0x3FA9] =	sst s0  }
0x9: {  	[smem:$0x3FAA] =	sst s1  }
0xa: {  	[smem:$0x3FAB] =	sst s2  }
0xb: {  	[smem:$0x3FAC] =	sst s3  }
0xc: {  	[smem:$0x3FAD] =	sst s4  }
0xd: {  	[smem:$0x3FAE] =	sst s5  }
0xe: {  	[smem:$0x3FAF] =	sst s6  }
0xf: {  	[smem:$0x3FB0] =	sst s7  }
0x10: {  	[smem:$0x3FB1] =	sst s8  }
0x11: {  	[smem:$0x3FB2] =	sst s9;
	s0 =	simm.s32 @!p0 $0x0  }
0x12: {  	s1 =	sld [smem:$0x3F98];
	s0 =	simm.s32 @p0 $0x1  }
0x13: {  	[smem:$0x3FB3] =	sst s0;
	s0 =	simm.s32 @!p1 $0x0  }
0x14: {  	s2 =	sld [smem:$0x3F97];
	s0 =	simm.s32 @p1 $0x1  }
0x15: {  	[smem:$0x3FB4] =	sst s0;
	s0 =	simm.s32 @!p2 $0x0  }
0x16: {  	s3 =	sld [smem:$0x3FDB];
	s0 =	simm.s32 @p2 $0x1  }
0x17: {  	s4 =	simm.s32 $0x1BF5;
	[smem:$0x3FB6] =	sst s0  }
0x18: {  	s0 =	sld [smem:$0x3F99];
	_ =	swait.ge [sflag:s4], $0x0  }
0x19: {  	s7 =	sld [smem:$0x3F9A]  }
0x1a: {  	s8 =	sadd.s32 $0xFFFFE003, lr  }
0x1b: {  	s9 =	sadd.s32 $0xFFFFFEF7, lr;
	s5 =	simm.s32 $0xFFFFFFFF;
	p2 =	slt.u32 s8, $0xFFFFF086  }
0x1c: {  	p1 =	slt.u32 s9, $0xF7A;
	s5 =	simm.s32 @!p2 $0x0  }
0x1d: {  	s5 =	simm.s32 @p1 $0x1;
	p0 =	seq.s32 s7, s2  }
0x1e: {  	s7 =	smul.u32 @!p0 $0xF7A, s2;
	p2 =	seq.s32 @!p0 s5, $0x0  }
0x1f: {  	s9 =	smul.u32 $0xF7A, s1;
	s8 =	simm.s32 @!p0 $0x1BF5;
	p2 =	por !p2, p0  }
0x20: {  	[sflag:s8] =	ssyncset.s32 @!p0 $0xFFFFF086;
	s6 =	sadd.s32 @!p0 s3, s7;
	s7 =	simm.s32 @!p0 $0x108  }
0x21: {  	s3 =	sadd.s32 s3, s9;
	s6 =	sadd.s32 @!p0 $0x88, s6;
	s7 =	simm.s32 @p2 $0x1082  }
0x22: {  	[simem:s7], [sflag:s8] =	dma.local @!p0 [hbm:s6], $0xF7A  }
0x23: {  	s9 =	sor.u32 $0xD0000000, s2;
	s6 =	simm.s32 $0x108;
	_ =	swait.ge @!p0 [sflag:s8], $0x0  }
0x24: {  	s3 =	sadd.s32 $0x88, s3;
	s6 =	simm.s32 @!p1 $0x1082;
	[sflag:s4] =	ssyncset.s32 $0xFFFFF086  }
0x25: {  	[simem:s6], [sflag:s4] =	dma.local [hbm:s3], $0xF7A  }
0x26: {  	[smem:$0x3F9A] =	sst s1;
	(tag) =	ssettag s2;
	_ =	strace s9  }
0x27: {  	s1 =	sld [smem:$0x3FAA]  }
0x28: {  	s2 =	sld [smem:$0x3FAB]  }
0x29: {  	s4 =	sld [smem:$0x3FAD]  }
0x2a: {  	p0 =	seq.s32 s5, $0x0;
	s5 =	sld [smem:$0x3FAE]  }
0x2b: {  	s6 =	sld [smem:$0x3FAF]  }
0x2c: {  	s7 =	sld [smem:$0x3FB0]  }
0x2d: {  	s3 =	simm.s32 $0x108;
	s8 =	sld [smem:$0x3FB1]  }
0x2e: {  	s3 =	simm.s32 @!p0 $0x1082;
	s9 =	sld [smem:$0x3FB2]  }
0x2f: {  	lr =	sadd.s32 s0, s3;
	s0 =	sld [smem:$0x3FA9]  }
0x30: {  	s3 =	sld [smem:$0x3FAC]  }
0x31: {  	[smem:$0x3FB5] =	sst s10  }
0x32: {  	s10 =	sld [smem:$0x3FB3];
	_ =	sdelay $0x3  }
0x33: {  	p0 =	seq.s32 s10, $0x1;
	s10 =	sld [smem:$0x3FB5];
	_ =	sdelay $0x3  }
0x34: {  	[smem:$0x3FB5] =	sst s10  }
0x35: {  	s10 =	sld [smem:$0x3FB4];
	_ =	sdelay $0x3  }
0x36: {  	p1 =	seq.s32 s10, $0x1;
	s10 =	sld [smem:$0x3FB5];
	_ =	sdelay $0x3  }
0x37: {  	[smem:$0x3FB5] =	sst s10  }
0x38: {  	s10 =	sld [smem:$0x3FB6]  }
0x39: {  	_ = 	snop;
	(pc) =	sbr.ind lr, $3  }
0x3a: {  	_ = 	snop  }
0x3b: {  	_ = 	snop  }
0x3c: {  	p2 =	seq.s32 s10, $0x1;
	s10 =	sld [smem:$0x3FB5]  }
0x3d: {  	_ =	shalt  }
0x3e: {  	_ =	shalt  }
0x3f: {  	_ =	shalt  }
0x40: {  	_ =	shalt  }
0x41: {  	_ =	shalt  }
0x42: {  	_ =	shalt  }
0x43: {  	_ =	shalt  }
0x44: {  	_ =	shalt  }
0x45: {  	_ =	shalt  }
0x46: {  	_ =	shalt  }
0x47: {  	_ =	shalt  }
0x48: {  	_ =	shalt  }
0x49: {  	_ =	shalt  }
0x4a: {  	_ =	shalt  }
0x4b: {  	_ =	shalt  }
0x4c: {  	_ =	shalt  }
0x4d: {  	_ =	shalt  }
0x4e: {  	_ =	shalt  }
0x4f: {  	_ =	shalt  }
0x50: {  	_ =	shalt  }
0x51: {  	_ =	shalt  }
0x52: {  	_ =	shalt  }
0x53: {  	_ =	shalt  }
0x54: {  	_ =	shalt  }
0x55: {  	_ =	shalt  }
0x56: {  	_ =	shalt  }
0x57: {  	_ =	shalt  }
0x58: {  	_ =	shalt  }
0x59: {  	_ =	shalt  }
0x5a: {  	_ =	shalt  }
0x5b: {  	_ =	shalt  }
0x5c: {  	_ =	shalt  }
0x5d: {  	_ =	shalt  }
0x5e: {  	_ =	shalt  }
0x5f: {  	_ =	shalt  }
0x60: {  	_ =	shalt  }
0x61: {  	_ =	shalt  }
0x62: {  	_ =	shalt  }
0x63: {  	_ =	shalt  }
0x64: {  	_ =	shalt  }
0x65: {  	_ =	shalt  }
0x66: {  	_ =	shalt  }
0x67: {  	_ =	shalt  }
0x68: {  	_ =	shalt  }
0x69: {  	_ =	shalt  }
0x6a: {  	_ =	shalt  }
0x6b: {  	_ =	shalt  }
0x6c: {  	_ =	shalt  }
0x6d: {  	_ =	shalt  }
0x6e: {  	_ =	shalt  }
0x6f: {  	_ =	shalt  }
0x70: {  	_ =	shalt  }
0x71: {  	_ =	shalt  }
0x72: {  	_ =	shalt  }
0x73: {  	_ =	shalt  }
0x74: {  	_ =	shalt  }
0x75: {  	_ =	shalt  }
0x76: {  	_ =	shalt  }
0x77: {  	_ =	shalt  }
0x78: {  	_ =	shalt  }
0x79: {  	_ =	shalt  }
0x7a: {  	_ =	shalt  }
0x7b: {  	_ =	shalt  }
0x7c: {  	_ =	shalt  }
0x7d: {  	_ =	shalt  }
0x7e: {  	_ =	shalt  }
0x7f: {  	_ =	shalt  }
0x80: {  	_ =	shalt  }
0x81: {  	_ =	shalt  }
0x82: {  	_ =	shalt  }
0x83: {  	_ =	shalt  }
0x84: {  	_ =	shalt  }
0x85: {  	_ =	shalt  }
0x86: {  	_ =	shalt  }
0x87: {  	_ =	shalt  }
.Lfunc_end0:
.L_simem_size_0:
called_computation.1_lowered:
.L_overlay_start_0:
0x88: {  	s2 =	sld [smem:$0x3FD9]  }
0x89: {  	s3 =	sld [smem:$0x3FFE];
	_ =	sdelay $0x1  }
0x8a: {  	s1 =	srdreg.scid  }
0x8b: {  	s0 =	sand.u32 $0x1, s1  }
0x8c: {  	s14 =	sshll.u32 s0, $0xA;
	s2 =	sadd.s32 s3, s2  }
0x8d: {  	s2 =	sadd.s32 s2, s14  }
0x8e: {  	[smem:$0x3FC1] =	sst s2  }
0x8f: {  	_ = 	snop  }
0x90: {  	s2 =	sld [smem:$0x3FD0];
	_ =	sdelay $0x2  }
0x91: {  	s4 =	simm.s32 $0xB;
	s5 =	simm.s32 $0x10;
	s15 =	sld [smem:$0x3FC6]  }
0x92: {  	[smem:s5], [sflag:s4] =	dma.local [hbm:s2], $0x1  }
0x93: {  	_ =	swait.eq [sflag:s4], $0x1  }
0x94: {  	s16 =	sld [smem:$0x10];
	[sflag:s4] =	ssyncset.done $0x0  }
0x95: {  	s17 =	sld [smem:$0x11];
	[sflag:s4] =	ssyncadd.s32 $0xFFFFFFFF  }
0x96: {  	s18 =	sld [smem:$0x12];
	(tm) =	ssettm $0x1  }
0x97: {  	s6 =	sld [smem:$0x3FFB];
	_ =	sdelay $0x3  }
0x98: {  	_ =	strace s6  }
0x99: {  	s6 =	sld [smem:$0x3FFC];
	_ =	sdelay $0x3  }
0x9a: {  	_ =	strace s6  }
0x9b: {  	s6 =	sld [smem:$0x3FFD];
	_ =	sdelay $0x3  }
0x9c: {  	_ =	strace s6  }
0x9d: {  	_ =	strace $0x8FFFFFFF  }
0x9e: {  	s19 =	sld [smem:$0x3FDB];
	_ =	sdelay $0x1  }
0x9f: {  	s7 =	simm.s32 $_scs_section_size  }
0xa0: {  	s8 =	simm.s32 $_size__tile_overlayer_lowered;
	s9 =	simm.s32 $_tile_overlayer_lowered  }
0xa1: {  	s22 =	simm.s32 $0x1BFF;
	s21 =	sshll.u32 s9, $0x1;
	s6 =	sadd.s32 s7, s19  }
0xa2: {  	s10 =	simm.s32 $0x0;
	s20 =	sshll.u32 s8, $0x1;
	s8 =	sadd.s32 s21, s6  }
0xa3: {  	[timem:s10], [sflag:s22] =	dma.local [hbm:s8], s20  }
0xa4: {  	_ =	swait.ge [sflag:s22], s20  }
0xa5: {  	s7 =	ssub.s32 $0x0, s20;
	[sflag:s22] =	ssyncset.done $0x0  }
0xa6: {  	[sflag:s22] =	ssyncadd.s32 s7;
	_ =	sdelay $0x1  }
0xa7: {  	s23 =	simm.s32 $0x1B8B  }
0xa8: {  	_ =	swait.ge [sflag:s23], $0x1  }
0xa9: {  	[sflag:s23] =	ssyncset.done $0x0  }
0xaa: {  	s25 =	simm.s32 $0x1B8E;
	s24 =	sld [smem:$0x3FFE];
	[sflag:s23] =	ssyncadd.s32 $0xFFFFFFFF  }
0xab: {  	s26 =	simm.s32 $execute0_lowered;
	[smem:$0x3FD2] =	sst s25  }
0xac: {  	s8 =	sshll.u32 s26, $0x1;
	_ =	strace $0x80000046;
	[dreg:$0x1] =	wrdreg $0xFFFFFFFF  }
0xad: {  	s28 =	simm.s32 $_size_execute0_lowered;
	s6 =	sadd.s32 s6, s8;
	[dreg:$0x0] =	wrdreg $0x0  }
0xae: {  	s8 =	sshll.u32 s28, $0x1;
	[dreg:$0x2] =	wrdreg s6  }
0xaf: {  	[dreg:$0x3] =	wrdreg s8  }
0xb0: {  	[dreg:$0x4] =	wrdreg $0xC0  }
0xb1: {  	_ =	task [dreg:s10], $0x5FFFF  }
0xb2: {  	[dreg:$0x1] =	wrdreg $0xFFFFFFFF  }
0xb3: {  	[dreg:$0x0] =	wrdreg $0x60  }
0xb4: {  	[dreg:$0x2] =	wrdreg s24  }
0xb5: {  	[dreg:$0x3] =	wrdreg s16  }
0xb6: {  	[dreg:$0x4] =	wrdreg s17  }
0xb7: {  	[dreg:$0x5] =	wrdreg s15  }
0xb8: {  	[dreg:$0x6] =	wrdreg s18  }
0xb9: {  	[dreg:$0x7] =	wrdreg $0xA  }
0xba: {  	_ =	task.clear_ibuf [dreg:s10], $0x8FFFF;
	_ =	strace $0x90000046  }
0xbb: {  	s29 =	simm.s32 $0xA;
	_ =	strace $0x80000048  }
0xbc: {  	_ =	swait.ge [sflag:s29], $0x1  }
0xbd: {  	[sflag:s29] =	ssyncadd.s32 $0xFFFFFFFF  }
0xbe: {  	_ =	strace $0x90000048  }
0xbf: {  	_ =	sfence  }
0xc0: {  	s30 =	sld [smem:$0x0];
	_ =	sdelay $0x2  }
0xc1: {  	s31 =	sshll.u32 s1, $0xD;
	s1 =	sshrl.u32 s1, $0x2  }
0xc2: {  	s3 =	sand.u32 $0x4000, s31;
	s1 =	sadd.s32 s1, s30  }
0xc3: {  	s0 =	sor.u32 s3, s0;
	s1 =	sshll.u32 s1, $0x11  }
0xc4: {  	s0 =	sor.u32 s1, s0  }
0xc5: {  	s0 =	sadd.s32 $0x8F2B, s0  }
0xc6: {  	[sflag:s0] =	ssyncadd.remote.s32 $0x1  }
0xc7: {  	_ =	sfence.sel $0xFFFF  }
0xc8: {  	[dreg:$0x0] =	wrdreg $0xFFFFFFFF;
	(pc) =	sbr.abs _section_cstart, $3  }
0xc9: {  	[dreg:$0x1] =	wrdreg $0xFFFFFFFF  }
0xca: {  	_ =	task.clear_ibuf [dreg:s10], $0x2FFFF;
	_ =	strace $0x9FFFFFFF  }
0xcb: {  	(tm) =	ssettm $0x7FFFFFFF  }
tec
execute0_lowered:
.L_overlay_start_1:
0x0: {  	(tag) =	ssettag $0x1  }
0x1: {  	s7 =	rddreg [dreg:$0x0]  }
0x2: {  	s1 =	rddreg [dreg:$0x1]  }
0x3: {  	s2 =	rddreg [dreg:$0x2]  }
0x4: {  	s3 =	srdreg.scid;
	s4 =	rddreg [dreg:$0x3]  }
0x5: {  	s0 =	stileid.u32;
	s5 =	rddreg [dreg:$0x4];
	s6 =	simm.s32 $0x0  }
0x6: {  	s13 =	simm.s32 $0x1;
	s8 =	sand.u32 $0x1, s3;
	s30 =	sshll.u32 s0, $0x1  }
0x7: {  	s14 =	simm.s32 $0x3400;
	s15 =	simm.s32 $0xF780;
	s3 =	sor.u32 s8, s30  }
0x8: {  	[smem:$0x7FF] =	sst s6;
	s8 =	ssub.s32 $0x2, s8;
	s9 =	smul.u32 $0x680, s3  }
0x9: {  	s16 =	simm.s32 $0x0;
	s3 =	rddreg [dreg:$0x5];
	s31 =	sshrl.u32 s8, $0x1  }
0xa: {  	_ =	strace $0x80000047;
	s12 =	ssub.s32 s8, s31;
	s11 =	sadd.s32 s9, s7  }
0xb: {  	s12 =	smax.u32 s12, $0x1;
	s7 =	sadd.s32 $0x3800, s11;
	s8 =	sadd.s32 $0x10800, s11  }
0xc: {  	s9 =	sadd.s32 $0x1D800, s11;
	s10 =	sadd.s32 $0x2A800, s11;
	s11 =	sadd.s32 $0x37800, s11  }
.LBB2_1:
0xd: {  	[tilespmem:s6], [sflag:$0x1] =	stream.linear.gather [hbm4b:s7+s6], $0x3400, $0x38;
	[tilespmem:$0x12B80] =	vst v63  }
0xe: {  	_ =	swait.ge [sflag:s13], $0x3400  }
0xf: {  	[sflag:s13] =	ssyncset.done $0x0  }
0x10: {  	[sflag:s13] =	ssyncadd.s32 $0xFFFFCC00  }
0x11: {  	[tilespmem:s14], [sflag:$0x1] =	stream.linear.gather [hbm4b:s1+s6], $0xC380, $0x38;
	[tilespmem:$0x12B80] =	vst v63  }
0x12: {  	_ =	swait.ge [sflag:s13], $0xC380  }
0x13: {  	s17 =	simm.s32 $0xFFFFFFF8;
	[sflag:s13] =	ssyncset.done $0x0  }
0x14: {  	s18 =	simm.s32 $0x40;
	s19 =	simm.s32 $0xF7C0;
	[sflag:s13] =	ssyncadd.s32 $0xFFFF3C80  }
.LBB2_2:
0x15: {  	v0 =	vld [tilespmem:s18+$0xFFFFFFC0];
	_ =	sdelay $0x7  }
0x16: {  	v0 =	vld.idx.msk [tilespmem:v0+s14+$0x0], $0xffff;
	_ =	sdelay $0x4  }
0x17: {  	[tilespmem:s19+$0xFFFFFFC0] =	vst v0  }
0x18: {  	v0 =	vld [tilespmem:s18+$0xFFFFFFD0];
	_ =	sdelay $0x7  }
0x19: {  	v0 =	vld.idx.msk [tilespmem:v0+s14+$0x0], $0xffff;
	_ =	sdelay $0x4  }
0x1a: {  	[tilespmem:s19+$0xFFFFFFD0] =	vst v0  }
0x1b: {  	v0 =	vld [tilespmem:s18+$0xFFFFFFE0];
	_ =	sdelay $0x7  }
0x1c: {  	v0 =	vld.idx.msk [tilespmem:v0+s14+$0x0], $0xffff;
	_ =	sdelay $0x4  }
0x1d: {  	[tilespmem:s19+$0xFFFFFFE0] =	vst v0  }
0x1e: {  	v0 =	vld [tilespmem:s18+$0xFFFFFFF0];
	_ =	sdelay $0x7  }
0x1f: {  	v0 =	vld.idx.msk [tilespmem:v0+s14+$0x0], $0xffff;
	_ =	sdelay $0x4  }
0x20: {  	[tilespmem:s19+$0xFFFFFFF0] =	vst v0  }
0x21: {  	v0 =	vld [tilespmem:s18+$0x0];
	_ =	sdelay $0x7  }
0x22: {  	v0 =	vld.idx.msk [tilespmem:v0+s14+$0x0], $0xffff;
	_ =	sdelay $0x4  }
0x23: {  	[tilespmem:s19+$0x0] =	vst v0  }
0x24: {  	v0 =	vld [tilespmem:s18+$0x10];
	_ =	sdelay $0x7  }
0x25: {  	v0 =	vld.idx.msk [tilespmem:v0+s14+$0x0], $0xffff;
	_ =	sdelay $0x4  }
0x26: {  	[tilespmem:s19+$0x10] =	vst v0  }
0x27: {  	v0 =	vld [tilespmem:s18+$0x20];
	_ =	sdelay $0x7  }
0x28: {  	v0 =	vld.idx.msk [tilespmem:v0+s14+$0x0], $0xffff;
	_ =	sdelay $0x4  }
0x29: {  	[tilespmem:s19+$0x20] =	vst v0  }
0x2a: {  	v0 =	vld [tilespmem:s18+$0x30];
	_ =	sdelay $0x6  }
0x2b: {  	s17 =	sadd.s32 $0x8, s17  }
0x2c: {  	p0 =	slt.u32 s17, $0x338;
	v0 =	vld.idx.msk [tilespmem:v0+s14+$0x0], $0xffff  }
.Ltmp0:
0x2d: {  	_ = 	snop;
	(pc) =	sbr.rel @p0 .LBB2_2-.Ltmp0, $2  }
0x2e: {  	_ =	sdelay $0x2  }
0x2f: {  	s18 =	sadd.s32 $0x80, s18;
	[tilespmem:s19+$0x30] =	vst v0;
	s19 =	sadd.s32 $0x80, s19  }
0x30: {  	[hbm4b:s8+s6] =	stream.linear.scatter [tilespmem:s15], [sflag:$0x1], $0x3400, $0x38;
	[tilespmem:$0x12B80] =	vst v63  }
0x31: {  	_ =	swait.ge [sflag:s13], $0x3400  }
0x32: {  	[sflag:s13] =	ssyncset.done $0x0  }
0x33: {  	[sflag:s13] =	ssyncadd.s32 $0xFFFFCC00  }
0x34: {  	[tilespmem:s14], [sflag:$0x1] =	stream.linear.gather [hbm4b:s2+s6], $0xC380, $0x38;
	[tilespmem:$0x12B80] =	vst v63  }
0x35: {  	_ =	swait.ge [sflag:s13], $0xC380  }
0x36: {  	s17 =	simm.s32 $0xFFFFFFF8;
	[sflag:s13] =	ssyncset.done $0x0  }
0x37: {  	s18 =	simm.s32 $0x40;
	s19 =	simm.s32 $0xF7C0;
	[sflag:s13] =	ssyncadd.s32 $0xFFFF3C80  }
.LBB2_4:
0x38: {  	v0 =	vld [tilespmem:s18+$0xFFFFFFC0];
	_ =	sdelay $0x7  }
0x39: {  	v0 =	vld.idx.msk [tilespmem:v0+s14+$0x0], $0xffff;
	_ =	sdelay $0x4  }
0x3a: {  	[tilespmem:s19+$0xFFFFFFC0] =	vst v0  }
0x3b: {  	v0 =	vld [tilespmem:s18+$0xFFFFFFD0];
	_ =	sdelay $0x7  }
0x3c: {  	v0 =	vld.idx.msk [tilespmem:v0+s14+$0x0], $0xffff;
	_ =	sdelay $0x4  }
0x3d: {  	[tilespmem:s19+$0xFFFFFFD0] =	vst v0  }
0x3e: {  	v0 =	vld [tilespmem:s18+$0xFFFFFFE0];
	_ =	sdelay $0x7  }
0x3f: {  	v0 =	vld.idx.msk [tilespmem:v0+s14+$0x0], $0xffff;
	_ =	sdelay $0x4  }
0x40: {  	[tilespmem:s19+$0xFFFFFFE0] =	vst v0  }
0x41: {  	v0 =	vld [tilespmem:s18+$0xFFFFFFF0];
	_ =	sdelay $0x7  }
0x42: {  	v0 =	vld.idx.msk [tilespmem:v0+s14+$0x0], $0xffff;
	_ =	sdelay $0x4  }
0x43: {  	[tilespmem:s19+$0xFFFFFFF0] =	vst v0  }
0x44: {  	v0 =	vld [tilespmem:s18+$0x0];
	_ =	sdelay $0x7  }
0x45: {  	v0 =	vld.idx.msk [tilespmem:v0+s14+$0x0], $0xffff;
	_ =	sdelay $0x4  }
0x46: {  	[tilespmem:s19+$0x0] =	vst v0  }
0x47: {  	v0 =	vld [tilespmem:s18+$0x10];
	_ =	sdelay $0x7  }
0x48: {  	v0 =	vld.idx.msk [tilespmem:v0+s14+$0x0], $0xffff;
	_ =	sdelay $0x4  }
0x49: {  	[tilespmem:s19+$0x10] =	vst v0  }
0x4a: {  	v0 =	vld [tilespmem:s18+$0x20];
	_ =	sdelay $0x7  }
0x4b: {  	v0 =	vld.idx.msk [tilespmem:v0+s14+$0x0], $0xffff;
	_ =	sdelay $0x4  }
0x4c: {  	[tilespmem:s19+$0x20] =	vst v0  }
0x4d: {  	v0 =	vld [tilespmem:s18+$0x30];
	_ =	sdelay $0x6  }
0x4e: {  	s17 =	sadd.s32 $0x8, s17  }
0x4f: {  	p0 =	slt.u32 s17, $0x338;
	v0 =	vld.idx.msk [tilespmem:v0+s14+$0x0], $0xffff  }
.Ltmp1:
0x50: {  	_ = 	snop;
	(pc) =	sbr.rel @p0 .LBB2_4-.Ltmp1, $2  }
0x51: {  	_ =	sdelay $0x2  }
0x52: {  	s18 =	sadd.s32 $0x80, s18;
	[tilespmem:s19+$0x30] =	vst v0;
	s19 =	sadd.s32 $0x80, s19  }
0x53: {  	[hbm4b:s9+s6] =	stream.linear.scatter [tilespmem:s15], [sflag:$0x1], $0x3400, $0x38;
	[tilespmem:$0x12B80] =	vst v63  }
0x54: {  	_ =	swait.ge [sflag:s13], $0x3400  }
0x55: {  	[sflag:s13] =	ssyncset.done $0x0  }
0x56: {  	[sflag:s13] =	ssyncadd.s32 $0xFFFFCC00  }
0x57: {  	[tilespmem:s14], [sflag:$0x1] =	stream.linear.gather [hbm4b:s4+s6], $0xC380, $0x38;
	[tilespmem:$0x12B80] =	vst v63  }
0x58: {  	_ =	swait.ge [sflag:s13], $0xC380  }
0x59: {  	s17 =	simm.s32 $0xFFFFFFF8;
	[sflag:s13] =	ssyncset.done $0x0  }
0x5a: {  	s18 =	simm.s32 $0x40;
	s19 =	simm.s32 $0xF7C0;
	[sflag:s13] =	ssyncadd.s32 $0xFFFF3C80  }
.LBB2_6:
0x5b: {  	v0 =	vld [tilespmem:s18+$0xFFFFFFC0];
	_ =	sdelay $0x7  }
0x5c: {  	v0 =	vld.idx.msk [tilespmem:v0+s14+$0x0], $0xffff;
	_ =	sdelay $0x4  }
0x5d: {  	[tilespmem:s19+$0xFFFFFFC0] =	vst v0  }
0x5e: {  	v0 =	vld [tilespmem:s18+$0xFFFFFFD0];
	_ =	sdelay $0x7  }
0x5f: {  	v0 =	vld.idx.msk [tilespmem:v0+s14+$0x0], $0xffff;
	_ =	sdelay $0x4  }
0x60: {  	[tilespmem:s19+$0xFFFFFFD0] =	vst v0  }
0x61: {  	v0 =	vld [tilespmem:s18+$0xFFFFFFE0];
	_ =	sdelay $0x7  }
0x62: {  	v0 =	vld.idx.msk [tilespmem:v0+s14+$0x0], $0xffff;
	_ =	sdelay $0x4  }
0x63: {  	[tilespmem:s19+$0xFFFFFFE0] =	vst v0  }
0x64: {  	v0 =	vld [tilespmem:s18+$0xFFFFFFF0];
	_ =	sdelay $0x7  }
0x65: {  	v0 =	vld.idx.msk [tilespmem:v0+s14+$0x0], $0xffff;
	_ =	sdelay $0x4  }
0x66: {  	[tilespmem:s19+$0xFFFFFFF0] =	vst v0  }
0x67: {  	v0 =	vld [tilespmem:s18+$0x0];
	_ =	sdelay $0x7  }
0x68: {  	v0 =	vld.idx.msk [tilespmem:v0+s14+$0x0], $0xffff;
	_ =	sdelay $0x4  }
0x69: {  	[tilespmem:s19+$0x0] =	vst v0  }
0x6a: {  	v0 =	vld [tilespmem:s18+$0x10];
	_ =	sdelay $0x7  }
0x6b: {  	v0 =	vld.idx.msk [tilespmem:v0+s14+$0x0], $0xffff;
	_ =	sdelay $0x4  }
0x6c: {  	[tilespmem:s19+$0x10] =	vst v0  }
0x6d: {  	v0 =	vld [tilespmem:s18+$0x20];
	_ =	sdelay $0x7  }
0x6e: {  	v0 =	vld.idx.msk [tilespmem:v0+s14+$0x0], $0xffff;
	_ =	sdelay $0x4  }
0x6f: {  	[tilespmem:s19+$0x20] =	vst v0  }
0x70: {  	v0 =	vld [tilespmem:s18+$0x30];
	_ =	sdelay $0x6  }
0x71: {  	s17 =	sadd.s32 $0x8, s17  }
0x72: {  	p0 =	slt.u32 s17, $0x338;
	v0 =	vld.idx.msk [tilespmem:v0+s14+$0x0], $0xffff  }
.Ltmp2:
0x73: {  	_ = 	snop;
	(pc) =	sbr.rel @p0 .LBB2_6-.Ltmp2, $2  }
0x74: {  	_ =	sdelay $0x2  }
0x75: {  	s18 =	sadd.s32 $0x80, s18;
	[tilespmem:s19+$0x30] =	vst v0;
	s19 =	sadd.s32 $0x80, s19  }
0x76: {  	[hbm4b:s10+s6] =	stream.linear.scatter [tilespmem:s15], [sflag:$0x1], $0x3400, $0x38;
	[tilespmem:$0x12B80] =	vst v63  }
0x77: {  	_ =	swait.ge [sflag:s13], $0x3400  }
0x78: {  	[sflag:s13] =	ssyncset.done $0x0  }
0x79: {  	[sflag:s13] =	ssyncadd.s32 $0xFFFFCC00  }
0x7a: {  	[tilespmem:s14], [sflag:$0x1] =	stream.linear.gather [hbm4b:s5+s6], $0xC380, $0x38;
	[tilespmem:$0x12B80] =	vst v63  }
0x7b: {  	_ =	swait.ge [sflag:s13], $0xC380  }
0x7c: {  	s17 =	simm.s32 $0xFFFFFFF8;
	[sflag:s13] =	ssyncset.done $0x0  }
0x7d: {  	s18 =	simm.s32 $0x40;
	s19 =	simm.s32 $0xF7C0;
	[sflag:s13] =	ssyncadd.s32 $0xFFFF3C80  }
.LBB2_8:
0x7e: {  	v0 =	vld [tilespmem:s18+$0xFFFFFFC0];
	_ =	sdelay $0x7  }
0x7f: {  	v0 =	vld.idx.msk [tilespmem:v0+s14+$0x0], $0xffff;
	_ =	sdelay $0x4  }
0x80: {  	[tilespmem:s19+$0xFFFFFFC0] =	vst v0  }
0x81: {  	v0 =	vld [tilespmem:s18+$0xFFFFFFD0];
	_ =	sdelay $0x7  }
0x82: {  	v0 =	vld.idx.msk [tilespmem:v0+s14+$0x0], $0xffff;
	_ =	sdelay $0x4  }
0x83: {  	[tilespmem:s19+$0xFFFFFFD0] =	vst v0  }
0x84: {  	v0 =	vld [tilespmem:s18+$0xFFFFFFE0];
	_ =	sdelay $0x7  }
0x85: {  	v0 =	vld.idx.msk [tilespmem:v0+s14+$0x0], $0xffff;
	_ =	sdelay $0x4  }
0x86: {  	[tilespmem:s19+$0xFFFFFFE0] =	vst v0  }
0x87: {  	v0 =	vld [tilespmem:s18+$0xFFFFFFF0];
	_ =	sdelay $0x7  }
0x88: {  	v0 =	vld.idx.msk [tilespmem:v0+s14+$0x0], $0xffff;
	_ =	sdelay $0x4  }
0x89: {  	[tilespmem:s19+$0xFFFFFFF0] =	vst v0  }
0x8a: {  	v0 =	vld [tilespmem:s18+$0x0];
	_ =	sdelay $0x7  }
0x8b: {  	v0 =	vld.idx.msk [tilespmem:v0+s14+$0x0], $0xffff;
	_ =	sdelay $0x4  }
0x8c: {  	[tilespmem:s19+$0x0] =	vst v0  }
0x8d: {  	v0 =	vld [tilespmem:s18+$0x10];
	_ =	sdelay $0x7  }
0x8e: {  	v0 =	vld.idx.msk [tilespmem:v0+s14+$0x0], $0xffff;
	_ =	sdelay $0x4  }
0x8f: {  	[tilespmem:s19+$0x10] =	vst v0  }
0x90: {  	v0 =	vld [tilespmem:s18+$0x20];
	_ =	sdelay $0x7  }
0x91: {  	v0 =	vld.idx.msk [tilespmem:v0+s14+$0x0], $0xffff;
	_ =	sdelay $0x4  }
0x92: {  	[tilespmem:s19+$0x20] =	vst v0  }
0x93: {  	v0 =	vld [tilespmem:s18+$0x30];
	_ =	sdelay $0x6  }
0x94: {  	s17 =	sadd.s32 $0x8, s17  }
0x95: {  	p0 =	slt.u32 s17, $0x338;
	v0 =	vld.idx.msk [tilespmem:v0+s14+$0x0], $0xffff  }
.Ltmp3:
0x96: {  	_ = 	snop;
	(pc) =	sbr.rel @p0 .LBB2_8-.Ltmp3, $2  }
0x97: {  	_ =	sdelay $0x2  }
0x98: {  	s18 =	sadd.s32 $0x80, s18;
	[tilespmem:s19+$0x30] =	vst v0;
	s19 =	sadd.s32 $0x80, s19  }
0x99: {  	s16 =	sadd.s32 $0x1, s16  }
0x9a: {  	p0 =	sne.s32 s16, s12  }
.Ltmp4:
0x9b: {  	_ = 	snop;
	(pc) =	sbr.rel @p0 .LBB2_1-.Ltmp4, $4  }
0x9c: {  	[hbm4b:s11+s6] =	stream.linear.scatter [tilespmem:s15], [sflag:$0x1], $0x3400, $0x38;
	[tilespmem:$0x12B80] =	vst v63  }
0x9d: {  	_ =	swait.ge [sflag:s13], $0x3400  }
0x9e: {  	[sflag:s13] =	ssyncset.done $0x0  }
0x9f: {  	[sflag:s13] =	ssyncadd.s32 $0xFFFFCC00  }
0xa0: {  	_ =	sfence.sel $0x180000  }
0xa1: {  	[bflag:$0x0] =	sbarrier.arrive $0xFFFF  }
0xa2: {  	p0 =	sne.s32 s0, $0x0;
	_ =	strace $0x90000047  }
0xa3: {  	s0 =	sadd.s32 @!p0 $0x100000, s3;
	[bflag:$0x2] =	sbarrier.arrive $0xFFFF  }
0xa4: {  	[sflag:s0] =	ssyncadd.tile.s32 @!p0 $0x1;
	_ =	shalt  }
.Lfunc_end2:
_tile_overlayer_lowered:
.L_overlay_start_2:
0xa5: {  	(tag) =	ssettag $0x2  }
0xa6: {  	s0 =	rddreg [dreg:$0x0];
	s2 =	stileid.u32  }
0xa7: {  	s1 =	rddreg [dreg:$0x1];
	p0 =	sne.s32 s2, $0x0  }
0xa8: {  	s3 =	rddreg [dreg:$0x2];
	[bflag:$0x3] =	sbarrier.arrive $0xFFFF;
	s2 =	simm.s32 @!p0 $0x1C01  }
0xa9: {  	[timem:s3], [sflag:s2] =	dma.local @!p0 [hbm:s0], s1  }
0xaa: {  	s0 =	simm.s32 @!p0 $0x1  }
0xab: {  	_ =	swait.ge @!p0 [sflag:s0], s1  }
0xac: {  	s1 =	ssub.s32 @!p0 $0x0, s1;
	[sflag:s0] =	ssyncset.done @!p0 $0x0  }
0xad: {  	[sflag:s0] =	ssyncadd.s32 @!p0 s1  }
0xae: {  	[bflag:$0x3] =	sbarrier.arrive $0xFFFF  }
0xaf: {  	_ =	shalt  }

// kernel: kernel.7.cloned.1.call-start
scs
__scs_entry_jumppad:
0x0: {  	(pc) =	sbr.rel $0x88, $3  }
0x1: {  	(tag) =	ssettag $0x0;
	lr =	simm.s32 $0x1  }
0x2: {  	[smem:$0x3F9A] =	sst lr;
	_ =	strace $0xD0000000  }
0x3: {  	_ = 	snop  }
0x4: {  	_ = 	snop  }
0x5: {  	_ = 	snop  }
0x6: {  	_ = 	snop  }
0x7: {  	_ = 	snop  }
__scs_overlays_trampoline_lowered:
0x8: {  	[smem:$0x3FA9] =	sst s0  }
0x9: {  	[smem:$0x3FAA] =	sst s1  }
0xa: {  	[smem:$0x3FAB] =	sst s2  }
0xb: {  	[smem:$0x3FAC] =	sst s3  }
0xc: {  	[smem:$0x3FAD] =	sst s4  }
0xd: {  	[smem:$0x3FAE] =	sst s5  }
0xe: {  	[smem:$0x3FAF] =	sst s6  }
0xf: {  	[smem:$0x3FB0] =	sst s7  }
0x10: {  	[smem:$0x3FB1] =	sst s8  }
0x11: {  	[smem:$0x3FB2] =	sst s9;
	s0 =	simm.s32 @!p0 $0x0  }
0x12: {  	s1 =	sld [smem:$0x3F98];
	s0 =	simm.s32 @p0 $0x1  }
0x13: {  	[smem:$0x3FB3] =	sst s0;
	s0 =	simm.s32 @!p1 $0x0  }
0x14: {  	s2 =	sld [smem:$0x3F97];
	s0 =	simm.s32 @p1 $0x1  }
0x15: {  	[smem:$0x3FB4] =	sst s0;
	s0 =	simm.s32 @!p2 $0x0  }
0x16: {  	s3 =	sld [smem:$0x3FDB];
	s0 =	simm.s32 @p2 $0x1  }
0x17: {  	s4 =	simm.s32 $0x1BF5;
	[smem:$0x3FB6] =	sst s0  }
0x18: {  	s0 =	sld [smem:$0x3F99];
	_ =	swait.ge [sflag:s4], $0x0  }
0x19: {  	s7 =	sld [smem:$0x3F9A]  }
0x1a: {  	s8 =	sadd.s32 $0xFFFFE003, lr  }
0x1b: {  	s9 =	sadd.s32 $0xFFFFFEF7, lr;
	s5 =	simm.s32 $0xFFFFFFFF;
	p2 =	slt.u32 s8, $0xFFFFF086  }
0x1c: {  	p1 =	slt.u32 s9, $0xF7A;
	s5 =	simm.s32 @!p2 $0x0  }
0x1d: {  	s5 =	simm.s32 @p1 $0x1;
	p0 =	seq.s32 s7, s2  }
0x1e: {  	s7 =	smul.u32 @!p0 $0xF7A, s2;
	p2 =	seq.s32 @!p0 s5, $0x0  }
0x1f: {  	s9 =	smul.u32 $0xF7A, s1;
	s8 =	simm.s32 @!p0 $0x1BF5;
	p2 =	por !p2, p0  }
0x20: {  	[sflag:s8] =	ssyncset.s32 @!p0 $0xFFFFF086;
	s6 =	sadd.s32 @!p0 s3, s7;
	s7 =	simm.s32 @!p0 $0x108  }
0x21: {  	s3 =	sadd.s32 s3, s9;
	s6 =	sadd.s32 @!p0 $0x88, s6;
	s7 =	simm.s32 @p2 $0x1082  }
0x22: {  	[simem:s7], [sflag:s8] =	dma.local @!p0 [hbm:s6], $0xF7A  }
0x23: {  	s9 =	sor.u32 $0xD0000000, s2;
	s6 =	simm.s32 $0x108;
	_ =	swait.ge @!p0 [sflag:s8], $0x0  }
0x24: {  	s3 =	sadd.s32 $0x88, s3;
	s6 =	simm.s32 @!p1 $0x1082;
	[sflag:s4] =	ssyncset.s32 $0xFFFFF086  }
0x25: {  	[simem:s6], [sflag:s4] =	dma.local [hbm:s3], $0xF7A  }
0x26: {  	[smem:$0x3F9A] =	sst s1;
	(tag) =	ssettag s2;
	_ =	strace s9  }
0x27: {  	s1 =	sld [smem:$0x3FAA]  }
0x28: {  	s2 =	sld [smem:$0x3FAB]  }
0x29: {  	s4 =	sld [smem:$0x3FAD]  }
0x2a: {  	p0 =	seq.s32 s5, $0x0;
	s5 =	sld [smem:$0x3FAE]  }
0x2b: {  	s6 =	sld [smem:$0x3FAF]  }
0x2c: {  	s7 =	sld [smem:$0x3FB0]  }
0x2d: {  	s3 =	simm.s32 $0x108;
	s8 =	sld [smem:$0x3FB1]  }
0x2e: {  	s3 =	simm.s32 @!p0 $0x1082;
	s9 =	sld [smem:$0x3FB2]  }
0x2f: {  	lr =	sadd.s32 s0, s3;
	s0 =	sld [smem:$0x3FA9]  }
0x30: {  	s3 =	sld [smem:$0x3FAC]  }
0x31: {  	[smem:$0x3FB5] =	sst s10  }
0x32: {  	s10 =	sld [smem:$0x3FB3];
	_ =	sdelay $0x3  }
0x33: {  	p0 =	seq.s32 s10, $0x1;
	s10 =	sld [smem:$0x3FB5];
	_ =	sdelay $0x3  }
0x34: {  	[smem:$0x3FB5] =	sst s10  }
0x35: {  	s10 =	sld [smem:$0x3FB4];
	_ =	sdelay $0x3  }
0x36: {  	p1 =	seq.s32 s10, $0x1;
	s10 =	sld [smem:$0x3FB5];
	_ =	sdelay $0x3  }
0x37: {  	[smem:$0x3FB5] =	sst s10  }
0x38: {  	s10 =	sld [smem:$0x3FB6]  }
0x39: {  	_ = 	snop;
	(pc) =	sbr.ind lr, $3  }
0x3a: {  	_ = 	snop  }
0x3b: {  	_ = 	snop  }
0x3c: {  	p2 =	seq.s32 s10, $0x1;
	s10 =	sld [smem:$0x3FB5]  }
0x3d: {  	_ =	shalt  }
0x3e: {  	_ =	shalt  }
0x3f: {  	_ =	shalt  }
0x40: {  	_ =	shalt  }
0x41: {  	_ =	shalt  }
0x42: {  	_ =	shalt  }
0x43: {  	_ =	shalt  }
0x44: {  	_ =	shalt  }
0x45: {  	_ =	shalt  }
0x46: {  	_ =	shalt  }
0x47: {  	_ =	shalt  }
0x48: {  	_ =	shalt  }
0x49: {  	_ =	shalt  }
0x4a: {  	_ =	shalt  }
0x4b: {  	_ =	shalt  }
0x4c: {  	_ =	shalt  }
0x4d: {  	_ =	shalt  }
0x4e: {  	_ =	shalt  }
0x4f: {  	_ =	shalt  }
0x50: {  	_ =	shalt  }
0x51: {  	_ =	shalt  }
0x52: {  	_ =	shalt  }
0x53: {  	_ =	shalt  }
0x54: {  	_ =	shalt  }
0x55: {  	_ =	shalt  }
0x56: {  	_ =	shalt  }
0x57: {  	_ =	shalt  }
0x58: {  	_ =	shalt  }
0x59: {  	_ =	shalt  }
0x5a: {  	_ =	shalt  }
0x5b: {  	_ =	shalt  }
0x5c: {  	_ =	shalt  }
0x5d: {  	_ =	shalt  }
0x5e: {  	_ =	shalt  }
0x5f: {  	_ =	shalt  }
0x60: {  	_ =	shalt  }
0x61: {  	_ =	shalt  }
0x62: {  	_ =	shalt  }
0x63: {  	_ =	shalt  }
0x64: {  	_ =	shalt  }
0x65: {  	_ =	shalt  }
0x66: {  	_ =	shalt  }
0x67: {  	_ =	shalt  }
0x68: {  	_ =	shalt  }
0x69: {  	_ =	shalt  }
0x6a: {  	_ =	shalt  }
0x6b: {  	_ =	shalt  }
0x6c: {  	_ =	shalt  }
0x6d: {  	_ =	shalt  }
0x6e: {  	_ =	shalt  }
0x6f: {  	_ =	shalt  }
0x70: {  	_ =	shalt  }
0x71: {  	_ =	shalt  }
0x72: {  	_ =	shalt  }
0x73: {  	_ =	shalt  }
0x74: {  	_ =	shalt  }
0x75: {  	_ =	shalt  }
0x76: {  	_ =	shalt  }
0x77: {  	_ =	shalt  }
0x78: {  	_ =	shalt  }
0x79: {  	_ =	shalt  }
0x7a: {  	_ =	shalt  }
0x7b: {  	_ =	shalt  }
0x7c: {  	_ =	shalt  }
0x7d: {  	_ =	shalt  }
0x7e: {  	_ =	shalt  }
0x7f: {  	_ =	shalt  }
0x80: {  	_ =	shalt  }
0x81: {  	_ =	shalt  }
0x82: {  	_ =	shalt  }
0x83: {  	_ =	shalt  }
0x84: {  	_ =	shalt  }
0x85: {  	_ =	shalt  }
0x86: {  	_ =	shalt  }
0x87: {  	_ =	shalt  }
.Lfunc_end0:
.L_simem_size_0:
called_computation_lowered:
.L_overlay_start_0:
0x88: {  	s2 =	sld [smem:$0x3FD9]  }
0x89: {  	s3 =	sld [smem:$0x3FFE];
	_ =	sdelay $0x1  }
0x8a: {  	s1 =	srdreg.scid  }
0x8b: {  	s0 =	sand.u32 $0x1, s1  }
0x8c: {  	s15 =	sshll.u32 s0, $0xA;
	s2 =	sadd.s32 s3, s2  }
0x8d: {  	s2 =	sadd.s32 s2, s15  }
0x8e: {  	[smem:$0x3FC1] =	sst s2  }
0x8f: {  	_ = 	snop  }
0x90: {  	s16 =	sld [smem:$0x3FD0];
	_ =	sdelay $0x2  }
0x91: {  	s5 =	simm.s32 $0xB;
	s4 =	simm.s32 $0x10;
	s2 =	sld [smem:$0x3FC6]  }
0x92: {  	[smem:s4], [sflag:s5] =	dma.local [hbm:s16], $0x1  }
0x93: {  	_ =	swait.eq [sflag:s5], $0x1  }
0x94: {  	s17 =	sld [smem:$0x10];
	[sflag:s5] =	ssyncset.done $0x0  }
0x95: {  	s6 =	sld [smem:$0x11];
	[sflag:s5] =	ssyncadd.s32 $0xFFFFFFFF  }
0x96: {  	s18 =	sld [smem:$0x12];
	(tm) =	ssettm $0x1  }
0x97: {  	s19 =	sld [smem:$0x3FFB];
	_ =	sdelay $0x3  }
0x98: {  	_ =	strace s19  }
0x99: {  	s3 =	sld [smem:$0x3FFC];
	_ =	sdelay $0x3  }
0x9a: {  	_ =	strace s3  }
0x9b: {  	s3 =	sld [smem:$0x3FFD];
	_ =	sdelay $0x3  }
0x9c: {  	_ =	strace s3  }
0x9d: {  	_ =	strace $0x8FFFFFFF  }
0x9e: {  	s20 =	sld [smem:$0x3FDB];
	_ =	sdelay $0x1  }
0x9f: {  	s7 =	simm.s32 $_scs_section_size  }
0xa0: {  	s8 =	simm.s32 $_size__tile_overlayer_lowered;
	s9 =	simm.s32 $_tile_overlayer_lowered  }
0xa1: {  	s10 =	simm.s32 $0x1BFF;
	s21 =	sshll.u32 s9, $0x1;
	s7 =	sadd.s32 s7, s20  }
0xa2: {  	s22 =	simm.s32 $0x0;
	s8 =	sshll.u32 s8, $0x1;
	s9 =	sadd.s32 s21, s7  }
0xa3: {  	[timem:s22], [sflag:s10] =	dma.local [hbm:s9], s8  }
0xa4: {  	_ =	swait.ge [sflag:s10], s8  }
0xa5: {  	s8 =	ssub.s32 $0x0, s8;
	[sflag:s10] =	ssyncset.done $0x0  }
0xa6: {  	[sflag:s10] =	ssyncadd.s32 s8;
	_ =	sdelay $0x1  }
0xa7: {  	s23 =	simm.s32 $0x1B8B  }
0xa8: {  	_ =	swait.ge [sflag:s23], $0x1  }
0xa9: {  	[sflag:s23] =	ssyncset.done $0x0  }
0xaa: {  	[sflag:s23] =	ssyncadd.s32 $0xFFFFFFFF  }
0xab: {  	s8 =	sld [smem:$0x0]  }
0xac: {  	s9 =	sand.u32 $0xFFFFFFFE, s1  }
0xad: {  	p0 =	sne.s32 s1, s9  }
0xae: {  	s9 =	sshll.u32 @p0 s9, $0xE  }
0xaf: {  	s9 =	sadd.s32 @p0 $0x11B8D, s9;
	s10 =	sshll.u32 @p0 s8, $0x11  }
0xb0: {  	s9 =	sor.u32 @p0 s10, s9  }
0xb1: {  	[sflag:s9] =	ssyncadd.remote.s32 @p0 $0x1;
	_ =	sdelay $0x1  }
0xb2: {  	s9 =	simm.s32 @p0 $0x1B8D  }
0xb3: {  	_ =	swait.eq @p0 [sflag:s9], $0x1  }
0xb4: {  	[sflag:s9] =	ssyncadd.s32 @p0 $0xFFFFFFFF  }
0xb5: {  	s10 =	sshll.u32 @!p0 s1, $0xE  }
0xb6: {  	s10 =	sor.u32 @!p0 $0x4000, s10;
	s9 =	simm.s32 @!p0 $0x1B8D  }
0xb7: {  	s8 =	sshll.u32 @!p0 s8, $0x11;
	s10 =	sadd.s32 @!p0 $0x11B8D, s10;
	_ =	swait.eq @!p0 [sflag:s9], $0x1  }
0xb8: {  	s8 =	sor.u32 @!p0 s8, s10;
	[sflag:s9] =	ssyncadd.s32 @!p0 $0xFFFFFFFF  }
0xb9: {  	s25 =	simm.s32 $0x1B8E;
	s24 =	sld [smem:$0x3FFE];
	[sflag:s8] =	ssyncadd.remote.s32 @!p0 $0x1  }
0xba: {  	s26 =	simm.s32 $execute0_lowered;
	[smem:$0x3FD2] =	sst s25  }
0xbb: {  	s9 =	sshll.u32 s26, $0x1;
	_ =	strace $0x80000049;
	[dreg:$0x1] =	wrdreg $0xFFFFFFFF  }
0xbc: {  	s28 =	simm.s32 $_size_execute0_lowered;
	s7 =	sadd.s32 s7, s9;
	[dreg:$0x0] =	wrdreg $0x0  }
0xbd: {  	s9 =	sshll.u32 s28, $0x1;
	[dreg:$0x2] =	wrdreg s7  }
0xbe: {  	[dreg:$0x3] =	wrdreg s9  }
0xbf: {  	[dreg:$0x4] =	wrdreg $0xC0  }
0xc0: {  	_ =	task [dreg:s22], $0x5FFFF  }
0xc1: {  	[dreg:$0x1] =	wrdreg $0xFFFFFFFF  }
0xc2: {  	[dreg:$0x0] =	wrdreg $0x60  }
0xc3: {  	[dreg:$0x2] =	wrdreg s24  }
0xc4: {  	[dreg:$0x3] =	wrdreg s17  }
0xc5: {  	[dreg:$0x4] =	wrdreg s6  }
0xc6: {  	[dreg:$0x5] =	wrdreg s2  }
0xc7: {  	[dreg:$0x6] =	wrdreg s18  }
0xc8: {  	[dreg:$0x7] =	wrdreg $0x9  }
0xc9: {  	_ =	task.clear_ibuf [dreg:s22], $0x8FFFF;
	_ =	strace $0x90000049  }
0xca: {  	s29 =	simm.s32 $0x9;
	_ =	strace $0x8000004B  }
0xcb: {  	_ =	swait.ge [sflag:s29], $0x1  }
0xcc: {  	[sflag:s29] =	ssyncadd.s32 $0xFFFFFFFF  }
0xcd: {  	_ =	strace $0x9000004B  }
0xce: {  	_ =	sfence  }
0xcf: {  	s30 =	sld [smem:$0x0];
	_ =	sdelay $0x2  }
0xd0: {  	s31 =	sshll.u32 s1, $0xD;
	s1 =	sshrl.u32 s1, $0x2  }
0xd1: {  	s4 =	sand.u32 $0x4000, s31;
	s1 =	sadd.s32 s1, s30  }
0xd2: {  	s0 =	sor.u32 s4, s0;
	s1 =	sshll.u32 s1, $0x11  }
0xd3: {  	s0 =	sor.u32 s1, s0  }
0xd4: {  	s0 =	sadd.s32 $0x8F2B, s0  }
0xd5: {  	[sflag:s0] =	ssyncadd.remote.s32 $0x1  }
0xd6: {  	_ =	sfence.sel $0xFFFF  }
0xd7: {  	[dreg:$0x0] =	wrdreg $0xFFFFFFFF;
	(pc) =	sbr.abs _section_cstart, $3  }
0xd8: {  	[dreg:$0x1] =	wrdreg $0xFFFFFFFF  }
0xd9: {  	_ =	task.clear_ibuf [dreg:s22], $0x2FFFF;
	_ =	strace $0x9FFFFFFF  }
0xda: {  	(tm) =	ssettm $0x7FFFFFFF  }
0xdb: {  	_ =	shalt  }
tec
execute0_lowered:
.L_overlay_start_1:
0x0: {  	(tag) =	ssettag $0x1  }
0x1: {  	s7 =	rddreg [dreg:$0x0]  }
0x2: {  	s1 =	rddreg [dreg:$0x1]  }
0x3: {  	s2 =	rddreg [dreg:$0x2]  }
0x4: {  	s3 =	srdreg.scid;
	s4 =	rddreg [dreg:$0x3]  }
0x5: {  	s0 =	stileid.u32;
	s5 =	rddreg [dreg:$0x4];
	s6 =	simm.s32 $0x0  }
0x6: {  	s13 =	simm.s32 $0x1;
	s8 =	sand.u32 $0x1, s3;
	s30 =	sshll.u32 s0, $0x1  }
0x7: {  	s14 =	simm.s32 $0x3400;
	s15 =	simm.s32 $0xF780;
	s3 =	sor.u32 s8, s30  }
0x8: {  	[smem:$0x7FF] =	sst s6;
	s8 =	ssub.s32 $0x2, s8;
	s9 =	smul.u32 $0x680, s3  }
0x9: {  	s16 =	simm.s32 $0x0;
	s3 =	rddreg [dreg:$0x5];
	s31 =	sshrl.u32 s8, $0x1  }
0xa: {  	_ =	strace $0x8000004A;
	s12 =	ssub.s32 s8, s31;
	s11 =	sadd.s32 s9, s7  }
0xb: {  	s12 =	smax.u32 s12, $0x1;
	s7 =	sadd.s32 $0x44800, s11;
	s8 =	sadd.s32 $0x51800, s11  }
0xc: {  	s9 =	sadd.s32 $0x5E800, s11;
	s10 =	sadd.s32 $0x6B800, s11;
	s11 =	sadd.s32 $0x78800, s11  }
.LBB2_1:
0xd: {  	[tilespmem:s6], [sflag:$0x1] =	stream.linear.gather [hbm4b:s7+s6], $0x3400, $0x38;
	[tilespmem:$0x12B80] =	vst v63  }
0xe: {  	_ =	swait.ge [sflag:s13], $0x3400  }
0xf: {  	[sflag:s13] =	ssyncset.done $0x0  }
0x10: {  	[sflag:s13] =	ssyncadd.s32 $0xFFFFCC00  }
0x11: {  	[tilespmem:s14], [sflag:$0x1] =	stream.linear.gather [hbm4b:s1+s6], $0xC380, $0x38;
	[tilespmem:$0x12B80] =	vst v63  }
0x12: {  	_ =	swait.ge [sflag:s13], $0xC380  }
0x13: {  	s17 =	simm.s32 $0xFFFFFFF8;
	[sflag:s13] =	ssyncset.done $0x0  }
0x14: {  	s18 =	simm.s32 $0x40;
	s19 =	simm.s32 $0xF7C0;
	[sflag:s13] =	ssyncadd.s32 $0xFFFF3C80  }
.LBB2_2:
0x15: {  	v0 =	vld [tilespmem:s18+$0xFFFFFFC0];
	_ =	sdelay $0x7  }
0x16: {  	v0 =	vld.idx.msk [tilespmem:v0+s14+$0x0], $0xffff;
	_ =	sdelay $0x4  }
0x17: {  	[tilespmem:s19+$0xFFFFFFC0] =	vst v0  }
0x18: {  	v0 =	vld [tilespmem:s18+$0xFFFFFFD0];
	_ =	sdelay $0x7  }
0x19: {  	v0 =	vld.idx.msk [tilespmem:v0+s14+$0x0], $0xffff;
	_ =	sdelay $0x4  }
0x1a: {  	[tilespmem:s19+$0xFFFFFFD0] =	vst v0  }
0x1b: {  	v0 =	vld [tilespmem:s18+$0xFFFFFFE0];
	_ =	sdelay $0x7  }
0x1c: {  	v0 =	vld.idx.msk [tilespmem:v0+s14+$0x0], $0xffff;
	_ =	sdelay $0x4  }
0x1d: {  	[tilespmem:s19+$0xFFFFFFE0] =	vst v0  }
0x1e: {  	v0 =	vld [tilespmem:s18+$0xFFFFFFF0];
	_ =	sdelay $0x7  }
0x1f: {  	v0 =	vld.idx.msk [tilespmem:v0+s14+$0x0], $0xffff;
	_ =	sdelay $0x4  }
0x20: {  	[tilespmem:s19+$0xFFFFFFF0] =	vst v0  }
0x21: {  	v0 =	vld [tilespmem:s18+$0x0];
	_ =	sdelay $0x7  }
0x22: {  	v0 =	vld.idx.msk [tilespmem:v0+s14+$0x0], $0xffff;
	_ =	sdelay $0x4  }
0x23: {  	[tilespmem:s19+$0x0] =	vst v0  }
0x24: {  	v0 =	vld [tilespmem:s18+$0x10];
	_ =	sdelay $0x7  }
0x25: {  	v0 =	vld.idx.msk [tilespmem:v0+s14+$0x0], $0xffff;
	_ =	sdelay $0x4  }
0x26: {  	[tilespmem:s19+$0x10] =	vst v0  }
0x27: {  	v0 =	vld [tilespmem:s18+$0x20];
	_ =	sdelay $0x7  }
0x28: {  	v0 =	vld.idx.msk [tilespmem:v0+s14+$0x0], $0xffff;
	_ =	sdelay $0x4  }
0x29: {  	[tilespmem:s19+$0x20] =	vst v0  }
0x2a: {  	v0 =	vld [tilespmem:s18+$0x30];
	_ =	sdelay $0x6  }
0x2b: {  	s17 =	sadd.s32 $0x8, s17  }
0x2c: {  	p0 =	slt.u32 s17, $0x338;
	v0 =	vld.idx.msk [tilespmem:v0+s14+$0x0], $0xffff  }
.Ltmp0:
0x2d: {  	_ = 	snop;
	(pc) =	sbr.rel @p0 .LBB2_2-.Ltmp0, $2  }
0x2e: {  	_ =	sdelay $0x2  }
0x2f: {  	s18 =	sadd.s32 $0x80, s18;
	[tilespmem:s19+$0x30] =	vst v0;
	s19 =	sadd.s32 $0x80, s19  }
0x30: {  	[hbm4b:s8+s6] =	stream.linear.scatter [tilespmem:s15], [sflag:$0x1], $0x3400, $0x38;
	[tilespmem:$0x12B80] =	vst v63  }
0x31: {  	_ =	swait.ge [sflag:s13], $0x3400  }
0x32: {  	[sflag:s13] =	ssyncset.done $0x0  }
0x33: {  	[sflag:s13] =	ssyncadd.s32 $0xFFFFCC00  }
0x34: {  	[tilespmem:s14], [sflag:$0x1] =	stream.linear.gather [hbm4b:s2+s6], $0xC380, $0x38;
	[tilespmem:$0x12B80] =	vst v63  }
0x35: {  	_ =	swait.ge [sflag:s13], $0xC380  }
0x36: {  	s17 =	simm.s32 $0xFFFFFFF8;
	[sflag:s13] =	ssyncset.done $0x0  }
0x37: {  	s18 =	simm.s32 $0x40;
	s19 =	simm.s32 $0xF7C0;
	[sflag:s13] =	ssyncadd.s32 $0xFFFF3C80  }
.LBB2_4:
0x38: {  	v0 =	vld [tilespmem:s18+$0xFFFFFFC0];
	_ =	sdelay $0x7  }
0x39: {  	v0 =	vld.idx.msk [tilespmem:v0+s14+$0x0], $0xffff;
	_ =	sdelay $0x4  }
0x3a: {  	[tilespmem:s19+$0xFFFFFFC0] =	vst v0  }
0x3b: {  	v0 =	vld [tilespmem:s18+$0xFFFFFFD0];
	_ =	sdelay $0x7  }
0x3c: {  	v0 =	vld.idx.msk [tilespmem:v0+s14+$0x0], $0xffff;
	_ =	sdelay $0x4  }
0x3d: {  	[tilespmem:s19+$0xFFFFFFD0] =	vst v0  }
0x3e: {  	v0 =	vld [tilespmem:s18+$0xFFFFFFE0];
	_ =	sdelay $0x7  }
0x3f: {  	v0 =	vld.idx.msk [tilespmem:v0+s14+$0x0], $0xffff;
	_ =	sdelay $0x4  }
0x40: {  	[tilespmem:s19+$0xFFFFFFE0] =	vst v0  }
0x41: {  	v0 =	vld [tilespmem:s18+$0xFFFFFFF0];
	_ =	sdelay $0x7  }
0x42: {  	v0 =	vld.idx.msk [tilespmem:v0+s14+$0x0], $0xffff;
	_ =	sdelay $0x4  }
0x43: {  	[tilespmem:s19+$0xFFFFFFF0] =	vst v0  }
0x44: {  	v0 =	vld [tilespmem:s18+$0x0];
	_ =	sdelay $0x7  }
0x45: {  	v0 =	vld.idx.msk [tilespmem:v0+s14+$0x0], $0xffff;
	_ =	sdelay $0x4  }
0x46: {  	[tilespmem:s19+$0x0] =	vst v0  }
0x47: {  	v0 =	vld [tilespmem:s18+$0x10];
	_ =	sdelay $0x7  }
0x48: {  	v0 =	vld.idx.msk [tilespmem:v0+s14+$0x0], $0xffff;
	_ =	sdelay $0x4  }
0x49: {  	[tilespmem:s19+$0x10] =	vst v0  }
0x4a: {  	v0 =	vld [tilespmem:s18+$0x20];
	_ =	sdelay $0x7  }
0x4b: {  	v0 =	vld.idx.msk [tilespmem:v0+s14+$0x0], $0xffff;
	_ =	sdelay $0x4  }
0x4c: {  	[tilespmem:s19+$0x20] =	vst v0  }
0x4d: {  	v0 =	vld [tilespmem:s18+$0x30];
	_ =	sdelay $0x6  }
0x4e: {  	s17 =	sadd.s32 $0x8, s17  }
0x4f: {  	p0 =	slt.u32 s17, $0x338;
	v0 =	vld.idx.msk [tilespmem:v0+s14+$0x0], $0xffff  }
.Ltmp1:
0x50: {  	_ = 	snop;
	(pc) =	sbr.rel @p0 .LBB2_4-.Ltmp1, $2  }
0x51: {  	_ =	sdelay $0x2  }
0x52: {  	s18 =	sadd.s32 $0x80, s18;
	[tilespmem:s19+$0x30] =	vst v0;
	s19 =	sadd.s32 $0x80, s19  }
0x53: {  	[hbm4b:s9+s6] =	stream.linear.scatter [tilespmem:s15], [sflag:$0x1], $0x3400, $0x38;
	[tilespmem:$0x12B80] =	vst v63  }
0x54: {  	_ =	swait.ge [sflag:s13], $0x3400  }
0x55: {  	[sflag:s13] =	ssyncset.done $0x0  }
0x56: {  	[sflag:s13] =	ssyncadd.s32 $0xFFFFCC00  }
0x57: {  	[tilespmem:s14], [sflag:$0x1] =	stream.linear.gather [hbm4b:s4+s6], $0xC380, $0x38;
	[tilespmem:$0x12B80] =	vst v63  }
0x58: {  	_ =	swait.ge [sflag:s13], $0xC380  }
0x59: {  	s17 =	simm.s32 $0xFFFFFFF8;
	[sflag:s13] =	ssyncset.done $0x0  }
0x5a: {  	s18 =	simm.s32 $0x40;
	s19 =	simm.s32 $0xF7C0;
	[sflag:s13] =	ssyncadd.s32 $0xFFFF3C80  }
.LBB2_6:
0x5b: {  	v0 =	vld [tilespmem:s18+$0xFFFFFFC0];
	_ =	sdelay $0x7  }
0x5c: {  	v0 =	vld.idx.msk [tilespmem:v0+s14+$0x0], $0xffff;
	_ =	sdelay $0x4  }
0x5d: {  	[tilespmem:s19+$0xFFFFFFC0] =	vst v0  }
0x5e: {  	v0 =	vld [tilespmem:s18+$0xFFFFFFD0];
	_ =	sdelay $0x7  }
0x5f: {  	v0 =	vld.idx.msk [tilespmem:v0+s14+$0x0], $0xffff;
	_ =	sdelay $0x4  }
0x60: {  	[tilespmem:s19+$0xFFFFFFD0] =	vst v0  }
0x61: {  	v0 =	vld [tilespmem:s18+$0xFFFFFFE0];
	_ =	sdelay $0x7  }
0x62: {  	v0 =	vld.idx.msk [tilespmem:v0+s14+$0x0], $0xffff;
	_ =	sdelay $0x4  }
0x63: {  	[tilespmem:s19+$0xFFFFFFE0] =	vst v0  }
0x64: {  	v0 =	vld [tilespmem:s18+$0xFFFFFFF0];
	_ =	sdelay $0x7  }
0x65: {  	v0 =	vld.idx.msk [tilespmem:v0+s14+$0x0], $0xffff;
	_ =	sdelay $0x4  }
0x66: {  	[tilespmem:s19+$0xFFFFFFF0] =	vst v0  }
0x67: {  	v0 =	vld [tilespmem:s18+$0x0];
	_ =	sdelay $0x7  }
0x68: {  	v0 =	vld.idx.msk [tilespmem:v0+s14+$0x0], $0xffff;
	_ =	sdelay $0x4  }
0x69: {  	[tilespmem:s19+$0x0] =	vst v0  }
0x6a: {  	v0 =	vld [tilespmem:s18+$0x10];
	_ =	sdelay $0x7  }
0x6b: {  	v0 =	vld.idx.msk [tilespmem:v0+s14+$0x0], $0xffff;
	_ =	sdelay $0x4  }
0x6c: {  	[tilespmem:s19+$0x10] =	vst v0  }
0x6d: {  	v0 =	vld [tilespmem:s18+$0x20];
	_ =	sdelay $0x7  }
0x6e: {  	v0 =	vld.idx.msk [tilespmem:v0+s14+$0x0], $0xffff;
	_ =	sdelay $0x4  }
0x6f: {  	[tilespmem:s19+$0x20] =	vst v0  }
0x70: {  	v0 =	vld [tilespmem:s18+$0x30];
	_ =	sdelay $0x6  }
0x71: {  	s17 =	sadd.s32 $0x8, s17  }
0x72: {  	p0 =	slt.u32 s17, $0x338;
	v0 =	vld.idx.msk [tilespmem:v0+s14+$0x0], $0xffff  }
.Ltmp2:
0x73: {  	_ = 	snop;
	(pc) =	sbr.rel @p0 .LBB2_6-.Ltmp2, $2  }
0x74: {  	_ =	sdelay $0x2  }
0x75: {  	s18 =	sadd.s32 $0x80, s18;
	[tilespmem:s19+$0x30] =	vst v0;
	s19 =	sadd.s32 $0x80, s19  }
0x76: {  	[hbm4b:s10+s6] =	stream.linear.scatter [tilespmem:s15], [sflag:$0x1], $0x3400, $0x38;
	[tilespmem:$0x12B80] =	vst v63  }
0x77: {  	_ =	swait.ge [sflag:s13], $0x3400  }
0x78: {  	[sflag:s13] =	ssyncset.done $0x0  }
0x79: {  	[sflag:s13] =	ssyncadd.s32 $0xFFFFCC00  }
0x7a: {  	[tilespmem:s14], [sflag:$0x1] =	stream.linear.gather [hbm4b:s5+s6], $0xC380, $0x38;
	[tilespmem:$0x12B80] =	vst v63  }
0x7b: {  	_ =	swait.ge [sflag:s13], $0xC380  }
0x7c: {  	s17 =	simm.s32 $0xFFFFFFF8;
	[sflag:s13] =	ssyncset.done $0x0  }
0x7d: {  	s18 =	simm.s32 $0x40;
	s19 =	simm.s32 $0xF7C0;
	[sflag:s13] =	ssyncadd.s32 $0xFFFF3C80  }
.LBB2_8:
0x7e: {  	v0 =	vld [tilespmem:s18+$0xFFFFFFC0];
	_ =	sdelay $0x7  }
0x7f: {  	v0 =	vld.idx.msk [tilespmem:v0+s14+$0x0], $0xffff;
	_ =	sdelay $0x4  }
0x80: {  	[tilespmem:s19+$0xFFFFFFC0] =	vst v0  }
0x81: {  	v0 =	vld [tilespmem:s18+$0xFFFFFFD0];
	_ =	sdelay $0x7  }
0x82: {  	v0 =	vld.idx.msk [tilespmem:v0+s14+$0x0], $0xffff;
	_ =	sdelay $0x4  }
0x83: {  	[tilespmem:s19+$0xFFFFFFD0] =	vst v0  }
0x84: {  	v0 =	vld [tilespmem:s18+$0xFFFFFFE0];
	_ =	sdelay $0x7  }
0x85: {  	v0 =	vld.idx.msk [tilespmem:v0+s14+$0x0], $0xffff;
	_ =	sdelay $0x4  }
0x86: {  	[tilespmem:s19+$0xFFFFFFE0] =	vst v0  }
0x87: {  	v0 =	vld [tilespmem:s18+$0xFFFFFFF0];
	_ =	sdelay $0x7  }
0x88: {  	v0 =	vld.idx.msk [tilespmem:v0+s14+$0x0], $0xffff;
	_ =	sdelay $0x4  }
0x89: {  	[tilespmem:s19+$0xFFFFFFF0] =	vst v0  }
0x8a: {  	v0 =	vld [tilespmem:s18+$0x0];
	_ =	sdelay $0x7  }
0x8b: {  	v0 =	vld.idx.msk [tilespmem:v0+s14+$0x0], $0xffff;
	_ =	sdelay $0x4  }
0x8c: {  	[tilespmem:s19+$0x0] =	vst v0  }
0x8d: {  	v0 =	vld [tilespmem:s18+$0x10];
	_ =	sdelay $0x7  }
0x8e: {  	v0 =	vld.idx.msk [tilespmem:v0+s14+$0x0], $0xffff;
	_ =	sdelay $0x4  }
0x8f: {  	[tilespmem:s19+$0x10] =	vst v0  }
0x90: {  	v0 =	vld [tilespmem:s18+$0x20];
	_ =	sdelay $0x7  }
0x91: {  	v0 =	vld.idx.msk [tilespmem:v0+s14+$0x0], $0xffff;
	_ =	sdelay $0x4  }
0x92: {  	[tilespmem:s19+$0x20] =	vst v0  }
0x93: {  	v0 =	vld [tilespmem:s18+$0x30];
	_ =	sdelay $0x6  }
0x94: {  	s17 =	sadd.s32 $0x8, s17  }
0x95: {  	p0 =	slt.u32 s17, $0x338;
	v0 =	vld.idx.msk [tilespmem:v0+s14+$0x0], $0xffff  }
.Ltmp3:
0x96: {  	_ = 	snop;
	(pc) =	sbr.rel @p0 .LBB2_8-.Ltmp3, $2  }
0x97: {  	_ =	sdelay $0x2  }
0x98: {  	s18 =	sadd.s32 $0x80, s18;
	[tilespmem:s19+$0x30] =	vst v0;
	s19 =	sadd.s32 $0x80, s19  }
0x99: {  	s16 =	sadd.s32 $0x1, s16  }
0x9a: {  	p0 =	sne.s32 s16, s12  }
.Ltmp4:
0x9b: {  	_ = 	snop;
	(pc) =	sbr.rel @p0 .LBB2_1-.Ltmp4, $4  }
0x9c: {  	[hbm4b:s11+s6] =	stream.linear.scatter [tilespmem:s15], [sflag:$0x1], $0x3400, $0x38;
	[tilespmem:$0x12B80] =	vst v63  }
0x9d: {  	_ =	swait.ge [sflag:s13], $0x3400  }
0x9e: {  	[sflag:s13] =	ssyncset.done $0x0  }
0x9f: {  	[sflag:s13] =	ssyncadd.s32 $0xFFFFCC00  }
0xa0: {  	_ =	sfence.sel $0x180000  }
0xa1: {  	[bflag:$0x0] =	sbarrier.arrive $0xFFFF  }
0xa2: {  	p0 =	sne.s32 s0, $0x0;
	_ =	strace $0x9000004A  }
0xa3: {  	s0 =	sadd.s32 @!p0 $0x100000, s3;
	[bflag:$0x2] =	sbarrier.arrive $0xFFFF  }
0xa4: {  	[sflag:s0] =	ssyncadd.tile.s32 @!p0 $0x1;
	_ =	shalt  }
.Lfunc_end2:
_tile_overlayer_lowered:
.L_overlay_start_2:
0xa5: {  	(tag) =	ssettag $0x2  }
0xa6: {  	s0 =	rddreg [dreg:$0x0];
	s2 =	stileid.u32  }
0xa7: {  	s1 =	rddreg [dreg:$0x1];
	p0 =	sne.s32 s2, $0x0  }
0xa8: {  	s3 =	rddreg [dreg:$0x2];
	[bflag:$0x3] =	sbarrier.arrive $0xFFFF;
	s2 =	simm.s32 @!p0 $0x1C01  }
0xa9: {  	[timem:s3], [sflag:s2] =	dma.local @!p0 [hbm:s0], s1  }
0xaa: {  	s0 =	simm.s32 @!p0 $0x1  }
0xab: {  	_ =	swait.ge @!p0 [sflag:s0], s1  }
0xac: {  	s1 =	ssub.s32 @!p0 $0x0, s1;
	[sflag:s0] =	ssyncset.done @!p0 $0x0  }
0xad: {  	[sflag:s0] =	ssyncadd.s32 @!p0 s1  }
0xae: {  	[bflag:$0x3] =	sbarrier.arrive $0xFFFF  }
0xaf: {  	_ =	shalt  }

</sc_bundles>
